<compile_context>
chip_gen: v7x
topology: tpu7x:2x2x1
jax: 0.10.2.dev20260603
libtpu: 0.0.44.dev20260713+nightly
codegen_flags: <defaults>
</compile_context>

<pallas_src>
import functools

import jax
import jax.numpy as jnp
from jax import lax
from jax.experimental import pallas as pl
from jax.experimental.pallas import tpu as pltpu
from jax.experimental.pallas import tpu_sc as plsc

N = 10000
E = 320000
H = 128
NC = 2
NS = 16
NW = NC * NS
CH = 64
NSLOT = 5
NCH = 156
NREM = (E - NW * NCH * CH) // CH
NP = 10240
RPT = NP // NS


def _sc_scatter_body(ea_hbm, ei_hbm, out_hbm, ibuf, dbuf, acc_sh,
                     dsems, isems):
    c = lax.axis_index("c")
    s = lax.axis_index("s")
    wid = s * NC + c
    gb = wid * NCH

    def dsrc(g):
        return ea_hbm.at[0, pl.ds(g * CH, CH), :]

    def isrc(g):
        return ei_hbm.at[0, 0, pl.ds(g * CH, CH)]

    for b in range(1, NSLOT):
        pltpu.async_copy(dsrc(gb + b), dbuf.at[b], dsems.at[b])
        pltpu.async_copy(isrc(gb + b), ibuf.at[b], isems.at[b])
    pltpu.async_copy(isrc(gb), ibuf.at[0], isems.at[0])

    def zstore(i, _):
        dbuf[0, i // 8, pl.ds((i % 8) * 16, 16)] = jnp.zeros((16,), jnp.float32)
        return 0
    lax.fori_loop(0, CH * 8, zstore, 0)
    for j in range(RPT // CH):
        pltpu.sync_copy(dbuf.at[0], acc_sh.at[pl.ds(s * RPT + j * CH, CH), :])
    plsc.subcore_barrier()

    pltpu.async_copy(dsrc(gb), dbuf.at[0], dsems.at[0])

    def quad_body(i, _):
        for b in range(NSLOT):
            g = gb + NSLOT * i + b
            pltpu.make_async_copy(dsrc(g), dbuf.at[b], dsems.at[b]).wait()
            pltpu.make_async_copy(isrc(g), ibuf.at[b], isems.at[b]).wait()
            pltpu.sync_copy(dbuf.at[b], acc_sh.at[ibuf.at[b]], add=True)

            @pl.when(NSLOT * i + b + NSLOT < NCH)
            def _():
                pltpu.async_copy(dsrc(g + NSLOT), dbuf.at[b], dsems.at[b])
                pltpu.async_copy(isrc(g + NSLOT), ibuf.at[b], isems.at[b])
        return 0
    lax.fori_loop(0, (NCH - 1) // NSLOT, quad_body, 0)

    gl = gb + NCH - 1
    pltpu.make_async_copy(dsrc(gl), dbuf.at[0], dsems.at[0]).wait()
    pltpu.make_async_copy(isrc(gl), ibuf.at[0], isems.at[0]).wait()
    pltpu.sync_copy(dbuf.at[0], acc_sh.at[ibuf.at[0]], add=True)

    @pl.when(wid < NREM)
    def _():
        g = NW * NCH + wid
        pltpu.async_copy(dsrc(g), dbuf.at[0], dsems.at[0])
        pltpu.async_copy(isrc(g), ibuf.at[0], isems.at[0])
        pltpu.make_async_copy(dsrc(g), dbuf.at[0], dsems.at[0]).wait()
        pltpu.make_async_copy(isrc(g), ibuf.at[0], isems.at[0]).wait()
        pltpu.sync_copy(dbuf.at[0], acc_sh.at[ibuf.at[0]], add=True)

    plsc.subcore_barrier()

    pltpu.sync_copy(acc_sh.at[pl.ds(s * RPT, RPT), :],
                    out_hbm.at[c, pl.ds(s * RPT, RPT), :])


@functools.partial(
    pl.kernel,
    out_type=jax.ShapeDtypeStruct((NC, NP, H), jnp.float32),
    mesh=plsc.VectorSubcoreMesh(core_axis_name="c", subcore_axis_name="s"),
    scratch_types=[
        pltpu.VMEM((NSLOT, CH), jnp.int32),
        pltpu.VMEM((NSLOT, CH, H), jnp.float32),
        pltpu.VMEM_SHARED((NP, H), jnp.float32),
        pltpu.SemaphoreType.DMA((NSLOT,)),
        pltpu.SemaphoreType.DMA((NSLOT,)),
    ],
)
def _sc_scatter(ea_hbm, ei_hbm, out_hbm, ibuf, dbuf, acc_sh, dsems, isems):
    _sc_scatter_body(ea_hbm, ei_hbm, out_hbm, ibuf, dbuf, acc_sh,
                     dsems, isems)


BN = 2000


def _mlp_body(x_ref, p_ref, w1x_ref, w1e_ref, b1_ref, w2_ref,
              b2_ref, g_ref, bt_ref, o_ref):
    xb = x_ref[0]
    sb = p_ref[0] + p_ref[1]
    h = jnp.dot(xb, w1x_ref[...], preferred_element_type=jnp.float32)
    h = h + jnp.dot(sb, w1e_ref[...], preferred_element_type=jnp.float32)
    h = jnp.maximum(h + b1_ref[...], 0.0)
    o = jnp.dot(h, w2_ref[...], preferred_element_type=jnp.float32)
    o = o + b2_ref[...] + xb
    mu = jnp.mean(o, axis=-1, keepdims=True)
    d = o - mu
    var = jnp.mean(d * d, axis=-1, keepdims=True)
    o_ref[0] = d * lax.rsqrt(var + 1e-5) * g_ref[...] + bt_ref[...]


def _mlp(x, partial, w1x, w1e, b1, w2, b2, g, bt):
    full = pl.BlockSpec((H, H), lambda i: (0, 0))
    vec = pl.BlockSpec((1, H), lambda i: (0, 0))
    xrows = pl.BlockSpec((1, BN, H), lambda i: (0, i, 0))
    prows = pl.BlockSpec((2, BN, H), lambda i: (0, i, 0))
    return pl.pallas_call(
        _mlp_body,
        grid=(N // BN,),
        in_specs=[xrows, prows, full, full, vec, full, vec, vec, vec],
        out_specs=xrows,
        out_shape=jax.ShapeDtypeStruct((1, N, H), jnp.float32),
    )(x, partial, w1x, w1e, b1, w2, b2, g, bt)


def kernel(x, edge_index, edge_attr, W1, b1, W2, b2, gamma, beta):
    partial = _sc_scatter(edge_attr, edge_index)
    return _mlp(x, partial, W1[:H], W1[H:],
                b1.reshape(1, H), W2, b2.reshape(1, H),
                gamma.reshape(1, H), beta.reshape(1, H))

# --- scband reference (transcript-rebuilt; emitter-appended) ---
"""Pipeline reference for scband-node-model-49606872269481 (READ-ONLY COPY).

The authoritative reference and input builder live on the scoring server;
editing this copy changes nothing except your own understanding.
"""

import jax, jax.numpy as jnp
import numpy as np

B, N, E, H = 1, 10000, 320000, 128

def setup_inputs(seed: int = 0) -> dict:
    key = jax.random.key(seed)
    ks = jax.random.split(key, 8)
    x = jax.random.normal(ks[0], (B, N, H), dtype=jnp.float32)
    edge_index = jax.random.randint(ks[1], (B, 2, E), 0, N, dtype=jnp.int32)
    edge_attr = jax.random.normal(ks[2], (B, E, H), dtype=jnp.float32)
    W1 = jax.random.normal(ks[3], (2 * H, H), dtype=jnp.float32) * (1.0 / np.sqrt(2 * H))
    b1 = jnp.zeros((H,), dtype=jnp.float32)
    W2 = jax.random.normal(ks[4], (H, H), dtype=jnp.float32) * (1.0 / np.sqrt(H))
    b2 = jnp.zeros((H,), dtype=jnp.float32)
    gamma = jnp.ones((H,), dtype=jnp.float32)
    beta = jnp.zeros((H,), dtype=jnp.float32)
    return {"x": x, "edge_index": edge_index, "edge_attr": edge_attr,
            "W1": W1, "b1": b1, "W2": W2, "b2": b2, "gamma": gamma, "beta": beta}

def _layer_norm(z, gamma, beta, eps=1e-5):
    mu = jnp.mean(z, axis=-1, keepdims=True)
    var = jnp.mean((z - mu) ** 2, axis=-1, keepdims=True)
    return (z - mu) / jnp.sqrt(var + eps) * gamma + beta

def reference(x, edge_index, edge_attr, W1, b1, W2, b2, gamma, beta):
    # row, col = split(edge_index, [1,1], dim=1); row used as scatter dst index
    row = edge_index[:, 0, :]  # [B, E]
    Bn = x.shape[0]
    # scatter_sum(edge_attr, row expanded over hidden, dim=1, dim_size=N)
    edge_attr_sum = jnp.zeros_like(x).at[jnp.arange(Bn)[:, None], row].add(edge_attr)
    out = jnp.concatenate([x, edge_attr_sum], axis=-1)  # [B, N, 2H]
    out = jnp.maximum(out @ W1 + b1, 0.0)
    out = out @ W2 + b2
    out = out + x
    out = _layer_norm(out, gamma, beta)
    return out

if __name__ == "__main__":
    import jax
    _d = setup_inputs()
    print(jax.jit(kernel)(*tuple(_d.values())))

</pallas_src>

<mosaic_0001>
#map = affine_map<(d0, d1) -> (0, 0, 0)>
module attributes {stable_mosaic.version = 14 : i64} {
  func.func @_sc_scatter(%arg0: i32, %arg1: i32, %arg2: memref<1x320000x128xf32, #tpu.memory_space<hbm>>, %arg3: memref<1x2x320000xi32, #tpu.memory_space<hbm>>, %arg4: memref<2x10240x128xf32, #tpu.memory_space<hbm>>, %arg5: memref<5x64xi32, #tpu.memory_space<vmem>>, %arg6: memref<5x64x128xf32, #tpu.memory_space<vmem>>, %arg7: memref<10240x128xf32, #tpu.memory_space<vmem_shared>>, %arg8: memref<5x!tpu.dma_semaphore, #tpu.memory_space<semaphore_mem>>, %arg9: memref<5x!tpu.dma_semaphore, #tpu.memory_space<semaphore_mem>>) attributes {dimension_semantics = [#tpu.dimension_semantics<core_parallel>, #tpu.dimension_semantics<subcore_parallel>], iteration_bounds = array<i64: 2, 16>, scalar_prefetch = 0 : i64, scratch_operands = 5 : i64, tpu.core_type = #tpu.core_type<sc_vector_subcore>, window_params = [{transform_indices = #map}, {transform_indices = #map}, {transform_indices = #map}]} {
    %mul3A = arith.constant 2 : i32
    %mul3A_0 = arith.muli %arg1, %mul3A : i32
    %add3A = arith.addi %mul3A_0, %arg0 : i32
    %mul3A_1 = arith.constant 156 : i32
    %mul3A_2 = arith.muli %add3A, %mul3A_1 : i32
    %add3A_3 = arith.constant 1 : i32
    %add3A_4 = arith.addi %mul3A_2, %add3A_3 : i32
    %mul3A_5 = arith.constant 64 : i32
    %mul3A_6 = arith.muli %add3A_4, %mul3A_5 : i32
    %dma_start3A = arith.constant 0 : i32
    %dma_start3A_7 = arith.constant 1 : i32
    %dma_start3A_8 = arith.constant 1 : i32
    %dma_start3A_9 = arith.constant 0 : i32
    %dma_start3A_10 = arith.constant 0 : i32
    %dma_start3A_11 = tpu.memref_slice %arg6[%dma_start3A_7, %dma_start3A_9, %dma_start3A_10] : memref<5x64x128xf32, #tpu.memory_space<vmem>> -> memref<1x64x128xf32, #tpu.memory_space<vmem>>
    %dma_start3A_12 = tpu.memref_squeeze %dma_start3A_11 : memref<1x64x128xf32, #tpu.memory_space<vmem>> -> memref<64x128xf32, #tpu.memory_space<vmem>>
    %dma_start3A_13 = arith.constant 0 : i32
    %dma_start3A_14 = tpu.memref_slice %arg2[%dma_start3A, %mul3A_6, %dma_start3A_13] : memref<1x320000x128xf32, #tpu.memory_space<hbm>> -> memref<1x64x128xf32, #tpu.memory_space<hbm>>
    %dma_start3A_15 = tpu.memref_squeeze %dma_start3A_14 : memref<1x64x128xf32, #tpu.memory_space<hbm>> -> memref<64x128xf32, #tpu.memory_space<hbm>>
    %dma_start3A_16 = tpu.memref_slice %arg8[%dma_start3A_8] : memref<5x!tpu.dma_semaphore, #tpu.memory_space<semaphore_mem>> -> memref<1x!tpu.dma_semaphore, #tpu.memory_space<semaphore_mem>>
    %dma_start3A_17 = tpu.memref_squeeze %dma_start3A_16 : memref<1x!tpu.dma_semaphore, #tpu.memory_space<semaphore_mem>> -> memref<!tpu.dma_semaphore, #tpu.memory_space<semaphore_mem>>
    %dma_start3A_18 = arith.constant 0 : i32
    %dma_start3A_19 = arith.constant 0 : i32
    %dma_start3A_20 = tpu.memref_slice %arg6[%dma_start3A_7, %dma_start3A_18, %dma_start3A_19] : memref<5x64x128xf32, #tpu.memory_space<vmem>> -> memref<1x64x128xf32, #tpu.memory_space<vmem>>
    %dma_start3A_21 = tpu.memref_squeeze %dma_start3A_20 : memref<1x64x128xf32, #tpu.memory_space<vmem>> -> memref<64x128xf32, #tpu.memory_space<vmem>>
    %dma_start3A_22 = arith.constant 0 : i32
    %dma_start3A_23 = tpu.memref_slice %arg2[%dma_start3A, %mul3A_6, %dma_start3A_22] : memref<1x320000x128xf32, #tpu.memory_space<hbm>> -> memref<1x64x128xf32, #tpu.memory_space<hbm>>
    %dma_start3A_24 = tpu.memref_squeeze %dma_start3A_23 : memref<1x64x128xf32, #tpu.memory_space<hbm>> -> memref<64x128xf32, #tpu.memory_space<hbm>>
    tpu.enqueue_dma source(%dma_start3A_24 : memref<64x128xf32, #tpu.memory_space<hbm>>) target(%dma_start3A_21 : memref<64x128xf32, #tpu.memory_space<vmem>>) target_semaphore(%dma_start3A_17 : memref<!tpu.dma_semaphore, #tpu.memory_space<semaphore_mem>>)
    %add3A_25 = arith.constant 1 : i32
    %add3A_26 = arith.addi %mul3A_2, %add3A_25 : i32
    %mul3A_27 = arith.constant 64 : i32
    %mul3A_28 = arith.muli %add3A_26, %mul3A_27 : i32
    %dma_start3A_29 = arith.constant 0 : i32
    %dma_start3A_30 = arith.constant 0 : i32
    %dma_start3A_31 = arith.constant 1 : i32
    %dma_start3A_32 = arith.constant 1 : i32
    %dma_start3A_33 = arith.constant 0 : i32
    %dma_start3A_34 = tpu.memref_slice %arg5[%dma_start3A_31, %dma_start3A_33] : memref<5x64xi32, #tpu.memory_space<vmem>> -> memref<1x64xi32, #tpu.memory_space<vmem>>
    %dma_start3A_35 = tpu.memref_squeeze %dma_start3A_34 : memref<1x64xi32, #tpu.memory_space<vmem>> -> memref<64xi32, #tpu.memory_space<vmem>>
    %dma_start3A_36 = tpu.memref_slice %arg3[%dma_start3A_29, %dma_start3A_30, %mul3A_28] : memref<1x2x320000xi32, #tpu.memory_space<hbm>> -> memref<1x1x64xi32, #tpu.memory_space<hbm>>
    %dma_start3A_37 = tpu.memref_squeeze %dma_start3A_36 : memref<1x1x64xi32, #tpu.memory_space<hbm>> -> memref<64xi32, #tpu.memory_space<hbm>>
    %dma_start3A_38 = tpu.memref_slice %arg9[%dma_start3A_32] : memref<5x!tpu.dma_semaphore, #tpu.memory_space<semaphore_mem>> -> memref<1x!tpu.dma_semaphore, #tpu.memory_space<semaphore_mem>>
    %dma_start3A_39 = tpu.memref_squeeze %dma_start3A_38 : memref<1x!tpu.dma_semaphore, #tpu.memory_space<semaphore_mem>> -> memref<!tpu.dma_semaphore, #tpu.memory_space<semaphore_mem>>
    %dma_start3A_40 = arith.constant 0 : i32
    %dma_start3A_41 = tpu.memref_slice %arg5[%dma_start3A_31, %dma_start3A_40] : memref<5x64xi32, #tpu.memory_space<vmem>> -> memref<1x64xi32, #tpu.memory_space<vmem>>
    %dma_start3A_42 = tpu.memref_squeeze %dma_start3A_41 : memref<1x64xi32, #tpu.memory_space<vmem>> -> memref<64xi32, #tpu.memory_space<vmem>>
    %dma_start3A_43 = tpu.memref_slice %arg3[%dma_start3A_29, %dma_start3A_30, %mul3A_28] : memref<1x2x320000xi32, #tpu.memory_space<hbm>> -> memref<1x1x64xi32, #tpu.memory_space<hbm>>
    %dma_start3A_44 = tpu.memref_squeeze %dma_start3A_43 : memref<1x1x64xi32, #tpu.memory_space<hbm>> -> memref<64xi32, #tpu.memory_space<hbm>>
    tpu.enqueue_dma source(%dma_start3A_44 : memref<64xi32, #tpu.memory_space<hbm>>) target(%dma_start3A_42 : memref<64xi32, #tpu.memory_space<vmem>>) target_semaphore(%dma_start3A_39 : memref<!tpu.dma_semaphore, #tpu.memory_space<semaphore_mem>>)
    %add3A_45 = arith.constant 2 : i32
    %add3A_46 = arith.addi %mul3A_2, %add3A_45 : i32
    %mul3A_47 = arith.constant 64 : i32
    %mul3A_48 = arith.muli %add3A_46, %mul3A_47 : i32
    %dma_start3A_49 = arith.constant 0 : i32
    %dma_start3A_50 = arith.constant 2 : i32
    %dma_start3A_51 = arith.constant 2 : i32
    %dma_start3A_52 = arith.constant 0 : i32
    %dma_start3A_53 = arith.constant 0 : i32
    %dma_start3A_54 = tpu.memref_slice %arg6[%dma_start3A_50, %dma_start3A_52, %dma_start3A_53] : memref<5x64x128xf32, #tpu.memory_space<vmem>> -> memref<1x64x128xf32, #tpu.memory_space<vmem>>
    %dma_start3A_55 = tpu.memref_squeeze %dma_start3A_54 : memref<1x64x128xf32, #tpu.memory_space<vmem>> -> memref<64x128xf32, #tpu.memory_space<vmem>>
    %dma_start3A_56 = arith.constant 0 : i32
    %dma_start3A_57 = tpu.memref_slice %arg2[%dma_start3A_49, %mul3A_48, %dma_start3A_56] : memref<1x320000x128xf32, #tpu.memory_space<hbm>> -> memref<1x64x128xf32, #tpu.memory_space<hbm>>
    %dma_start3A_58 = tpu.memref_squeeze %dma_start3A_57 : memref<1x64x128xf32, #tpu.memory_space<hbm>> -> memref<64x128xf32, #tpu.memory_space<hbm>>
    %dma_start3A_59 = tpu.memref_slice %arg8[%dma_start3A_51] : memref<5x!tpu.dma_semaphore, #tpu.memory_space<semaphore_mem>> -> memref<1x!tpu.dma_semaphore, #tpu.memory_space<semaphore_mem>>
    %dma_start3A_60 = tpu.memref_squeeze %dma_start3A_59 : memref<1x!tpu.dma_semaphore, #tpu.memory_space<semaphore_mem>> -> memref<!tpu.dma_semaphore, #tpu.memory_space<semaphore_mem>>
    %dma_start3A_61 = arith.constant 0 : i32
    %dma_start3A_62 = arith.constant 0 : i32
    %dma_start3A_63 = tpu.memref_slice %arg6[%dma_start3A_50, %dma_start3A_61, %dma_start3A_62] : memref<5x64x128xf32, #tpu.memory_space<vmem>> -> memref<1x64x128xf32, #tpu.memory_space<vmem>>
    %dma_start3A_64 = tpu.memref_squeeze %dma_start3A_63 : memref<1x64x128xf32, #tpu.memory_space<vmem>> -> memref<64x128xf32, #tpu.memory_space<vmem>>
    %dma_start3A_65 = arith.constant 0 : i32
    %dma_start3A_66 = tpu.memref_slice %arg2[%dma_start3A_49, %mul3A_48, %dma_start3A_65] : memref<1x320000x128xf32, #tpu.memory_space<hbm>> -> memref<1x64x128xf32, #tpu.memory_space<hbm>>
    %dma_start3A_67 = tpu.memref_squeeze %dma_start3A_66 : memref<1x64x128xf32, #tpu.memory_space<hbm>> -> memref<64x128xf32, #tpu.memory_space<hbm>>
    tpu.enqueue_dma source(%dma_start3A_67 : memref<64x128xf32, #tpu.memory_space<hbm>>) target(%dma_start3A_64 : memref<64x128xf32, #tpu.memory_space<vmem>>) target_semaphore(%dma_start3A_60 : memref<!tpu.dma_semaphore, #tpu.memory_space<semaphore_mem>>)
    %add3A_68 = arith.constant 2 : i32
    %add3A_69 = arith.addi %mul3A_2, %add3A_68 : i32
    %mul3A_70 = arith.constant 64 : i32
    %mul3A_71 = arith.muli %add3A_69, %mul3A_70 : i32
    %dma_start3A_72 = arith.constant 0 : i32
    %dma_start3A_73 = arith.constant 0 : i32
    %dma_start3A_74 = arith.constant 2 : i32
    %dma_start3A_75 = arith.constant 2 : i32
    %dma_start3A_76 = arith.constant 0 : i32
    %dma_start3A_77 = tpu.memref_slice %arg5[%dma_start3A_74, %dma_start3A_76] : memref<5x64xi32, #tpu.memory_space<vmem>> -> memref<1x64xi32, #tpu.memory_space<vmem>>
    %dma_start3A_78 = tpu.memref_squeeze %dma_start3A_77 : memref<1x64xi32, #tpu.memory_space<vmem>> -> memref<64xi32, #tpu.memory_space<vmem>>
    %dma_start3A_79 = tpu.memref_slice %arg3[%dma_start3A_72, %dma_start3A_73, %mul3A_71] : memref<1x2x320000xi32, #tpu.memory_space<hbm>> -> memref<1x1x64xi32, #tpu.memory_space<hbm>>
    %dma_start3A_80 = tpu.memref_squeeze %dma_start3A_79 : memref<1x1x64xi32, #tpu.memory_space<hbm>> -> memref<64xi32, #tpu.memory_space<hbm>>
    %dma_start3A_81 = tpu.memref_slice %arg9[%dma_start3A_75] : memref<5x!tpu.dma_semaphore, #tpu.memory_space<semaphore_mem>> -> memref<1x!tpu.dma_semaphore, #tpu.memory_space<semaphore_mem>>
    %dma_start3A_82 = tpu.memref_squeeze %dma_start3A_81 : memref<1x!tpu.dma_semaphore, #tpu.memory_space<semaphore_mem>> -> memref<!tpu.dma_semaphore, #tpu.memory_space<semaphore_mem>>
    %dma_start3A_83 = arith.constant 0 : i32
    %dma_start3A_84 = tpu.memref_slice %arg5[%dma_start3A_74, %dma_start3A_83] : memref<5x64xi32, #tpu.memory_space<vmem>> -> memref<1x64xi32, #tpu.memory_space<vmem>>
    %dma_start3A_85 = tpu.memref_squeeze %dma_start3A_84 : memref<1x64xi32, #tpu.memory_space<vmem>> -> memref<64xi32, #tpu.memory_space<vmem>>
    %dma_start3A_86 = tpu.memref_slice %arg3[%dma_start3A_72, %dma_start3A_73, %mul3A_71] : memref<1x2x320000xi32, #tpu.memory_space<hbm>> -> memref<1x1x64xi32, #tpu.memory_space<hbm>>
    %dma_start3A_87 = tpu.memref_squeeze %dma_start3A_86 : memref<1x1x64xi32, #tpu.memory_space<hbm>> -> memref<64xi32, #tpu.memory_space<hbm>>
    tpu.enqueue_dma source(%dma_start3A_87 : memref<64xi32, #tpu.memory_space<hbm>>) target(%dma_start3A_85 : memref<64xi32, #tpu.memory_space<vmem>>) target_semaphore(%dma_start3A_82 : memref<!tpu.dma_semaphore, #tpu.memory_space<semaphore_mem>>)
    %add3A_88 = arith.constant 3 : i32
    %add3A_89 = arith.addi %mul3A_2, %add3A_88 : i32
    %mul3A_90 = arith.constant 64 : i32
    %mul3A_91 = arith.muli %add3A_89, %mul3A_90 : i32
    %dma_start3A_92 = arith.constant 0 : i32
    %dma_start3A_93 = arith.constant 3 : i32
    %dma_start3A_94 = arith.constant 3 : i32
    %dma_start3A_95 = arith.constant 0 : i32
    %dma_start3A_96 = arith.constant 0 : i32
    %dma_start3A_97 = tpu.memref_slice %arg6[%dma_start3A_93, %dma_start3A_95, %dma_start3A_96] : memref<5x64x128xf32, #tpu.memory_space<vmem>> -> memref<1x64x128xf32, #tpu.memory_space<vmem>>
    %dma_start3A_98 = tpu.memref_squeeze %dma_start3A_97 : memref<1x64x128xf32, #tpu.memory_space<vmem>> -> memref<64x128xf32, #tpu.memory_space<vmem>>
    %dma_start3A_99 = arith.constant 0 : i32
    %dma_start3A_100 = tpu.memref_slice %arg2[%dma_start3A_92, %mul3A_91, %dma_start3A_99] : memref<1x320000x128xf32, #tpu.memory_space<hbm>> -> memref<1x64x128xf32, #tpu.memory_space<hbm>>
    %dma_start3A_101 = tpu.memref_squeeze %dma_start3A_100 : memref<1x64x128xf32, #tpu.memory_space<hbm>> -> memref<64x128xf32, #tpu.memory_space<hbm>>
    %dma_start3A_102 = tpu.memref_slice %arg8[%dma_start3A_94] : memref<5x!tpu.dma_semaphore, #tpu.memory_space<semaphore_mem>> -> memref<1x!tpu.dma_semaphore, #tpu.memory_space<semaphore_mem>>
    %dma_start3A_103 = tpu.memref_squeeze %dma_start3A_102 : memref<1x!tpu.dma_semaphore, #tpu.memory_space<semaphore_mem>> -> memref<!tpu.dma_semaphore, #tpu.memory_space<semaphore_mem>>
    %dma_start3A_104 = arith.constant 0 : i32
    %dma_start3A_105 = arith.constant 0 : i32
    %dma_start3A_106 = tpu.memref_slice %arg6[%dma_start3A_93, %dma_start3A_104, %dma_start3A_105] : memref<5x64x128xf32, #tpu.memory_space<vmem>> -> memref<1x64x128xf32, #tpu.memory_space<vmem>>
    %dma_start3A_107 = tpu.memref_squeeze %dma_start3A_106 : memref<1x64x128xf32, #tpu.memory_space<vmem>> -> memref<64x128xf32, #tpu.memory_space<vmem>>
    %dma_start3A_108 = arith.constant 0 : i32
    %dma_start3A_109 = tpu.memref_slice %arg2[%dma_start3A_92, %mul3A_91, %dma_start3A_108] : memref<1x320000x128xf32, #tpu.memory_space<hbm>> -> memref<1x64x128xf32, #tpu.memory_space<hbm>>
    %dma_start3A_110 = tpu.memref_squeeze %dma_start3A_109 : memref<1x64x128xf32, #tpu.memory_space<hbm>> -> memref<64x128xf32, #tpu.memory_space<hbm>>
    tpu.enqueue_dma source(%dma_start3A_110 : memref<64x128xf32, #tpu.memory_space<hbm>>) target(%dma_start3A_107 : memref<64x128xf32, #tpu.memory_space<vmem>>) target_semaphore(%dma_start3A_103 : memref<!tpu.dma_semaphore, #tpu.memory_space<semaphore_mem>>)
    %add3A_111 = arith.constant 3 : i32
    %add3A_112 = arith.addi %mul3A_2, %add3A_111 : i32
    %mul3A_113 = arith.constant 64 : i32
    %mul3A_114 = arith.muli %add3A_112, %mul3A_113 : i32
    %dma_start3A_115 = arith.constant 0 : i32
    %dma_start3A_116 = arith.constant 0 : i32
    %dma_start3A_117 = arith.constant 3 : i32
    %dma_start3A_118 = arith.constant 3 : i32
    %dma_start3A_119 = arith.constant 0 : i32
    %dma_start3A_120 = tpu.memref_slice %arg5[%dma_start3A_117, %dma_start3A_119] : memref<5x64xi32, #tpu.memory_space<vmem>> -> memref<1x64xi32, #tpu.memory_space<vmem>>
    %dma_start3A_121 = tpu.memref_squeeze %dma_start3A_120 : memref<1x64xi32, #tpu.memory_space<vmem>> -> memref<64xi32, #tpu.memory_space<vmem>>
    %dma_start3A_122 = tpu.memref_slice %arg3[%dma_start3A_115, %dma_start3A_116, %mul3A_114] : memref<1x2x320000xi32, #tpu.memory_space<hbm>> -> memref<1x1x64xi32, #tpu.memory_space<hbm>>
    %dma_start3A_123 = tpu.memref_squeeze %dma_start3A_122 : memref<1x1x64xi32, #tpu.memory_space<hbm>> -> memref<64xi32, #tpu.memory_space<hbm>>
    %dma_start3A_124 = tpu.memref_slice %arg9[%dma_start3A_118] : memref<5x!tpu.dma_semaphore, #tpu.memory_space<semaphore_mem>> -> memref<1x!tpu.dma_semaphore, #tpu.memory_space<semaphore_mem>>
    %dma_start3A_125 = tpu.memref_squeeze %dma_start3A_124 : memref<1x!tpu.dma_semaphore, #tpu.memory_space<semaphore_mem>> -> memref<!tpu.dma_semaphore, #tpu.memory_space<semaphore_mem>>
    %dma_start3A_126 = arith.constant 0 : i32
    %dma_start3A_127 = tpu.memref_slice %arg5[%dma_start3A_117, %dma_start3A_126] : memref<5x64xi32, #tpu.memory_space<vmem>> -> memref<1x64xi32, #tpu.memory_space<vmem>>
    %dma_start3A_128 = tpu.memref_squeeze %dma_start3A_127 : memref<1x64xi32, #tpu.memory_space<vmem>> -> memref<64xi32, #tpu.memory_space<vmem>>
    %dma_start3A_129 = tpu.memref_slice %arg3[%dma_start3A_115, %dma_start3A_116, %mul3A_114] : memref<1x2x320000xi32, #tpu.memory_space<hbm>> -> memref<1x1x64xi32, #tpu.memory_space<hbm>>
    %dma_start3A_130 = tpu.memref_squeeze %dma_start3A_129 : memref<1x1x64xi32, #tpu.memory_space<hbm>> -> memref<64xi32, #tpu.memory_space<hbm>>
    tpu.enqueue_dma source(%dma_start3A_130 : memref<64xi32, #tpu.memory_space<hbm>>) target(%dma_start3A_128 : memref<64xi32, #tpu.memory_space<vmem>>) target_semaphore(%dma_start3A_125 : memref<!tpu.dma_semaphore, #tpu.memory_space<semaphore_mem>>)
    %add3A_131 = arith.constant 4 : i32
    %add3A_132 = arith.addi %mul3A_2, %add3A_131 : i32
    %mul3A_133 = arith.constant 64 : i32
    %mul3A_134 = arith.muli %add3A_132, %mul3A_133 : i32
    %dma_start3A_135 = arith.constant 0 : i32
    %dma_start3A_136 = arith.constant 4 : i32
    %dma_start3A_137 = arith.constant 4 : i32
    %dma_start3A_138 = arith.constant 0 : i32
    %dma_start3A_139 = arith.constant 0 : i32
    %dma_start3A_140 = tpu.memref_slice %arg6[%dma_start3A_136, %dma_start3A_138, %dma_start3A_139] : memref<5x64x128xf32, #tpu.memory_space<vmem>> -> memref<1x64x128xf32, #tpu.memory_space<vmem>>
    %dma_start3A_141 = tpu.memref_squeeze %dma_start3A_140 : memref<1x64x128xf32, #tpu.memory_space<vmem>> -> memref<64x128xf32, #tpu.memory_space<vmem>>
    %dma_start3A_142 = arith.constant 0 : i32
    %dma_start3A_143 = tpu.memref_slice %arg2[%dma_start3A_135, %mul3A_134, %dma_start3A_142] : memref<1x320000x128xf32, #tpu.memory_space<hbm>> -> memref<1x64x128xf32, #tpu.memory_space<hbm>>
    %dma_start3A_144 = tpu.memref_squeeze %dma_start3A_143 : memref<1x64x128xf32, #tpu.memory_space<hbm>> -> memref<64x128xf32, #tpu.memory_space<hbm>>
    %dma_start3A_145 = tpu.memref_slice %arg8[%dma_start3A_137] : memref<5x!tpu.dma_semaphore, #tpu.memory_space<semaphore_mem>> -> memref<1x!tpu.dma_semaphore, #tpu.memory_space<semaphore_mem>>
    %dma_start3A_146 = tpu.memref_squeeze %dma_start3A_145 : memref<1x!tpu.dma_semaphore, #tpu.memory_space<semaphore_mem>> -> memref<!tpu.dma_semaphore, #tpu.memory_space<semaphore_mem>>
    %dma_start3A_147 = arith.constant 0 : i32
    %dma_start3A_148 = arith.constant 0 : i32
    %dma_start3A_149 = tpu.memref_slice %arg6[%dma_start3A_136, %dma_start3A_147, %dma_start3A_148] : memref<5x64x128xf32, #tpu.memory_space<vmem>> -> memref<1x64x128xf32, #tpu.memory_space<vmem>>
    %dma_start3A_150 = tpu.memref_squeeze %dma_start3A_149 : memref<1x64x128xf32, #tpu.memory_space<vmem>> -> memref<64x128xf32, #tpu.memory_space<vmem>>
    %dma_start3A_151 = arith.constant 0 : i32
    %dma_start3A_152 = tpu.memref_slice %arg2[%dma_start3A_135, %mul3A_134, %dma_start3A_151] : memref<1x320000x128xf32, #tpu.memory_space<hbm>> -> memref<1x64x128xf32, #tpu.memory_space<hbm>>
    %dma_start3A_153 = tpu.memref_squeeze %dma_start3A_152 : memref<1x64x128xf32, #tpu.memory_space<hbm>> -> memref<64x128xf32, #tpu.memory_space<hbm>>
    tpu.enqueue_dma source(%dma_start3A_153 : memref<64x128xf32, #tpu.memory_space<hbm>>) target(%dma_start3A_150 : memref<64x128xf32, #tpu.memory_space<vmem>>) target_semaphore(%dma_start3A_146 : memref<!tpu.dma_semaphore, #tpu.memory_space<semaphore_mem>>)
    %add3A_154 = arith.constant 4 : i32
    %add3A_155 = arith.addi %mul3A_2, %add3A_154 : i32
    %mul3A_156 = arith.constant 64 : i32
    %mul3A_157 = arith.muli %add3A_155, %mul3A_156 : i32
    %dma_start3A_158 = arith.constant 0 : i32
    %dma_start3A_159 = arith.constant 0 : i32
    %dma_start3A_160 = arith.constant 4 : i32
    %dma_start3A_161 = arith.constant 4 : i32
    %dma_start3A_162 = arith.constant 0 : i32
    %dma_start3A_163 = tpu.memref_slice %arg5[%dma_start3A_160, %dma_start3A_162] : memref<5x64xi32, #tpu.memory_space<vmem>> -> memref<1x64xi32, #tpu.memory_space<vmem>>
    %dma_start3A_164 = tpu.memref_squeeze %dma_start3A_163 : memref<1x64xi32, #tpu.memory_space<vmem>> -> memref<64xi32, #tpu.memory_space<vmem>>
    %dma_start3A_165 = tpu.memref_slice %arg3[%dma_start3A_158, %dma_start3A_159, %mul3A_157] : memref<1x2x320000xi32, #tpu.memory_space<hbm>> -> memref<1x1x64xi32, #tpu.memory_space<hbm>>
    %dma_start3A_166 = tpu.memref_squeeze %dma_start3A_165 : memref<1x1x64xi32, #tpu.memory_space<hbm>> -> memref<64xi32, #tpu.memory_space<hbm>>
    %dma_start3A_167 = tpu.memref_slice %arg9[%dma_start3A_161] : memref<5x!tpu.dma_semaphore, #tpu.memory_space<semaphore_mem>> -> memref<1x!tpu.dma_semaphore, #tpu.memory_space<semaphore_mem>>
    %dma_start3A_168 = tpu.memref_squeeze %dma_start3A_167 : memref<1x!tpu.dma_semaphore, #tpu.memory_space<semaphore_mem>> -> memref<!tpu.dma_semaphore, #tpu.memory_space<semaphore_mem>>
    %dma_start3A_169 = arith.constant 0 : i32
    %dma_start3A_170 = tpu.memref_slice %arg5[%dma_start3A_160, %dma_start3A_169] : memref<5x64xi32, #tpu.memory_space<vmem>> -> memref<1x64xi32, #tpu.memory_space<vmem>>
    %dma_start3A_171 = tpu.memref_squeeze %dma_start3A_170 : memref<1x64xi32, #tpu.memory_space<vmem>> -> memref<64xi32, #tpu.memory_space<vmem>>
    %dma_start3A_172 = tpu.memref_slice %arg3[%dma_start3A_158, %dma_start3A_159, %mul3A_157] : memref<1x2x320000xi32, #tpu.memory_space<hbm>> -> memref<1x1x64xi32, #tpu.memory_space<hbm>>
    %dma_start3A_173 = tpu.memref_squeeze %dma_start3A_172 : memref<1x1x64xi32, #tpu.memory_space<hbm>> -> memref<64xi32, #tpu.memory_space<hbm>>
    tpu.enqueue_dma source(%dma_start3A_173 : memref<64xi32, #tpu.memory_space<hbm>>) target(%dma_start3A_171 : memref<64xi32, #tpu.memory_space<vmem>>) target_semaphore(%dma_start3A_168 : memref<!tpu.dma_semaphore, #tpu.memory_space<semaphore_mem>>)
    %mul3A_174 = arith.constant 64 : i32
    %mul3A_175 = arith.muli %mul3A_2, %mul3A_174 : i32
    %dma_start3A_176 = arith.constant 0 : i32
    %dma_start3A_177 = arith.constant 0 : i32
    %dma_start3A_178 = arith.constant 0 : i32
    %dma_start3A_179 = arith.constant 0 : i32
    %dma_start3A_180 = arith.constant 0 : i32
    %dma_start3A_181 = tpu.memref_slice %arg5[%dma_start3A_178, %dma_start3A_180] : memref<5x64xi32, #tpu.memory_space<vmem>> -> memref<1x64xi32, #tpu.memory_space<vmem>>
    %dma_start3A_182 = tpu.memref_squeeze %dma_start3A_181 : memref<1x64xi32, #tpu.memory_space<vmem>> -> memref<64xi32, #tpu.memory_space<vmem>>
    %dma_start3A_183 = tpu.memref_slice %arg3[%dma_start3A_176, %dma_start3A_177, %mul3A_175] : memref<1x2x320000xi32, #tpu.memory_space<hbm>> -> memref<1x1x64xi32, #tpu.memory_space<hbm>>
    %dma_start3A_184 = tpu.memref_squeeze %dma_start3A_183 : memref<1x1x64xi32, #tpu.memory_space<hbm>> -> memref<64xi32, #tpu.memory_space<hbm>>
    %dma_start3A_185 = tpu.memref_slice %arg9[%dma_start3A_179] : memref<5x!tpu.dma_semaphore, #tpu.memory_space<semaphore_mem>> -> memref<1x!tpu.dma_semaphore, #tpu.memory_space<semaphore_mem>>
    %dma_start3A_186 = tpu.memref_squeeze %dma_start3A_185 : memref<1x!tpu.dma_semaphore, #tpu.memory_space<semaphore_mem>> -> memref<!tpu.dma_semaphore, #tpu.memory_space<semaphore_mem>>
    %dma_start3A_187 = arith.constant 0 : i32
    %dma_start3A_188 = tpu.memref_slice %arg5[%dma_start3A_178, %dma_start3A_187] : memref<5x64xi32, #tpu.memory_space<vmem>> -> memref<1x64xi32, #tpu.memory_space<vmem>>
    %dma_start3A_189 = tpu.memref_squeeze %dma_start3A_188 : memref<1x64xi32, #tpu.memory_space<vmem>> -> memref<64xi32, #tpu.memory_space<vmem>>
    %dma_start3A_190 = tpu.memref_slice %arg3[%dma_start3A_176, %dma_start3A_177, %mul3A_175] : memref<1x2x320000xi32, #tpu.memory_space<hbm>> -> memref<1x1x64xi32, #tpu.memory_space<hbm>>
    %dma_start3A_191 = tpu.memref_squeeze %dma_start3A_190 : memref<1x1x64xi32, #tpu.memory_space<hbm>> -> memref<64xi32, #tpu.memory_space<hbm>>
    tpu.enqueue_dma source(%dma_start3A_191 : memref<64xi32, #tpu.memory_space<hbm>>) target(%dma_start3A_189 : memref<64xi32, #tpu.memory_space<vmem>>) target_semaphore(%dma_start3A_186 : memref<!tpu.dma_semaphore, #tpu.memory_space<semaphore_mem>>)
    %scan3A = arith.constant 0 : i32
    %scan3A_192 = arith.constant 0 : i32
    %scan3A_193 = arith.constant 512 : i32
    %scan3A_194 = arith.addi %scan3A_192, %scan3A_193 : i32
    %scan3A_195 = arith.constant 1 : i32
    %scan3A_196 = scf.for %scan3A_325 = %scan3A_192 to %scan3A_194 step %scan3A_195 iter_args(%scan3A_326 = %scan3A) -> (i32)  : i32 {
      %broadcast_in_dim3A = arith.constant 0.000000e+00 : f32
      %broadcast_in_dim3A_327 = vector.broadcast %broadcast_in_dim3A : f32 to vector<16xf32>
      %jit3A = arith.constant 8 : i32
      %div3A = arith.divsi %scan3A_325, %jit3A : i32
      %sign3A = arith.constant 0 : i32
      %sign3A_328 = arith.cmpi sgt, %scan3A_325, %sign3A : i32
      %sign3A_329 = arith.extui %sign3A_328 : i1 to i32
      %sign3A_330 = arith.constant 0 : i32
      %sign3A_331 = arith.cmpi slt, %scan3A_325, %sign3A_330 : i32
      %sign3A_332 = arith.extui %sign3A_331 : i1 to i32
      %sign3A_333 = arith.subi %sign3A_329, %sign3A_332 : i32
      %sign3A_334 = arith.constant 0 : i32
      %sign3A_335 = arith.cmpi sgt, %jit3A, %sign3A_334 : i32
      %sign3A_336 = arith.extui %sign3A_335 : i1 to i32
      %sign3A_337 = arith.constant 0 : i32
      %sign3A_338 = arith.cmpi slt, %jit3A, %sign3A_337 : i32
      %sign3A_339 = arith.extui %sign3A_338 : i1 to i32
      %sign3A_340 = arith.subi %sign3A_336, %sign3A_339 : i32
      %ne3A = arith.cmpi ne, %sign3A_333, %sign3A_340 : i32
      %rem3A = arith.remsi %scan3A_325, %jit3A : i32
      %ne3A_341 = arith.constant 0 : i32
      %ne3A_342 = arith.cmpi ne, %rem3A, %ne3A_341 : i32
      %and3A = arith.andi %ne3A, %ne3A_342 : i1
      %sub3A_343 = arith.constant 1 : i32
      %sub3A_344 = arith.subi %div3A, %sub3A_343 : i32
      %select_n3A = arith.select %and3A, %sub3A_344, %div3A : i32
      %jit3A_345 = arith.constant 8 : i32
      %eq3A = arith.constant 0 : i32
      %eq3A_346 = arith.cmpi eq, %jit3A_345, %eq3A : i32
      %jit3A_347 = arith.constant 1 : i32
      %select_n3A_348 = arith.select %eq3A_346, %jit3A_347, %jit3A_345 : i32
      %rem3A_349 = arith.remsi %scan3A_325, %select_n3A_348 : i32
      %ne3A_350 = arith.constant 0 : i32
      %ne3A_351 = arith.cmpi ne, %rem3A_349, %ne3A_350 : i32
      %lt3A_352 = arith.constant 0 : i32
      %lt3A_353 = arith.cmpi slt, %rem3A_349, %lt3A_352 : i32
      %lt3A_354 = arith.constant 0 : i32
      %lt3A_355 = arith.cmpi slt, %select_n3A_348, %lt3A_354 : i32
      %ne3A_356 = arith.xori %lt3A_353, %lt3A_355 : i1
      %and3A_357 = arith.andi %ne3A_356, %ne3A_351 : i1
      %add3A_358 = arith.addi %rem3A_349, %select_n3A_348 : i32
      %select_n3A_359 = arith.select %and3A_357, %add3A_358, %rem3A_349 : i32
      %mul3A_360 = arith.constant 16 : i32
      %mul3A_361 = arith.muli %select_n3A_359, %mul3A_360 : i32
      %swap3A = arith.constant 0 : i32
      %swap3A_362 = arith.index_cast %swap3A : i32 to index
      %swap3A_363 = arith.index_cast %select_n3A : i32 to index
      %swap3A_364 = arith.index_cast %mul3A_361 : i32 to index
      %swap3A_365 = tpu.vector_load %arg6[%swap3A_362, %swap3A_363, %swap3A_364] {strides = array<i32>} : memref<5x64x128xf32, #tpu.memory_space<vmem>>, vector<1x1x16xf32>,
      %swap3A_366 = vector.shape_cast %swap3A_365 : vector<1x1x16xf32> to vector<16xf32>
      %swap3A_367 = vector.shape_cast %broadcast_in_dim3A_327 : vector<16xf32> to vector<1x1x16xf32>
      tpu.vector_store %arg6[%swap3A_362, %swap3A_363, %swap3A_364], %swap3A_367 {strides = array<i32>} : memref<5x64x128xf32, #tpu.memory_space<vmem>>, vector<1x1x16xf32>,
      %scan3A_368 = arith.constant 0 : i32
      scf.yield %scan3A_368 : i32
    }
    %scan3A_197 = arith.constant 512 : i32
    %mul3A_198 = arith.constant 640 : i32
    %mul3A_199 = arith.muli %arg1, %mul3A_198 : i32
    %add3A_200 = arith.constant 0 : i32
    %add3A_201 = arith.addi %mul3A_199, %add3A_200 : i32
    %run_scoped3A = arith.constant 0 : i32
    "tpu.region"() ({
      %run_scoped3A_325 = tpu.sem_alloc : memref<!tpu.dma_semaphore, #tpu.memory_space<semaphore_mem>>
      %dma_start3A_326 = arith.constant 0 : i32
      %dma_start3A_327 = arith.constant 0 : i32
      %dma_start3A_328 = tpu.memref_slice %arg6[%run_scoped3A, %dma_start3A_326, %dma_start3A_327] : memref<5x64x128xf32, #tpu.memory_space<vmem>> -> memref<1x64x128xf32, #tpu.memory_space<vmem>>
      %dma_start3A_329 = tpu.memref_squeeze %dma_start3A_328 : memref<1x64x128xf32, #tpu.memory_space<vmem>> -> memref<64x128xf32, #tpu.memory_space<vmem>>
      %dma_start3A_330 = arith.constant 0 : i32
      %dma_start3A_331 = tpu.memref_slice %arg7[%add3A_201, %dma_start3A_330] : memref<10240x128xf32, #tpu.memory_space<vmem_shared>> -> memref<64x128xf32, #tpu.memory_space<vmem_shared>>
      %dma_start3A_332 = arith.constant 0 : i32
      %dma_start3A_333 = tpu.memref_slice %arg7[%add3A_201, %dma_start3A_332] : memref<10240x128xf32, #tpu.memory_space<vmem_shared>> -> memref<64x128xf32, #tpu.memory_space<vmem_shared>>
      %dma_start3A_334 = arith.constant 0 : i32
      %dma_start3A_335 = arith.constant 0 : i32
      %dma_start3A_336 = tpu.memref_slice %arg6[%run_scoped3A, %dma_start3A_334, %dma_start3A_335] : memref<5x64x128xf32, #tpu.memory_space<vmem>> -> memref<1x64x128xf32, #tpu.memory_space<vmem>>
      %dma_start3A_337 = tpu.memref_squeeze %dma_start3A_336 : memref<1x64x128xf32, #tpu.memory_space<vmem>> -> memref<64x128xf32, #tpu.memory_space<vmem>>
      tpu.enqueue_dma source(%dma_start3A_337 : memref<64x128xf32, #tpu.memory_space<vmem>>) target(%dma_start3A_333 : memref<64x128xf32, #tpu.memory_space<vmem_shared>>) target_semaphore(%run_scoped3A_325 : memref<!tpu.dma_semaphore, #tpu.memory_space<semaphore_mem>>)
      %dma_wait3A_338 = arith.constant 0 : i32
      %dma_wait3A_339 = arith.constant 0 : i32
      %dma_wait3A_340 = tpu.memref_slice %arg6[%run_scoped3A, %dma_wait3A_338, %dma_wait3A_339] : memref<5x64x128xf32, #tpu.memory_space<vmem>> -> memref<1x64x128xf32, #tpu.memory_space<vmem>>
      %dma_wait3A_341 = tpu.memref_squeeze %dma_wait3A_340 : memref<1x64x128xf32, #tpu.memory_space<vmem>> -> memref<64x128xf32, #tpu.memory_space<vmem>>
      %dma_wait3A_342 = arith.constant 0 : i32
      %dma_wait3A_343 = tpu.memref_slice %arg7[%add3A_201, %dma_wait3A_342] : memref<10240x128xf32, #tpu.memory_space<vmem_shared>> -> memref<64x128xf32, #tpu.memory_space<vmem_shared>>
      %dma_wait3A_344 = arith.constant 0 : i32
      %dma_wait3A_345 = tpu.memref_slice %arg7[%add3A_201, %dma_wait3A_344] : memref<10240x128xf32, #tpu.memory_space<vmem_shared>> -> memref<64x128xf32, #tpu.memory_space<vmem_shared>>
      %dma_wait3A_346 = arith.constant 0 : i32
      %dma_wait3A_347 = arith.constant 0 : i32
      %dma_wait3A_348 = tpu.memref_slice %arg6[%run_scoped3A, %dma_wait3A_346, %dma_wait3A_347] : memref<5x64x128xf32, #tpu.memory_space<vmem>> -> memref<1x64x128xf32, #tpu.memory_space<vmem>>
      %dma_wait3A_349 = tpu.memref_squeeze %dma_wait3A_348 : memref<1x64x128xf32, #tpu.memory_space<vmem>> -> memref<64x128xf32, #tpu.memory_space<vmem>>
      tpu.wait_dma2 semaphore(%run_scoped3A_325 : memref<!tpu.dma_semaphore, #tpu.memory_space<semaphore_mem>>) src(%dma_wait3A_349 : memref<64x128xf32, #tpu.memory_space<vmem>>) dst(%dma_wait3A_345 : memref<64x128xf32, #tpu.memory_space<vmem_shared>>)
      tpu.yield
    }) : () -> ()
    %mul3A_202 = arith.constant 640 : i32
    %mul3A_203 = arith.muli %arg1, %mul3A_202 : i32
    %add3A_204 = arith.constant 64 : i32
    %add3A_205 = arith.addi %mul3A_203, %add3A_204 : i32
    %run_scoped3A_206 = arith.constant 0 : i32
    "tpu.region"() ({
      %run_scoped3A_325 = tpu.sem_alloc : memref<!tpu.dma_semaphore, #tpu.memory_space<semaphore_mem>>
      %dma_start3A_326 = arith.constant 0 : i32
      %dma_start3A_327 = arith.constant 0 : i32
      %dma_start3A_328 = tpu.memref_slice %arg6[%run_scoped3A_206, %dma_start3A_326, %dma_start3A_327] : memref<5x64x128xf32, #tpu.memory_space<vmem>> -> memref<1x64x128xf32, #tpu.memory_space<vmem>>
      %dma_start3A_329 = tpu.memref_squeeze %dma_start3A_328 : memref<1x64x128xf32, #tpu.memory_space<vmem>> -> memref<64x128xf32, #tpu.memory_space<vmem>>
      %dma_start3A_330 = arith.constant 0 : i32
      %dma_start3A_331 = tpu.memref_slice %arg7[%add3A_205, %dma_start3A_330] : memref<10240x128xf32, #tpu.memory_space<vmem_shared>> -> memref<64x128xf32, #tpu.memory_space<vmem_shared>>
      %dma_start3A_332 = arith.constant 0 : i32
      %dma_start3A_333 = tpu.memref_slice %arg7[%add3A_205, %dma_start3A_332] : memref<10240x128xf32, #tpu.memory_space<vmem_shared>> -> memref<64x128xf32, #tpu.memory_space<vmem_shared>>
      %dma_start3A_334 = arith.constant 0 : i32
      %dma_start3A_335 = arith.constant 0 : i32
      %dma_start3A_336 = tpu.memref_slice %arg6[%run_scoped3A_206, %dma_start3A_334, %dma_start3A_335] : memref<5x64x128xf32, #tpu.memory_space<vmem>> -> memref<1x64x128xf32, #tpu.memory_space<vmem>>
      %dma_start3A_337 = tpu.memref_squeeze %dma_start3A_336 : memref<1x64x128xf32, #tpu.memory_space<vmem>> -> memref<64x128xf32, #tpu.memory_space<vmem>>
      tpu.enqueue_dma source(%dma_start3A_337 : memref<64x128xf32, #tpu.memory_space<vmem>>) target(%dma_start3A_333 : memref<64x128xf32, #tpu.memory_space<vmem_shared>>) target_semaphore(%run_scoped3A_325 : memref<!tpu.dma_semaphore, #tpu.memory_space<semaphore_mem>>)
      %dma_wait3A_338 = arith.constant 0 : i32
      %dma_wait3A_339 = arith.constant 0 : i32
      %dma_wait3A_340 = tpu.memref_slice %arg6[%run_scoped3A_206, %dma_wait3A_338, %dma_wait3A_339] : memref<5x64x128xf32, #tpu.memory_space<vmem>> -> memref<1x64x128xf32, #tpu.memory_space<vmem>>
      %dma_wait3A_341 = tpu.memref_squeeze %dma_wait3A_340 : memref<1x64x128xf32, #tpu.memory_space<vmem>> -> memref<64x128xf32, #tpu.memory_space<vmem>>
      %dma_wait3A_342 = arith.constant 0 : i32
      %dma_wait3A_343 = tpu.memref_slice %arg7[%add3A_205, %dma_wait3A_342] : memref<10240x128xf32, #tpu.memory_space<vmem_shared>> -> memref<64x128xf32, #tpu.memory_space<vmem_shared>>
      %dma_wait3A_344 = arith.constant 0 : i32
      %dma_wait3A_345 = tpu.memref_slice %arg7[%add3A_205, %dma_wait3A_344] : memref<10240x128xf32, #tpu.memory_space<vmem_shared>> -> memref<64x128xf32, #tpu.memory_space<vmem_shared>>
      %dma_wait3A_346 = arith.constant 0 : i32
      %dma_wait3A_347 = arith.constant 0 : i32
      %dma_wait3A_348 = tpu.memref_slice %arg6[%run_scoped3A_206, %dma_wait3A_346, %dma_wait3A_347] : memref<5x64x128xf32, #tpu.memory_space<vmem>> -> memref<1x64x128xf32, #tpu.memory_space<vmem>>
      %dma_wait3A_349 = tpu.memref_squeeze %dma_wait3A_348 : memref<1x64x128xf32, #tpu.memory_space<vmem>> -> memref<64x128xf32, #tpu.memory_space<vmem>>
      tpu.wait_dma2 semaphore(%run_scoped3A_325 : memref<!tpu.dma_semaphore, #tpu.memory_space<semaphore_mem>>) src(%dma_wait3A_349 : memref<64x128xf32, #tpu.memory_space<vmem>>) dst(%dma_wait3A_345 : memref<64x128xf32, #tpu.memory_space<vmem_shared>>)
      tpu.yield
    }) : () -> ()
    %mul3A_207 = arith.constant 640 : i32
    %mul3A_208 = arith.muli %arg1, %mul3A_207 : i32
    %add3A_209 = arith.constant 128 : i32
    %add3A_210 = arith.addi %mul3A_208, %add3A_209 : i32
    %run_scoped3A_211 = arith.constant 0 : i32
    "tpu.region"() ({
      %run_scoped3A_325 = tpu.sem_alloc : memref<!tpu.dma_semaphore, #tpu.memory_space<semaphore_mem>>
      %dma_start3A_326 = arith.constant 0 : i32
      %dma_start3A_327 = arith.constant 0 : i32
      %dma_start3A_328 = tpu.memref_slice %arg6[%run_scoped3A_211, %dma_start3A_326, %dma_start3A_327] : memref<5x64x128xf32, #tpu.memory_space<vmem>> -> memref<1x64x128xf32, #tpu.memory_space<vmem>>
      %dma_start3A_329 = tpu.memref_squeeze %dma_start3A_328 : memref<1x64x128xf32, #tpu.memory_space<vmem>> -> memref<64x128xf32, #tpu.memory_space<vmem>>
      %dma_start3A_330 = arith.constant 0 : i32
      %dma_start3A_331 = tpu.memref_slice %arg7[%add3A_210, %dma_start3A_330] : memref<10240x128xf32, #tpu.memory_space<vmem_shared>> -> memref<64x128xf32, #tpu.memory_space<vmem_shared>>
      %dma_start3A_332 = arith.constant 0 : i32
      %dma_start3A_333 = tpu.memref_slice %arg7[%add3A_210, %dma_start3A_332] : memref<10240x128xf32, #tpu.memory_space<vmem_shared>> -> memref<64x128xf32, #tpu.memory_space<vmem_shared>>
      %dma_start3A_334 = arith.constant 0 : i32
      %dma_start3A_335 = arith.constant 0 : i32
      %dma_start3A_336 = tpu.memref_slice %arg6[%run_scoped3A_211, %dma_start3A_334, %dma_start3A_335] : memref<5x64x128xf32, #tpu.memory_space<vmem>> -> memref<1x64x128xf32, #tpu.memory_space<vmem>>
      %dma_start3A_337 = tpu.memref_squeeze %dma_start3A_336 : memref<1x64x128xf32, #tpu.memory_space<vmem>> -> memref<64x128xf32, #tpu.memory_space<vmem>>
      tpu.enqueue_dma source(%dma_start3A_337 : memref<64x128xf32, #tpu.memory_space<vmem>>) target(%dma_start3A_333 : memref<64x128xf32, #tpu.memory_space<vmem_shared>>) target_semaphore(%run_scoped3A_325 : memref<!tpu.dma_semaphore, #tpu.memory_space<semaphore_mem>>)
      %dma_wait3A_338 = arith.constant 0 : i32
      %dma_wait3A_339 = arith.constant 0 : i32
      %dma_wait3A_340 = tpu.memref_slice %arg6[%run_scoped3A_211, %dma_wait3A_338, %dma_wait3A_339] : memref<5x64x128xf32, #tpu.memory_space<vmem>> -> memref<1x64x128xf32, #tpu.memory_space<vmem>>
      %dma_wait3A_341 = tpu.memref_squeeze %dma_wait3A_340 : memref<1x64x128xf32, #tpu.memory_space<vmem>> -> memref<64x128xf32, #tpu.memory_space<vmem>>
      %dma_wait3A_342 = arith.constant 0 : i32
      %dma_wait3A_343 = tpu.memref_slice %arg7[%add3A_210, %dma_wait3A_342] : memref<10240x128xf32, #tpu.memory_space<vmem_shared>> -> memref<64x128xf32, #tpu.memory_space<vmem_shared>>
      %dma_wait3A_344 = arith.constant 0 : i32
      %dma_wait3A_345 = tpu.memref_slice %arg7[%add3A_210, %dma_wait3A_344] : memref<10240x128xf32, #tpu.memory_space<vmem_shared>> -> memref<64x128xf32, #tpu.memory_space<vmem_shared>>
      %dma_wait3A_346 = arith.constant 0 : i32
      %dma_wait3A_347 = arith.constant 0 : i32
      %dma_wait3A_348 = tpu.memref_slice %arg6[%run_scoped3A_211, %dma_wait3A_346, %dma_wait3A_347] : memref<5x64x128xf32, #tpu.memory_space<vmem>> -> memref<1x64x128xf32, #tpu.memory_space<vmem>>
      %dma_wait3A_349 = tpu.memref_squeeze %dma_wait3A_348 : memref<1x64x128xf32, #tpu.memory_space<vmem>> -> memref<64x128xf32, #tpu.memory_space<vmem>>
      tpu.wait_dma2 semaphore(%run_scoped3A_325 : memref<!tpu.dma_semaphore, #tpu.memory_space<semaphore_mem>>) src(%dma_wait3A_349 : memref<64x128xf32, #tpu.memory_space<vmem>>) dst(%dma_wait3A_345 : memref<64x128xf32, #tpu.memory_space<vmem_shared>>)
      tpu.yield
    }) : () -> ()
    %mul3A_212 = arith.constant 640 : i32
    %mul3A_213 = arith.muli %arg1, %mul3A_212 : i32
    %add3A_214 = arith.constant 192 : i32
    %add3A_215 = arith.addi %mul3A_213, %add3A_214 : i32
    %run_scoped3A_216 = arith.constant 0 : i32
    "tpu.region"() ({
      %run_scoped3A_325 = tpu.sem_alloc : memref<!tpu.dma_semaphore, #tpu.memory_space<semaphore_mem>>
      %dma_start3A_326 = arith.constant 0 : i32
      %dma_start3A_327 = arith.constant 0 : i32
      %dma_start3A_328 = tpu.memref_slice %arg6[%run_scoped3A_216, %dma_start3A_326, %dma_start3A_327] : memref<5x64x128xf32, #tpu.memory_space<vmem>> -> memref<1x64x128xf32, #tpu.memory_space<vmem>>
      %dma_start3A_329 = tpu.memref_squeeze %dma_start3A_328 : memref<1x64x128xf32, #tpu.memory_space<vmem>> -> memref<64x128xf32, #tpu.memory_space<vmem>>
      %dma_start3A_330 = arith.constant 0 : i32
      %dma_start3A_331 = tpu.memref_slice %arg7[%add3A_215, %dma_start3A_330] : memref<10240x128xf32, #tpu.memory_space<vmem_shared>> -> memref<64x128xf32, #tpu.memory_space<vmem_shared>>
      %dma_start3A_332 = arith.constant 0 : i32
      %dma_start3A_333 = tpu.memref_slice %arg7[%add3A_215, %dma_start3A_332] : memref<10240x128xf32, #tpu.memory_space<vmem_shared>> -> memref<64x128xf32, #tpu.memory_space<vmem_shared>>
      %dma_start3A_334 = arith.constant 0 : i32
      %dma_start3A_335 = arith.constant 0 : i32
      %dma_start3A_336 = tpu.memref_slice %arg6[%run_scoped3A_216, %dma_start3A_334, %dma_start3A_335] : memref<5x64x128xf32, #tpu.memory_space<vmem>> -> memref<1x64x128xf32, #tpu.memory_space<vmem>>
      %dma_start3A_337 = tpu.memref_squeeze %dma_start3A_336 : memref<1x64x128xf32, #tpu.memory_space<vmem>> -> memref<64x128xf32, #tpu.memory_space<vmem>>
      tpu.enqueue_dma source(%dma_start3A_337 : memref<64x128xf32, #tpu.memory_space<vmem>>) target(%dma_start3A_333 : memref<64x128xf32, #tpu.memory_space<vmem_shared>>) target_semaphore(%run_scoped3A_325 : memref<!tpu.dma_semaphore, #tpu.memory_space<semaphore_mem>>)
      %dma_wait3A_338 = arith.constant 0 : i32
      %dma_wait3A_339 = arith.constant 0 : i32
      %dma_wait3A_340 = tpu.memref_slice %arg6[%run_scoped3A_216, %dma_wait3A_338, %dma_wait3A_339] : memref<5x64x128xf32, #tpu.memory_space<vmem>> -> memref<1x64x128xf32, #tpu.memory_space<vmem>>
      %dma_wait3A_341 = tpu.memref_squeeze %dma_wait3A_340 : memref<1x64x128xf32, #tpu.memory_space<vmem>> -> memref<64x128xf32, #tpu.memory_space<vmem>>
      %dma_wait3A_342 = arith.constant 0 : i32
      %dma_wait3A_343 = tpu.memref_slice %arg7[%add3A_215, %dma_wait3A_342] : memref<10240x128xf32, #tpu.memory_space<vmem_shared>> -> memref<64x128xf32, #tpu.memory_space<vmem_shared>>
      %dma_wait3A_344 = arith.constant 0 : i32
      %dma_wait3A_345 = tpu.memref_slice %arg7[%add3A_215, %dma_wait3A_344] : memref<10240x128xf32, #tpu.memory_space<vmem_shared>> -> memref<64x128xf32, #tpu.memory_space<vmem_shared>>
      %dma_wait3A_346 = arith.constant 0 : i32
      %dma_wait3A_347 = arith.constant 0 : i32
      %dma_wait3A_348 = tpu.memref_slice %arg6[%run_scoped3A_216, %dma_wait3A_346, %dma_wait3A_347] : memref<5x64x128xf32, #tpu.memory_space<vmem>> -> memref<1x64x128xf32, #tpu.memory_space<vmem>>
      %dma_wait3A_349 = tpu.memref_squeeze %dma_wait3A_348 : memref<1x64x128xf32, #tpu.memory_space<vmem>> -> memref<64x128xf32, #tpu.memory_space<vmem>>
      tpu.wait_dma2 semaphore(%run_scoped3A_325 : memref<!tpu.dma_semaphore, #tpu.memory_space<semaphore_mem>>) src(%dma_wait3A_349 : memref<64x128xf32, #tpu.memory_space<vmem>>) dst(%dma_wait3A_345 : memref<64x128xf32, #tpu.memory_space<vmem_shared>>)
      tpu.yield
    }) : () -> ()
    %mul3A_217 = arith.constant 640 : i32
    %mul3A_218 = arith.muli %arg1, %mul3A_217 : i32
    %add3A_219 = arith.constant 256 : i32
    %add3A_220 = arith.addi %mul3A_218, %add3A_219 : i32
    %run_scoped3A_221 = arith.constant 0 : i32
    "tpu.region"() ({
      %run_scoped3A_325 = tpu.sem_alloc : memref<!tpu.dma_semaphore, #tpu.memory_space<semaphore_mem>>
      %dma_start3A_326 = arith.constant 0 : i32
      %dma_start3A_327 = arith.constant 0 : i32
      %dma_start3A_328 = tpu.memref_slice %arg6[%run_scoped3A_221, %dma_start3A_326, %dma_start3A_327] : memref<5x64x128xf32, #tpu.memory_space<vmem>> -> memref<1x64x128xf32, #tpu.memory_space<vmem>>
      %dma_start3A_329 = tpu.memref_squeeze %dma_start3A_328 : memref<1x64x128xf32, #tpu.memory_space<vmem>> -> memref<64x128xf32, #tpu.memory_space<vmem>>
      %dma_start3A_330 = arith.constant 0 : i32
      %dma_start3A_331 = tpu.memref_slice %arg7[%add3A_220, %dma_start3A_330] : memref<10240x128xf32, #tpu.memory_space<vmem_shared>> -> memref<64x128xf32, #tpu.memory_space<vmem_shared>>
      %dma_start3A_332 = arith.constant 0 : i32
      %dma_start3A_333 = tpu.memref_slice %arg7[%add3A_220, %dma_start3A_332] : memref<10240x128xf32, #tpu.memory_space<vmem_shared>> -> memref<64x128xf32, #tpu.memory_space<vmem_shared>>
      %dma_start3A_334 = arith.constant 0 : i32
      %dma_start3A_335 = arith.constant 0 : i32
      %dma_start3A_336 = tpu.memref_slice %arg6[%run_scoped3A_221, %dma_start3A_334, %dma_start3A_335] : memref<5x64x128xf32, #tpu.memory_space<vmem>> -> memref<1x64x128xf32, #tpu.memory_space<vmem>>
      %dma_start3A_337 = tpu.memref_squeeze %dma_start3A_336 : memref<1x64x128xf32, #tpu.memory_space<vmem>> -> memref<64x128xf32, #tpu.memory_space<vmem>>
      tpu.enqueue_dma source(%dma_start3A_337 : memref<64x128xf32, #tpu.memory_space<vmem>>) target(%dma_start3A_333 : memref<64x128xf32, #tpu.memory_space<vmem_shared>>) target_semaphore(%run_scoped3A_325 : memref<!tpu.dma_semaphore, #tpu.memory_space<semaphore_mem>>)
      %dma_wait3A_338 = arith.constant 0 : i32
      %dma_wait3A_339 = arith.constant 0 : i32
      %dma_wait3A_340 = tpu.memref_slice %arg6[%run_scoped3A_221, %dma_wait3A_338, %dma_wait3A_339] : memref<5x64x128xf32, #tpu.memory_space<vmem>> -> memref<1x64x128xf32, #tpu.memory_space<vmem>>
      %dma_wait3A_341 = tpu.memref_squeeze %dma_wait3A_340 : memref<1x64x128xf32, #tpu.memory_space<vmem>> -> memref<64x128xf32, #tpu.memory_space<vmem>>
      %dma_wait3A_342 = arith.constant 0 : i32
      %dma_wait3A_343 = tpu.memref_slice %arg7[%add3A_220, %dma_wait3A_342] : memref<10240x128xf32, #tpu.memory_space<vmem_shared>> -> memref<64x128xf32, #tpu.memory_space<vmem_shared>>
      %dma_wait3A_344 = arith.constant 0 : i32
      %dma_wait3A_345 = tpu.memref_slice %arg7[%add3A_220, %dma_wait3A_344] : memref<10240x128xf32, #tpu.memory_space<vmem_shared>> -> memref<64x128xf32, #tpu.memory_space<vmem_shared>>
      %dma_wait3A_346 = arith.constant 0 : i32
      %dma_wait3A_347 = arith.constant 0 : i32
      %dma_wait3A_348 = tpu.memref_slice %arg6[%run_scoped3A_221, %dma_wait3A_346, %dma_wait3A_347] : memref<5x64x128xf32, #tpu.memory_space<vmem>> -> memref<1x64x128xf32, #tpu.memory_space<vmem>>
      %dma_wait3A_349 = tpu.memref_squeeze %dma_wait3A_348 : memref<1x64x128xf32, #tpu.memory_space<vmem>> -> memref<64x128xf32, #tpu.memory_space<vmem>>
      tpu.wait_dma2 semaphore(%run_scoped3A_325 : memref<!tpu.dma_semaphore, #tpu.memory_space<semaphore_mem>>) src(%dma_wait3A_349 : memref<64x128xf32, #tpu.memory_space<vmem>>) dst(%dma_wait3A_345 : memref<64x128xf32, #tpu.memory_space<vmem_shared>>)
      tpu.yield
    }) : () -> ()
    %mul3A_222 = arith.constant 640 : i32
    %mul3A_223 = arith.muli %arg1, %mul3A_222 : i32
    %add3A_224 = arith.constant 320 : i32
    %add3A_225 = arith.addi %mul3A_223, %add3A_224 : i32
    %run_scoped3A_226 = arith.constant 0 : i32
    "tpu.region"() ({
      %run_scoped3A_325 = tpu.sem_alloc : memref<!tpu.dma_semaphore, #tpu.memory_space<semaphore_mem>>
      %dma_start3A_326 = arith.constant 0 : i32
      %dma_start3A_327 = arith.constant 0 : i32
      %dma_start3A_328 = tpu.memref_slice %arg6[%run_scoped3A_226, %dma_start3A_326, %dma_start3A_327] : memref<5x64x128xf32, #tpu.memory_space<vmem>> -> memref<1x64x128xf32, #tpu.memory_space<vmem>>
      %dma_start3A_329 = tpu.memref_squeeze %dma_start3A_328 : memref<1x64x128xf32, #tpu.memory_space<vmem>> -> memref<64x128xf32, #tpu.memory_space<vmem>>
      %dma_start3A_330 = arith.constant 0 : i32
      %dma_start3A_331 = tpu.memref_slice %arg7[%add3A_225, %dma_start3A_330] : memref<10240x128xf32, #tpu.memory_space<vmem_shared>> -> memref<64x128xf32, #tpu.memory_space<vmem_shared>>
      %dma_start3A_332 = arith.constant 0 : i32
      %dma_start3A_333 = tpu.memref_slice %arg7[%add3A_225, %dma_start3A_332] : memref<10240x128xf32, #tpu.memory_space<vmem_shared>> -> memref<64x128xf32, #tpu.memory_space<vmem_shared>>
      %dma_start3A_334 = arith.constant 0 : i32
      %dma_start3A_335 = arith.constant 0 : i32
      %dma_start3A_336 = tpu.memref_slice %arg6[%run_scoped3A_226, %dma_start3A_334, %dma_start3A_335] : memref<5x64x128xf32, #tpu.memory_space<vmem>> -> memref<1x64x128xf32, #tpu.memory_space<vmem>>
      %dma_start3A_337 = tpu.memref_squeeze %dma_start3A_336 : memref<1x64x128xf32, #tpu.memory_space<vmem>> -> memref<64x128xf32, #tpu.memory_space<vmem>>
      tpu.enqueue_dma source(%dma_start3A_337 : memref<64x128xf32, #tpu.memory_space<vmem>>) target(%dma_start3A_333 : memref<64x128xf32, #tpu.memory_space<vmem_shared>>) target_semaphore(%run_scoped3A_325 : memref<!tpu.dma_semaphore, #tpu.memory_space<semaphore_mem>>)
      %dma_wait3A_338 = arith.constant 0 : i32
      %dma_wait3A_339 = arith.constant 0 : i32
      %dma_wait3A_340 = tpu.memref_slice %arg6[%run_scoped3A_226, %dma_wait3A_338, %dma_wait3A_339] : memref<5x64x128xf32, #tpu.memory_space<vmem>> -> memref<1x64x128xf32, #tpu.memory_space<vmem>>
      %dma_wait3A_341 = tpu.memref_squeeze %dma_wait3A_340 : memref<1x64x128xf32, #tpu.memory_space<vmem>> -> memref<64x128xf32, #tpu.memory_space<vmem>>
      %dma_wait3A_342 = arith.constant 0 : i32
      %dma_wait3A_343 = tpu.memref_slice %arg7[%add3A_225, %dma_wait3A_342] : memref<10240x128xf32, #tpu.memory_space<vmem_shared>> -> memref<64x128xf32, #tpu.memory_space<vmem_shared>>
      %dma_wait3A_344 = arith.constant 0 : i32
      %dma_wait3A_345 = tpu.memref_slice %arg7[%add3A_225, %dma_wait3A_344] : memref<10240x128xf32, #tpu.memory_space<vmem_shared>> -> memref<64x128xf32, #tpu.memory_space<vmem_shared>>
      %dma_wait3A_346 = arith.constant 0 : i32
      %dma_wait3A_347 = arith.constant 0 : i32
      %dma_wait3A_348 = tpu.memref_slice %arg6[%run_scoped3A_226, %dma_wait3A_346, %dma_wait3A_347] : memref<5x64x128xf32, #tpu.memory_space<vmem>> -> memref<1x64x128xf32, #tpu.memory_space<vmem>>
      %dma_wait3A_349 = tpu.memref_squeeze %dma_wait3A_348 : memref<1x64x128xf32, #tpu.memory_space<vmem>> -> memref<64x128xf32, #tpu.memory_space<vmem>>
      tpu.wait_dma2 semaphore(%run_scoped3A_325 : memref<!tpu.dma_semaphore, #tpu.memory_space<semaphore_mem>>) src(%dma_wait3A_349 : memref<64x128xf32, #tpu.memory_space<vmem>>) dst(%dma_wait3A_345 : memref<64x128xf32, #tpu.memory_space<vmem_shared>>)
      tpu.yield
    }) : () -> ()
    %mul3A_227 = arith.constant 640 : i32
    %mul3A_228 = arith.muli %arg1, %mul3A_227 : i32
    %add3A_229 = arith.constant 384 : i32
    %add3A_230 = arith.addi %mul3A_228, %add3A_229 : i32
    %run_scoped3A_231 = arith.constant 0 : i32
    "tpu.region"() ({
      %run_scoped3A_325 = tpu.sem_alloc : memref<!tpu.dma_semaphore, #tpu.memory_space<semaphore_mem>>
      %dma_start3A_326 = arith.constant 0 : i32
      %dma_start3A_327 = arith.constant 0 : i32
      %dma_start3A_328 = tpu.memref_slice %arg6[%run_scoped3A_231, %dma_start3A_326, %dma_start3A_327] : memref<5x64x128xf32, #tpu.memory_space<vmem>> -> memref<1x64x128xf32, #tpu.memory_space<vmem>>
      %dma_start3A_329 = tpu.memref_squeeze %dma_start3A_328 : memref<1x64x128xf32, #tpu.memory_space<vmem>> -> memref<64x128xf32, #tpu.memory_space<vmem>>
      %dma_start3A_330 = arith.constant 0 : i32
      %dma_start3A_331 = tpu.memref_slice %arg7[%add3A_230, %dma_start3A_330] : memref<10240x128xf32, #tpu.memory_space<vmem_shared>> -> memref<64x128xf32, #tpu.memory_space<vmem_shared>>
      %dma_start3A_332 = arith.constant 0 : i32
      %dma_start3A_333 = tpu.memref_slice %arg7[%add3A_230, %dma_start3A_332] : memref<10240x128xf32, #tpu.memory_space<vmem_shared>> -> memref<64x128xf32, #tpu.memory_space<vmem_shared>>
      %dma_start3A_334 = arith.constant 0 : i32
      %dma_start3A_335 = arith.constant 0 : i32
      %dma_start3A_336 = tpu.memref_slice %arg6[%run_scoped3A_231, %dma_start3A_334, %dma_start3A_335] : memref<5x64x128xf32, #tpu.memory_space<vmem>> -> memref<1x64x128xf32, #tpu.memory_space<vmem>>
      %dma_start3A_337 = tpu.memref_squeeze %dma_start3A_336 : memref<1x64x128xf32, #tpu.memory_space<vmem>> -> memref<64x128xf32, #tpu.memory_space<vmem>>
      tpu.enqueue_dma source(%dma_start3A_337 : memref<64x128xf32, #tpu.memory_space<vmem>>) target(%dma_start3A_333 : memref<64x128xf32, #tpu.memory_space<vmem_shared>>) target_semaphore(%run_scoped3A_325 : memref<!tpu.dma_semaphore, #tpu.memory_space<semaphore_mem>>)
      %dma_wait3A_338 = arith.constant 0 : i32
      %dma_wait3A_339 = arith.constant 0 : i32
      %dma_wait3A_340 = tpu.memref_slice %arg6[%run_scoped3A_231, %dma_wait3A_338, %dma_wait3A_339] : memref<5x64x128xf32, #tpu.memory_space<vmem>> -> memref<1x64x128xf32, #tpu.memory_space<vmem>>
      %dma_wait3A_341 = tpu.memref_squeeze %dma_wait3A_340 : memref<1x64x128xf32, #tpu.memory_space<vmem>> -> memref<64x128xf32, #tpu.memory_space<vmem>>
      %dma_wait3A_342 = arith.constant 0 : i32
      %dma_wait3A_343 = tpu.memref_slice %arg7[%add3A_230, %dma_wait3A_342] : memref<10240x128xf32, #tpu.memory_space<vmem_shared>> -> memref<64x128xf32, #tpu.memory_space<vmem_shared>>
      %dma_wait3A_344 = arith.constant 0 : i32
      %dma_wait3A_345 = tpu.memref_slice %arg7[%add3A_230, %dma_wait3A_344] : memref<10240x128xf32, #tpu.memory_space<vmem_shared>> -> memref<64x128xf32, #tpu.memory_space<vmem_shared>>
      %dma_wait3A_346 = arith.constant 0 : i32
      %dma_wait3A_347 = arith.constant 0 : i32
      %dma_wait3A_348 = tpu.memref_slice %arg6[%run_scoped3A_231, %dma_wait3A_346, %dma_wait3A_347] : memref<5x64x128xf32, #tpu.memory_space<vmem>> -> memref<1x64x128xf32, #tpu.memory_space<vmem>>
      %dma_wait3A_349 = tpu.memref_squeeze %dma_wait3A_348 : memref<1x64x128xf32, #tpu.memory_space<vmem>> -> memref<64x128xf32, #tpu.memory_space<vmem>>
      tpu.wait_dma2 semaphore(%run_scoped3A_325 : memref<!tpu.dma_semaphore, #tpu.memory_space<semaphore_mem>>) src(%dma_wait3A_349 : memref<64x128xf32, #tpu.memory_space<vmem>>) dst(%dma_wait3A_345 : memref<64x128xf32, #tpu.memory_space<vmem_shared>>)
      tpu.yield
    }) : () -> ()
    %mul3A_232 = arith.constant 640 : i32
    %mul3A_233 = arith.muli %arg1, %mul3A_232 : i32
    %add3A_234 = arith.constant 448 : i32
    %add3A_235 = arith.addi %mul3A_233, %add3A_234 : i32
    %run_scoped3A_236 = arith.constant 0 : i32
    "tpu.region"() ({
      %run_scoped3A_325 = tpu.sem_alloc : memref<!tpu.dma_semaphore, #tpu.memory_space<semaphore_mem>>
      %dma_start3A_326 = arith.constant 0 : i32
      %dma_start3A_327 = arith.constant 0 : i32
      %dma_start3A_328 = tpu.memref_slice %arg6[%run_scoped3A_236, %dma_start3A_326, %dma_start3A_327] : memref<5x64x128xf32, #tpu.memory_space<vmem>> -> memref<1x64x128xf32, #tpu.memory_space<vmem>>
      %dma_start3A_329 = tpu.memref_squeeze %dma_start3A_328 : memref<1x64x128xf32, #tpu.memory_space<vmem>> -> memref<64x128xf32, #tpu.memory_space<vmem>>
      %dma_start3A_330 = arith.constant 0 : i32
      %dma_start3A_331 = tpu.memref_slice %arg7[%add3A_235, %dma_start3A_330] : memref<10240x128xf32, #tpu.memory_space<vmem_shared>> -> memref<64x128xf32, #tpu.memory_space<vmem_shared>>
      %dma_start3A_332 = arith.constant 0 : i32
      %dma_start3A_333 = tpu.memref_slice %arg7[%add3A_235, %dma_start3A_332] : memref<10240x128xf32, #tpu.memory_space<vmem_shared>> -> memref<64x128xf32, #tpu.memory_space<vmem_shared>>
      %dma_start3A_334 = arith.constant 0 : i32
      %dma_start3A_335 = arith.constant 0 : i32
      %dma_start3A_336 = tpu.memref_slice %arg6[%run_scoped3A_236, %dma_start3A_334, %dma_start3A_335] : memref<5x64x128xf32, #tpu.memory_space<vmem>> -> memref<1x64x128xf32, #tpu.memory_space<vmem>>
      %dma_start3A_337 = tpu.memref_squeeze %dma_start3A_336 : memref<1x64x128xf32, #tpu.memory_space<vmem>> -> memref<64x128xf32, #tpu.memory_space<vmem>>
      tpu.enqueue_dma source(%dma_start3A_337 : memref<64x128xf32, #tpu.memory_space<vmem>>) target(%dma_start3A_333 : memref<64x128xf32, #tpu.memory_space<vmem_shared>>) target_semaphore(%run_scoped3A_325 : memref<!tpu.dma_semaphore, #tpu.memory_space<semaphore_mem>>)
      %dma_wait3A_338 = arith.constant 0 : i32
      %dma_wait3A_339 = arith.constant 0 : i32
      %dma_wait3A_340 = tpu.memref_slice %arg6[%run_scoped3A_236, %dma_wait3A_338, %dma_wait3A_339] : memref<5x64x128xf32, #tpu.memory_space<vmem>> -> memref<1x64x128xf32, #tpu.memory_space<vmem>>
      %dma_wait3A_341 = tpu.memref_squeeze %dma_wait3A_340 : memref<1x64x128xf32, #tpu.memory_space<vmem>> -> memref<64x128xf32, #tpu.memory_space<vmem>>
      %dma_wait3A_342 = arith.constant 0 : i32
      %dma_wait3A_343 = tpu.memref_slice %arg7[%add3A_235, %dma_wait3A_342] : memref<10240x128xf32, #tpu.memory_space<vmem_shared>> -> memref<64x128xf32, #tpu.memory_space<vmem_shared>>
      %dma_wait3A_344 = arith.constant 0 : i32
      %dma_wait3A_345 = tpu.memref_slice %arg7[%add3A_235, %dma_wait3A_344] : memref<10240x128xf32, #tpu.memory_space<vmem_shared>> -> memref<64x128xf32, #tpu.memory_space<vmem_shared>>
      %dma_wait3A_346 = arith.constant 0 : i32
      %dma_wait3A_347 = arith.constant 0 : i32
      %dma_wait3A_348 = tpu.memref_slice %arg6[%run_scoped3A_236, %dma_wait3A_346, %dma_wait3A_347] : memref<5x64x128xf32, #tpu.memory_space<vmem>> -> memref<1x64x128xf32, #tpu.memory_space<vmem>>
      %dma_wait3A_349 = tpu.memref_squeeze %dma_wait3A_348 : memref<1x64x128xf32, #tpu.memory_space<vmem>> -> memref<64x128xf32, #tpu.memory_space<vmem>>
      tpu.wait_dma2 semaphore(%run_scoped3A_325 : memref<!tpu.dma_semaphore, #tpu.memory_space<semaphore_mem>>) src(%dma_wait3A_349 : memref<64x128xf32, #tpu.memory_space<vmem>>) dst(%dma_wait3A_345 : memref<64x128xf32, #tpu.memory_space<vmem_shared>>)
      tpu.yield
    }) : () -> ()
    %mul3A_237 = arith.constant 640 : i32
    %mul3A_238 = arith.muli %arg1, %mul3A_237 : i32
    %add3A_239 = arith.constant 512 : i32
    %add3A_240 = arith.addi %mul3A_238, %add3A_239 : i32
    %run_scoped3A_241 = arith.constant 0 : i32
    "tpu.region"() ({
      %run_scoped3A_325 = tpu.sem_alloc : memref<!tpu.dma_semaphore, #tpu.memory_space<semaphore_mem>>
      %dma_start3A_326 = arith.constant 0 : i32
      %dma_start3A_327 = arith.constant 0 : i32
      %dma_start3A_328 = tpu.memref_slice %arg6[%run_scoped3A_241, %dma_start3A_326, %dma_start3A_327] : memref<5x64x128xf32, #tpu.memory_space<vmem>> -> memref<1x64x128xf32, #tpu.memory_space<vmem>>
      %dma_start3A_329 = tpu.memref_squeeze %dma_start3A_328 : memref<1x64x128xf32, #tpu.memory_space<vmem>> -> memref<64x128xf32, #tpu.memory_space<vmem>>
      %dma_start3A_330 = arith.constant 0 : i32
      %dma_start3A_331 = tpu.memref_slice %arg7[%add3A_240, %dma_start3A_330] : memref<10240x128xf32, #tpu.memory_space<vmem_shared>> -> memref<64x128xf32, #tpu.memory_space<vmem_shared>>
      %dma_start3A_332 = arith.constant 0 : i32
      %dma_start3A_333 = tpu.memref_slice %arg7[%add3A_240, %dma_start3A_332] : memref<10240x128xf32, #tpu.memory_space<vmem_shared>> -> memref<64x128xf32, #tpu.memory_space<vmem_shared>>
      %dma_start3A_334 = arith.constant 0 : i32
      %dma_start3A_335 = arith.constant 0 : i32
      %dma_start3A_336 = tpu.memref_slice %arg6[%run_scoped3A_241, %dma_start3A_334, %dma_start3A_335] : memref<5x64x128xf32, #tpu.memory_space<vmem>> -> memref<1x64x128xf32, #tpu.memory_space<vmem>>
      %dma_start3A_337 = tpu.memref_squeeze %dma_start3A_336 : memref<1x64x128xf32, #tpu.memory_space<vmem>> -> memref<64x128xf32, #tpu.memory_space<vmem>>
      tpu.enqueue_dma source(%dma_start3A_337 : memref<64x128xf32, #tpu.memory_space<vmem>>) target(%dma_start3A_333 : memref<64x128xf32, #tpu.memory_space<vmem_shared>>) target_semaphore(%run_scoped3A_325 : memref<!tpu.dma_semaphore, #tpu.memory_space<semaphore_mem>>)
      %dma_wait3A_338 = arith.constant 0 : i32
      %dma_wait3A_339 = arith.constant 0 : i32
      %dma_wait3A_340 = tpu.memref_slice %arg6[%run_scoped3A_241, %dma_wait3A_338, %dma_wait3A_339] : memref<5x64x128xf32, #tpu.memory_space<vmem>> -> memref<1x64x128xf32, #tpu.memory_space<vmem>>
      %dma_wait3A_341 = tpu.memref_squeeze %dma_wait3A_340 : memref<1x64x128xf32, #tpu.memory_space<vmem>> -> memref<64x128xf32, #tpu.memory_space<vmem>>
      %dma_wait3A_342 = arith.constant 0 : i32
      %dma_wait3A_343 = tpu.memref_slice %arg7[%add3A_240, %dma_wait3A_342] : memref<10240x128xf32, #tpu.memory_space<vmem_shared>> -> memref<64x128xf32, #tpu.memory_space<vmem_shared>>
      %dma_wait3A_344 = arith.constant 0 : i32
      %dma_wait3A_345 = tpu.memref_slice %arg7[%add3A_240, %dma_wait3A_344] : memref<10240x128xf32, #tpu.memory_space<vmem_shared>> -> memref<64x128xf32, #tpu.memory_space<vmem_shared>>
      %dma_wait3A_346 = arith.constant 0 : i32
      %dma_wait3A_347 = arith.constant 0 : i32
      %dma_wait3A_348 = tpu.memref_slice %arg6[%run_scoped3A_241, %dma_wait3A_346, %dma_wait3A_347] : memref<5x64x128xf32, #tpu.memory_space<vmem>> -> memref<1x64x128xf32, #tpu.memory_space<vmem>>
      %dma_wait3A_349 = tpu.memref_squeeze %dma_wait3A_348 : memref<1x64x128xf32, #tpu.memory_space<vmem>> -> memref<64x128xf32, #tpu.memory_space<vmem>>
      tpu.wait_dma2 semaphore(%run_scoped3A_325 : memref<!tpu.dma_semaphore, #tpu.memory_space<semaphore_mem>>) src(%dma_wait3A_349 : memref<64x128xf32, #tpu.memory_space<vmem>>) dst(%dma_wait3A_345 : memref<64x128xf32, #tpu.memory_space<vmem_shared>>)
      tpu.yield
    }) : () -> ()
    %mul3A_242 = arith.constant 640 : i32
    %mul3A_243 = arith.muli %arg1, %mul3A_242 : i32
    %add3A_244 = arith.constant 576 : i32
    %add3A_245 = arith.addi %mul3A_243, %add3A_244 : i32
    %run_scoped3A_246 = arith.constant 0 : i32
    "tpu.region"() ({
      %run_scoped3A_325 = tpu.sem_alloc : memref<!tpu.dma_semaphore, #tpu.memory_space<semaphore_mem>>
      %dma_start3A_326 = arith.constant 0 : i32
      %dma_start3A_327 = arith.constant 0 : i32
      %dma_start3A_328 = tpu.memref_slice %arg6[%run_scoped3A_246, %dma_start3A_326, %dma_start3A_327] : memref<5x64x128xf32, #tpu.memory_space<vmem>> -> memref<1x64x128xf32, #tpu.memory_space<vmem>>
      %dma_start3A_329 = tpu.memref_squeeze %dma_start3A_328 : memref<1x64x128xf32, #tpu.memory_space<vmem>> -> memref<64x128xf32, #tpu.memory_space<vmem>>
      %dma_start3A_330 = arith.constant 0 : i32
      %dma_start3A_331 = tpu.memref_slice %arg7[%add3A_245, %dma_start3A_330] : memref<10240x128xf32, #tpu.memory_space<vmem_shared>> -> memref<64x128xf32, #tpu.memory_space<vmem_shared>>
      %dma_start3A_332 = arith.constant 0 : i32
      %dma_start3A_333 = tpu.memref_slice %arg7[%add3A_245, %dma_start3A_332] : memref<10240x128xf32, #tpu.memory_space<vmem_shared>> -> memref<64x128xf32, #tpu.memory_space<vmem_shared>>
      %dma_start3A_334 = arith.constant 0 : i32
      %dma_start3A_335 = arith.constant 0 : i32
      %dma_start3A_336 = tpu.memref_slice %arg6[%run_scoped3A_246, %dma_start3A_334, %dma_start3A_335] : memref<5x64x128xf32, #tpu.memory_space<vmem>> -> memref<1x64x128xf32, #tpu.memory_space<vmem>>
      %dma_start3A_337 = tpu.memref_squeeze %dma_start3A_336 : memref<1x64x128xf32, #tpu.memory_space<vmem>> -> memref<64x128xf32, #tpu.memory_space<vmem>>
      tpu.enqueue_dma source(%dma_start3A_337 : memref<64x128xf32, #tpu.memory_space<vmem>>) target(%dma_start3A_333 : memref<64x128xf32, #tpu.memory_space<vmem_shared>>) target_semaphore(%run_scoped3A_325 : memref<!tpu.dma_semaphore, #tpu.memory_space<semaphore_mem>>)
      %dma_wait3A_338 = arith.constant 0 : i32
      %dma_wait3A_339 = arith.constant 0 : i32
      %dma_wait3A_340 = tpu.memref_slice %arg6[%run_scoped3A_246, %dma_wait3A_338, %dma_wait3A_339] : memref<5x64x128xf32, #tpu.memory_space<vmem>> -> memref<1x64x128xf32, #tpu.memory_space<vmem>>
      %dma_wait3A_341 = tpu.memref_squeeze %dma_wait3A_340 : memref<1x64x128xf32, #tpu.memory_space<vmem>> -> memref<64x128xf32, #tpu.memory_space<vmem>>
      %dma_wait3A_342 = arith.constant 0 : i32
      %dma_wait3A_343 = tpu.memref_slice %arg7[%add3A_245, %dma_wait3A_342] : memref<10240x128xf32, #tpu.memory_space<vmem_shared>> -> memref<64x128xf32, #tpu.memory_space<vmem_shared>>
      %dma_wait3A_344 = arith.constant 0 : i32
      %dma_wait3A_345 = tpu.memref_slice %arg7[%add3A_245, %dma_wait3A_344] : memref<10240x128xf32, #tpu.memory_space<vmem_shared>> -> memref<64x128xf32, #tpu.memory_space<vmem_shared>>
      %dma_wait3A_346 = arith.constant 0 : i32
      %dma_wait3A_347 = arith.constant 0 : i32
      %dma_wait3A_348 = tpu.memref_slice %arg6[%run_scoped3A_246, %dma_wait3A_346, %dma_wait3A_347] : memref<5x64x128xf32, #tpu.memory_space<vmem>> -> memref<1x64x128xf32, #tpu.memory_space<vmem>>
      %dma_wait3A_349 = tpu.memref_squeeze %dma_wait3A_348 : memref<1x64x128xf32, #tpu.memory_space<vmem>> -> memref<64x128xf32, #tpu.memory_space<vmem>>
      tpu.wait_dma2 semaphore(%run_scoped3A_325 : memref<!tpu.dma_semaphore, #tpu.memory_space<semaphore_mem>>) src(%dma_wait3A_349 : memref<64x128xf32, #tpu.memory_space<vmem>>) dst(%dma_wait3A_345 : memref<64x128xf32, #tpu.memory_space<vmem_shared>>)
      tpu.yield
    }) : () -> ()
    %barrier3A = arith.constant 0 : index
    tpu.barrier barrier_id(%barrier3A)
    %mul3A_247 = arith.constant 64 : i32
    %mul3A_248 = arith.muli %mul3A_2, %mul3A_247 : i32
    %dma_start3A_249 = arith.constant 0 : i32
    %dma_start3A_250 = arith.constant 0 : i32
    %dma_start3A_251 = arith.constant 0 : i32
    %dma_start3A_252 = arith.constant 0 : i32
    %dma_start3A_253 = arith.constant 0 : i32
    %dma_start3A_254 = tpu.memref_slice %arg6[%dma_start3A_250, %dma_start3A_252, %dma_start3A_253] : memref<5x64x128xf32, #tpu.memory_space<vmem>> -> memref<1x64x128xf32, #tpu.memory_space<vmem>>
    %dma_start3A_255 = tpu.memref_squeeze %dma_start3A_254 : memref<1x64x128xf32, #tpu.memory_space<vmem>> -> memref<64x128xf32, #tpu.memory_space<vmem>>
    %dma_start3A_256 = arith.constant 0 : i32
    %dma_start3A_257 = tpu.memref_slice %arg2[%dma_start3A_249, %mul3A_248, %dma_start3A_256] : memref<1x320000x128xf32, #tpu.memory_space<hbm>> -> memref<1x64x128xf32, #tpu.memory_space<hbm>>
    %dma_start3A_258 = tpu.memref_squeeze %dma_start3A_257 : memref<1x64x128xf32, #tpu.memory_space<hbm>> -> memref<64x128xf32, #tpu.memory_space<hbm>>
    %dma_start3A_259 = tpu.memref_slice %arg8[%dma_start3A_251] : memref<5x!tpu.dma_semaphore, #tpu.memory_space<semaphore_mem>> -> memref<1x!tpu.dma_semaphore, #tpu.memory_space<semaphore_mem>>
    %dma_start3A_260 = tpu.memref_squeeze %dma_start3A_259 : memref<1x!tpu.dma_semaphore, #tpu.memory_space<semaphore_mem>> -> memref<!tpu.dma_semaphore, #tpu.memory_space<semaphore_mem>>
    %dma_start3A_261 = arith.constant 0 : i32
    %dma_start3A_262 = arith.constant 0 : i32
    %dma_start3A_263 = tpu.memref_slice %arg6[%dma_start3A_250, %dma_start3A_261, %dma_start3A_262] : memref<5x64x128xf32, #tpu.memory_space<vmem>> -> memref<1x64x128xf32, #tpu.memory_space<vmem>>
    %dma_start3A_264 = tpu.memref_squeeze %dma_start3A_263 : memref<1x64x128xf32, #tpu.memory_space<vmem>> -> memref<64x128xf32, #tpu.memory_space<vmem>>
    %dma_start3A_265 = arith.constant 0 : i32
    %dma_start3A_266 = tpu.memref_slice %arg2[%dma_start3A_249, %mul3A_248, %dma_start3A_265] : memref<1x320000x128xf32, #tpu.memory_space<hbm>> -> memref<1x64x128xf32, #tpu.memory_space<hbm>>
    %dma_start3A_267 = tpu.memref_squeeze %dma_start3A_266 : memref<1x64x128xf32, #tpu.memory_space<hbm>> -> memref<64x128xf32, #tpu.memory_space<hbm>>
    tpu.enqueue_dma source(%dma_start3A_267 : memref<64x128xf32, #tpu.memory_space<hbm>>) target(%dma_start3A_264 : memref<64x128xf32, #tpu.memory_space<vmem>>) target_semaphore(%dma_start3A_260 : memref<!tpu.dma_semaphore, #tpu.memory_space<semaphore_mem>>)
    %scan3A_268 = arith.constant 0 : i32
    %scan3A_269 = arith.constant 0 : i32
    %scan3A_270 = arith.constant 31 : i32
    %scan3A_271 = arith.addi %scan3A_269, %scan3A_270 : i32
    %scan3A_272 = arith.constant 1 : i32
    %scan3A_273 = scf.for %scan3A_325 = %scan3A_269 to %scan3A_271 step %scan3A_272 iter_args(%scan3A_326 = %scan3A_268) -> (i32)  : i32 {
      %mul3A_327 = arith.constant 5 : i32
      %mul3A_328 = arith.muli %mul3A_327, %scan3A_325 : i32
      %add3A_329 = arith.addi %mul3A_2, %mul3A_328 : i32
      %add3A_330 = arith.constant 0 : i32
      %add3A_331 = arith.addi %add3A_329, %add3A_330 : i32
      %mul3A_332 = arith.constant 64 : i32
      %mul3A_333 = arith.muli %add3A_331, %mul3A_332 : i32
      %dma_wait3A_334 = arith.constant 0 : i32
      %dma_wait3A_335 = arith.constant 0 : i32
      %dma_wait3A_336 = arith.constant 0 : i32
      %dma_wait3A_337 = arith.constant 0 : i32
      %dma_wait3A_338 = arith.constant 0 : i32
      %dma_wait3A_339 = tpu.memref_slice %arg6[%dma_wait3A_335, %dma_wait3A_337, %dma_wait3A_338] : memref<5x64x128xf32, #tpu.memory_space<vmem>> -> memref<1x64x128xf32, #tpu.memory_space<vmem>>
      %dma_wait3A_340 = tpu.memref_squeeze %dma_wait3A_339 : memref<1x64x128xf32, #tpu.memory_space<vmem>> -> memref<64x128xf32, #tpu.memory_space<vmem>>
      %dma_wait3A_341 = arith.constant 0 : i32
      %dma_wait3A_342 = tpu.memref_slice %arg2[%dma_wait3A_334, %mul3A_333, %dma_wait3A_341] : memref<1x320000x128xf32, #tpu.memory_space<hbm>> -> memref<1x64x128xf32, #tpu.memory_space<hbm>>
      %dma_wait3A_343 = tpu.memref_squeeze %dma_wait3A_342 : memref<1x64x128xf32, #tpu.memory_space<hbm>> -> memref<64x128xf32, #tpu.memory_space<hbm>>
      %dma_wait3A_344 = tpu.memref_slice %arg8[%dma_wait3A_336] : memref<5x!tpu.dma_semaphore, #tpu.memory_space<semaphore_mem>> -> memref<1x!tpu.dma_semaphore, #tpu.memory_space<semaphore_mem>>
      %dma_wait3A_345 = tpu.memref_squeeze %dma_wait3A_344 : memref<1x!tpu.dma_semaphore, #tpu.memory_space<semaphore_mem>> -> memref<!tpu.dma_semaphore, #tpu.memory_space<semaphore_mem>>
      %dma_wait3A_346 = arith.constant 0 : i32
      %dma_wait3A_347 = arith.constant 0 : i32
      %dma_wait3A_348 = tpu.memref_slice %arg6[%dma_wait3A_335, %dma_wait3A_346, %dma_wait3A_347] : memref<5x64x128xf32, #tpu.memory_space<vmem>> -> memref<1x64x128xf32, #tpu.memory_space<vmem>>
      %dma_wait3A_349 = tpu.memref_squeeze %dma_wait3A_348 : memref<1x64x128xf32, #tpu.memory_space<vmem>> -> memref<64x128xf32, #tpu.memory_space<vmem>>
      %dma_wait3A_350 = arith.constant 0 : i32
      %dma_wait3A_351 = tpu.memref_slice %arg2[%dma_wait3A_334, %mul3A_333, %dma_wait3A_350] : memref<1x320000x128xf32, #tpu.memory_space<hbm>> -> memref<1x64x128xf32, #tpu.memory_space<hbm>>
      %dma_wait3A_352 = tpu.memref_squeeze %dma_wait3A_351 : memref<1x64x128xf32, #tpu.memory_space<hbm>> -> memref<64x128xf32, #tpu.memory_space<hbm>>
      tpu.wait_dma2 semaphore(%dma_wait3A_345 : memref<!tpu.dma_semaphore, #tpu.memory_space<semaphore_mem>>) src(%dma_wait3A_352 : memref<64x128xf32, #tpu.memory_space<hbm>>) dst(%dma_wait3A_349 : memref<64x128xf32, #tpu.memory_space<vmem>>)
      %mul3A_353 = arith.constant 64 : i32
      %mul3A_354 = arith.muli %add3A_331, %mul3A_353 : i32
      %dma_wait3A_355 = arith.constant 0 : i32
      %dma_wait3A_356 = arith.constant 0 : i32
      %dma_wait3A_357 = arith.constant 0 : i32
      %dma_wait3A_358 = arith.constant 0 : i32
      %dma_wait3A_359 = arith.constant 0 : i32
      %dma_wait3A_360 = tpu.memref_slice %arg5[%dma_wait3A_357, %dma_wait3A_359] : memref<5x64xi32, #tpu.memory_space<vmem>> -> memref<1x64xi32, #tpu.memory_space<vmem>>
      %dma_wait3A_361 = tpu.memref_squeeze %dma_wait3A_360 : memref<1x64xi32, #tpu.memory_space<vmem>> -> memref<64xi32, #tpu.memory_space<vmem>>
      %dma_wait3A_362 = tpu.memref_slice %arg3[%dma_wait3A_355, %dma_wait3A_356, %mul3A_354] : memref<1x2x320000xi32, #tpu.memory_space<hbm>> -> memref<1x1x64xi32, #tpu.memory_space<hbm>>
      %dma_wait3A_363 = tpu.memref_squeeze %dma_wait3A_362 : memref<1x1x64xi32, #tpu.memory_space<hbm>> -> memref<64xi32, #tpu.memory_space<hbm>>
      %dma_wait3A_364 = tpu.memref_slice %arg9[%dma_wait3A_358] : memref<5x!tpu.dma_semaphore, #tpu.memory_space<semaphore_mem>> -> memref<1x!tpu.dma_semaphore, #tpu.memory_space<semaphore_mem>>
      %dma_wait3A_365 = tpu.memref_squeeze %dma_wait3A_364 : memref<1x!tpu.dma_semaphore, #tpu.memory_space<semaphore_mem>> -> memref<!tpu.dma_semaphore, #tpu.memory_space<semaphore_mem>>
      %dma_wait3A_366 = arith.constant 0 : i32
      %dma_wait3A_367 = tpu.memref_slice %arg5[%dma_wait3A_357, %dma_wait3A_366] : memref<5x64xi32, #tpu.memory_space<vmem>> -> memref<1x64xi32, #tpu.memory_space<vmem>>
      %dma_wait3A_368 = tpu.memref_squeeze %dma_wait3A_367 : memref<1x64xi32, #tpu.memory_space<vmem>> -> memref<64xi32, #tpu.memory_space<vmem>>
      %dma_wait3A_369 = tpu.memref_slice %arg3[%dma_wait3A_355, %dma_wait3A_356, %mul3A_354] : memref<1x2x320000xi32, #tpu.memory_space<hbm>> -> memref<1x1x64xi32, #tpu.memory_space<hbm>>
      %dma_wait3A_370 = tpu.memref_squeeze %dma_wait3A_369 : memref<1x1x64xi32, #tpu.memory_space<hbm>> -> memref<64xi32, #tpu.memory_space<hbm>>
      tpu.wait_dma2 semaphore(%dma_wait3A_365 : memref<!tpu.dma_semaphore, #tpu.memory_space<semaphore_mem>>) src(%dma_wait3A_370 : memref<64xi32, #tpu.memory_space<hbm>>) dst(%dma_wait3A_368 : memref<64xi32, #tpu.memory_space<vmem>>)
      %run_scoped3A_371 = arith.constant 0 : i32
      %run_scoped3A_372 = arith.constant 0 : i32
      "tpu.region"() ({
        %run_scoped3A_613 = tpu.sem_alloc : memref<!tpu.dma_semaphore, #tpu.memory_space<semaphore_mem>>
        %dma_start3A_614 = arith.constant 0 : i32
        %dma_start3A_615 = arith.constant 0 : i32
        %dma_start3A_616 = tpu.memref_slice %arg6[%run_scoped3A_371, %dma_start3A_614, %dma_start3A_615] : memref<5x64x128xf32, #tpu.memory_space<vmem>> -> memref<1x64x128xf32, #tpu.memory_space<vmem>>
        %dma_start3A_617 = tpu.memref_squeeze %dma_start3A_616 : memref<1x64x128xf32, #tpu.memory_space<vmem>> -> memref<64x128xf32, #tpu.memory_space<vmem>>
        %dma_start3A_618 = arith.constant 0 : i32
        %dma_start3A_619 = tpu.memref_slice %arg5[%run_scoped3A_372, %dma_start3A_618] : memref<5x64xi32, #tpu.memory_space<vmem>> -> memref<1x64xi32, #tpu.memory_space<vmem>>
        %dma_start3A_620 = tpu.memref_squeeze %dma_start3A_619 : memref<1x64xi32, #tpu.memory_space<vmem>> -> memref<64xi32, #tpu.memory_space<vmem>>
        %dma_start3A_621 = arith.constant 0 : i32
        %dma_start3A_622 = arith.constant 0 : i32
        %dma_start3A_623 = tpu.memref_slice %arg7[%dma_start3A_621, %dma_start3A_622] : memref<10240x128xf32, #tpu.memory_space<vmem_shared>> -> memref<10240x128xf32, #tpu.memory_space<vmem_shared>>
        tpu.enqueue_indirect_dma source(%dma_start3A_617 : memref<64x128xf32, #tpu.memory_space<vmem>>) target(%dma_start3A_623 : memref<10240x128xf32, #tpu.memory_space<vmem_shared>>) offsets(%dma_start3A_620 : memref<64xi32, #tpu.memory_space<vmem>>) semaphore(%run_scoped3A_613 : memref<!tpu.dma_semaphore, #tpu.memory_space<semaphore_mem>>) {add = true}
        %dma_wait3A_624 = arith.constant 0 : i32
        %dma_wait3A_625 = arith.constant 0 : i32
        %dma_wait3A_626 = tpu.memref_slice %arg6[%run_scoped3A_371, %dma_wait3A_624, %dma_wait3A_625] : memref<5x64x128xf32, #tpu.memory_space<vmem>> -> memref<1x64x128xf32, #tpu.memory_space<vmem>>
        %dma_wait3A_627 = tpu.memref_squeeze %dma_wait3A_626 : memref<1x64x128xf32, #tpu.memory_space<vmem>> -> memref<64x128xf32, #tpu.memory_space<vmem>>
        %dma_wait3A_628 = arith.constant 0 : i32
        %dma_wait3A_629 = tpu.memref_slice %arg5[%run_scoped3A_372, %dma_wait3A_628] : memref<5x64xi32, #tpu.memory_space<vmem>> -> memref<1x64xi32, #tpu.memory_space<vmem>>
        %dma_wait3A_630 = tpu.memref_squeeze %dma_wait3A_629 : memref<1x64xi32, #tpu.memory_space<vmem>> -> memref<64xi32, #tpu.memory_space<vmem>>
        %dma_wait3A_631 = arith.constant 0 : i32
        %dma_wait3A_632 = arith.constant 0 : i32
        %dma_wait3A_633 = tpu.memref_slice %arg7[%dma_wait3A_631, %dma_wait3A_632] : memref<10240x128xf32, #tpu.memory_space<vmem_shared>> -> memref<10240x128xf32, #tpu.memory_space<vmem_shared>>
        tpu.wait_indirect_dma semaphore(%run_scoped3A_613 : memref<!tpu.dma_semaphore, #tpu.memory_space<semaphore_mem>>) src(%dma_wait3A_627 : memref<64x128xf32, #tpu.memory_space<vmem>>) dst(%dma_wait3A_633 : memref<10240x128xf32, #tpu.memory_space<vmem_shared>>)
        tpu.yield
      }) : () -> ()
      %mul3A_373 = arith.constant 5 : i32
      %mul3A_374 = arith.muli %mul3A_373, %scan3A_325 : i32
      %add3A_375 = arith.constant 0 : i32
      %add3A_376 = arith.addi %mul3A_374, %add3A_375 : i32
      %add3A_377 = arith.constant 5 : i32
      %add3A_378 = arith.addi %add3A_376, %add3A_377 : i32
      %lt3A_379 = arith.constant 156 : i32
      %lt3A_380 = arith.cmpi slt, %add3A_378, %lt3A_379 : i32
      %convert_element_type3A_381 = arith.extui %lt3A_380 : i1 to i32
      %cond3A_382 = arith.constant 0 : i32
      %cond3A_383 = arith.cmpi ne, %convert_element_type3A_381, %cond3A_382 : i32
      scf.if %cond3A_383 {
        %add3A_613 = arith.constant 5 : i32
        %add3A_614 = arith.addi %add3A_331, %add3A_613 : i32
        %mul3A_615 = arith.constant 64 : i32
        %mul3A_616 = arith.muli %add3A_614, %mul3A_615 : i32
        %dma_start3A_617 = arith.constant 0 : i32
        %dma_start3A_618 = arith.constant 0 : i32
        %dma_start3A_619 = arith.constant 0 : i32
        %dma_start3A_620 = arith.constant 0 : i32
        %dma_start3A_621 = arith.constant 0 : i32
        %dma_start3A_622 = tpu.memref_slice %arg6[%dma_start3A_618, %dma_start3A_620, %dma_start3A_621] : memref<5x64x128xf32, #tpu.memory_space<vmem>> -> memref<1x64x128xf32, #tpu.memory_space<vmem>>
        %dma_start3A_623 = tpu.memref_squeeze %dma_start3A_622 : memref<1x64x128xf32, #tpu.memory_space<vmem>> -> memref<64x128xf32, #tpu.memory_space<vmem>>
        %dma_start3A_624 = arith.constant 0 : i32
        %dma_start3A_625 = tpu.memref_slice %arg2[%dma_start3A_617, %mul3A_616, %dma_start3A_624] : memref<1x320000x128xf32, #tpu.memory_space<hbm>> -> memref<1x64x128xf32, #tpu.memory_space<hbm>>
        %dma_start3A_626 = tpu.memref_squeeze %dma_start3A_625 : memref<1x64x128xf32, #tpu.memory_space<hbm>> -> memref<64x128xf32, #tpu.memory_space<hbm>>
        %dma_start3A_627 = tpu.memref_slice %arg8[%dma_start3A_619] : memref<5x!tpu.dma_semaphore, #tpu.memory_space<semaphore_mem>> -> memref<1x!tpu.dma_semaphore, #tpu.memory_space<semaphore_mem>>
        %dma_start3A_628 = tpu.memref_squeeze %dma_start3A_627 : memref<1x!tpu.dma_semaphore, #tpu.memory_space<semaphore_mem>> -> memref<!tpu.dma_semaphore, #tpu.memory_space<semaphore_mem>>
        %dma_start3A_629 = arith.constant 0 : i32
        %dma_start3A_630 = arith.constant 0 : i32
        %dma_start3A_631 = tpu.memref_slice %arg6[%dma_start3A_618, %dma_start3A_629, %dma_start3A_630] : memref<5x64x128xf32, #tpu.memory_space<vmem>> -> memref<1x64x128xf32, #tpu.memory_space<vmem>>
        %dma_start3A_632 = tpu.memref_squeeze %dma_start3A_631 : memref<1x64x128xf32, #tpu.memory_space<vmem>> -> memref<64x128xf32, #tpu.memory_space<vmem>>
        %dma_start3A_633 = arith.constant 0 : i32
        %dma_start3A_634 = tpu.memref_slice %arg2[%dma_start3A_617, %mul3A_616, %dma_start3A_633] : memref<1x320000x128xf32, #tpu.memory_space<hbm>> -> memref<1x64x128xf32, #tpu.memory_space<hbm>>
        %dma_start3A_635 = tpu.memref_squeeze %dma_start3A_634 : memref<1x64x128xf32, #tpu.memory_space<hbm>> -> memref<64x128xf32, #tpu.memory_space<hbm>>
        tpu.enqueue_dma source(%dma_start3A_635 : memref<64x128xf32, #tpu.memory_space<hbm>>) target(%dma_start3A_632 : memref<64x128xf32, #tpu.memory_space<vmem>>) target_semaphore(%dma_start3A_628 : memref<!tpu.dma_semaphore, #tpu.memory_space<semaphore_mem>>)
        %add3A_636 = arith.constant 5 : i32
        %add3A_637 = arith.addi %add3A_331, %add3A_636 : i32
        %mul3A_638 = arith.constant 64 : i32
        %mul3A_639 = arith.muli %add3A_637, %mul3A_638 : i32
        %dma_start3A_640 = arith.constant 0 : i32
        %dma_start3A_641 = arith.constant 0 : i32
        %dma_start3A_642 = arith.constant 0 : i32
        %dma_start3A_643 = arith.constant 0 : i32
        %dma_start3A_644 = arith.constant 0 : i32
        %dma_start3A_645 = tpu.memref_slice %arg5[%dma_start3A_642, %dma_start3A_644] : memref<5x64xi32, #tpu.memory_space<vmem>> -> memref<1x64xi32, #tpu.memory_space<vmem>>
        %dma_start3A_646 = tpu.memref_squeeze %dma_start3A_645 : memref<1x64xi32, #tpu.memory_space<vmem>> -> memref<64xi32, #tpu.memory_space<vmem>>
        %dma_start3A_647 = tpu.memref_slice %arg3[%dma_start3A_640, %dma_start3A_641, %mul3A_639] : memref<1x2x320000xi32, #tpu.memory_space<hbm>> -> memref<1x1x64xi32, #tpu.memory_space<hbm>>
        %dma_start3A_648 = tpu.memref_squeeze %dma_start3A_647 : memref<1x1x64xi32, #tpu.memory_space<hbm>> -> memref<64xi32, #tpu.memory_space<hbm>>
        %dma_start3A_649 = tpu.memref_slice %arg9[%dma_start3A_643] : memref<5x!tpu.dma_semaphore, #tpu.memory_space<semaphore_mem>> -> memref<1x!tpu.dma_semaphore, #tpu.memory_space<semaphore_mem>>
        %dma_start3A_650 = tpu.memref_squeeze %dma_start3A_649 : memref<1x!tpu.dma_semaphore, #tpu.memory_space<semaphore_mem>> -> memref<!tpu.dma_semaphore, #tpu.memory_space<semaphore_mem>>
        %dma_start3A_651 = arith.constant 0 : i32
        %dma_start3A_652 = tpu.memref_slice %arg5[%dma_start3A_642, %dma_start3A_651] : memref<5x64xi32, #tpu.memory_space<vmem>> -> memref<1x64xi32, #tpu.memory_space<vmem>>
        %dma_start3A_653 = tpu.memref_squeeze %dma_start3A_652 : memref<1x64xi32, #tpu.memory_space<vmem>> -> memref<64xi32, #tpu.memory_space<vmem>>
        %dma_start3A_654 = tpu.memref_slice %arg3[%dma_start3A_640, %dma_start3A_641, %mul3A_639] : memref<1x2x320000xi32, #tpu.memory_space<hbm>> -> memref<1x1x64xi32, #tpu.memory_space<hbm>>
        %dma_start3A_655 = tpu.memref_squeeze %dma_start3A_654 : memref<1x1x64xi32, #tpu.memory_space<hbm>> -> memref<64xi32, #tpu.memory_space<hbm>>
        tpu.enqueue_dma source(%dma_start3A_655 : memref<64xi32, #tpu.memory_space<hbm>>) target(%dma_start3A_653 : memref<64xi32, #tpu.memory_space<vmem>>) target_semaphore(%dma_start3A_650 : memref<!tpu.dma_semaphore, #tpu.memory_space<semaphore_mem>>)
      } else {
      }
      %mul3A_384 = arith.constant 5 : i32
      %mul3A_385 = arith.muli %mul3A_384, %scan3A_325 : i32
      %add3A_386 = arith.addi %mul3A_2, %mul3A_385 : i32
      %add3A_387 = arith.constant 1 : i32
      %add3A_388 = arith.addi %add3A_386, %add3A_387 : i32
      %mul3A_389 = arith.constant 64 : i32
      %mul3A_390 = arith.muli %add3A_388, %mul3A_389 : i32
      %dma_wait3A_391 = arith.constant 0 : i32
      %dma_wait3A_392 = arith.constant 1 : i32
      %dma_wait3A_393 = arith.constant 1 : i32
      %dma_wait3A_394 = arith.constant 0 : i32
      %dma_wait3A_395 = arith.constant 0 : i32
      %dma_wait3A_396 = tpu.memref_slice %arg6[%dma_wait3A_392, %dma_wait3A_394, %dma_wait3A_395] : memref<5x64x128xf32, #tpu.memory_space<vmem>> -> memref<1x64x128xf32, #tpu.memory_space<vmem>>
      %dma_wait3A_397 = tpu.memref_squeeze %dma_wait3A_396 : memref<1x64x128xf32, #tpu.memory_space<vmem>> -> memref<64x128xf32, #tpu.memory_space<vmem>>
      %dma_wait3A_398 = arith.constant 0 : i32
      %dma_wait3A_399 = tpu.memref_slice %arg2[%dma_wait3A_391, %mul3A_390, %dma_wait3A_398] : memref<1x320000x128xf32, #tpu.memory_space<hbm>> -> memref<1x64x128xf32, #tpu.memory_space<hbm>>
      %dma_wait3A_400 = tpu.memref_squeeze %dma_wait3A_399 : memref<1x64x128xf32, #tpu.memory_space<hbm>> -> memref<64x128xf32, #tpu.memory_space<hbm>>
      %dma_wait3A_401 = tpu.memref_slice %arg8[%dma_wait3A_393] : memref<5x!tpu.dma_semaphore, #tpu.memory_space<semaphore_mem>> -> memref<1x!tpu.dma_semaphore, #tpu.memory_space<semaphore_mem>>
      %dma_wait3A_402 = tpu.memref_squeeze %dma_wait3A_401 : memref<1x!tpu.dma_semaphore, #tpu.memory_space<semaphore_mem>> -> memref<!tpu.dma_semaphore, #tpu.memory_space<semaphore_mem>>
      %dma_wait3A_403 = arith.constant 0 : i32
      %dma_wait3A_404 = arith.constant 0 : i32
      %dma_wait3A_405 = tpu.memref_slice %arg6[%dma_wait3A_392, %dma_wait3A_403, %dma_wait3A_404] : memref<5x64x128xf32, #tpu.memory_space<vmem>> -> memref<1x64x128xf32, #tpu.memory_space<vmem>>
      %dma_wait3A_406 = tpu.memref_squeeze %dma_wait3A_405 : memref<1x64x128xf32, #tpu.memory_space<vmem>> -> memref<64x128xf32, #tpu.memory_space<vmem>>
      %dma_wait3A_407 = arith.constant 0 : i32
      %dma_wait3A_408 = tpu.memref_slice %arg2[%dma_wait3A_391, %mul3A_390, %dma_wait3A_407] : memref<1x320000x128xf32, #tpu.memory_space<hbm>> -> memref<1x64x128xf32, #tpu.memory_space<hbm>>
      %dma_wait3A_409 = tpu.memref_squeeze %dma_wait3A_408 : memref<1x64x128xf32, #tpu.memory_space<hbm>> -> memref<64x128xf32, #tpu.memory_space<hbm>>
      tpu.wait_dma2 semaphore(%dma_wait3A_402 : memref<!tpu.dma_semaphore, #tpu.memory_space<semaphore_mem>>) src(%dma_wait3A_409 : memref<64x128xf32, #tpu.memory_space<hbm>>) dst(%dma_wait3A_406 : memref<64x128xf32, #tpu.memory_space<vmem>>)
      %mul3A_410 = arith.constant 64 : i32
      %mul3A_411 = arith.muli %add3A_388, %mul3A_410 : i32
      %dma_wait3A_412 = arith.constant 0 : i32
      %dma_wait3A_413 = arith.constant 0 : i32
      %dma_wait3A_414 = arith.constant 1 : i32
      %dma_wait3A_415 = arith.constant 1 : i32
      %dma_wait3A_416 = arith.constant 0 : i32
      %dma_wait3A_417 = tpu.memref_slice %arg5[%dma_wait3A_414, %dma_wait3A_416] : memref<5x64xi32, #tpu.memory_space<vmem>> -> memref<1x64xi32, #tpu.memory_space<vmem>>
      %dma_wait3A_418 = tpu.memref_squeeze %dma_wait3A_417 : memref<1x64xi32, #tpu.memory_space<vmem>> -> memref<64xi32, #tpu.memory_space<vmem>>
      %dma_wait3A_419 = tpu.memref_slice %arg3[%dma_wait3A_412, %dma_wait3A_413, %mul3A_411] : memref<1x2x320000xi32, #tpu.memory_space<hbm>> -> memref<1x1x64xi32, #tpu.memory_space<hbm>>
      %dma_wait3A_420 = tpu.memref_squeeze %dma_wait3A_419 : memref<1x1x64xi32, #tpu.memory_space<hbm>> -> memref<64xi32, #tpu.memory_space<hbm>>
      %dma_wait3A_421 = tpu.memref_slice %arg9[%dma_wait3A_415] : memref<5x!tpu.dma_semaphore, #tpu.memory_space<semaphore_mem>> -> memref<1x!tpu.dma_semaphore, #tpu.memory_space<semaphore_mem>>
      %dma_wait3A_422 = tpu.memref_squeeze %dma_wait3A_421 : memref<1x!tpu.dma_semaphore, #tpu.memory_space<semaphore_mem>> -> memref<!tpu.dma_semaphore, #tpu.memory_space<semaphore_mem>>
      %dma_wait3A_423 = arith.constant 0 : i32
      %dma_wait3A_424 = tpu.memref_slice %arg5[%dma_wait3A_414, %dma_wait3A_423] : memref<5x64xi32, #tpu.memory_space<vmem>> -> memref<1x64xi32, #tpu.memory_space<vmem>>
      %dma_wait3A_425 = tpu.memref_squeeze %dma_wait3A_424 : memref<1x64xi32, #tpu.memory_space<vmem>> -> memref<64xi32, #tpu.memory_space<vmem>>
      %dma_wait3A_426 = tpu.memref_slice %arg3[%dma_wait3A_412, %dma_wait3A_413, %mul3A_411] : memref<1x2x320000xi32, #tpu.memory_space<hbm>> -> memref<1x1x64xi32, #tpu.memory_space<hbm>>
      %dma_wait3A_427 = tpu.memref_squeeze %dma_wait3A_426 : memref<1x1x64xi32, #tpu.memory_space<hbm>> -> memref<64xi32, #tpu.memory_space<hbm>>
      tpu.wait_dma2 semaphore(%dma_wait3A_422 : memref<!tpu.dma_semaphore, #tpu.memory_space<semaphore_mem>>) src(%dma_wait3A_427 : memref<64xi32, #tpu.memory_space<hbm>>) dst(%dma_wait3A_425 : memref<64xi32, #tpu.memory_space<vmem>>)
      %run_scoped3A_428 = arith.constant 1 : i32
      %run_scoped3A_429 = arith.constant 1 : i32
      "tpu.region"() ({
        %run_scoped3A_613 = tpu.sem_alloc : memref<!tpu.dma_semaphore, #tpu.memory_space<semaphore_mem>>
        %dma_start3A_614 = arith.constant 0 : i32
        %dma_start3A_615 = arith.constant 0 : i32
        %dma_start3A_616 = tpu.memref_slice %arg6[%run_scoped3A_428, %dma_start3A_614, %dma_start3A_615] : memref<5x64x128xf32, #tpu.memory_space<vmem>> -> memref<1x64x128xf32, #tpu.memory_space<vmem>>
        %dma_start3A_617 = tpu.memref_squeeze %dma_start3A_616 : memref<1x64x128xf32, #tpu.memory_space<vmem>> -> memref<64x128xf32, #tpu.memory_space<vmem>>
        %dma_start3A_618 = arith.constant 0 : i32
        %dma_start3A_619 = tpu.memref_slice %arg5[%run_scoped3A_429, %dma_start3A_618] : memref<5x64xi32, #tpu.memory_space<vmem>> -> memref<1x64xi32, #tpu.memory_space<vmem>>
        %dma_start3A_620 = tpu.memref_squeeze %dma_start3A_619 : memref<1x64xi32, #tpu.memory_space<vmem>> -> memref<64xi32, #tpu.memory_space<vmem>>
        %dma_start3A_621 = arith.constant 0 : i32
        %dma_start3A_622 = arith.constant 0 : i32
        %dma_start3A_623 = tpu.memref_slice %arg7[%dma_start3A_621, %dma_start3A_622] : memref<10240x128xf32, #tpu.memory_space<vmem_shared>> -> memref<10240x128xf32, #tpu.memory_space<vmem_shared>>
        tpu.enqueue_indirect_dma source(%dma_start3A_617 : memref<64x128xf32, #tpu.memory_space<vmem>>) target(%dma_start3A_623 : memref<10240x128xf32, #tpu.memory_space<vmem_shared>>) offsets(%dma_start3A_620 : memref<64xi32, #tpu.memory_space<vmem>>) semaphore(%run_scoped3A_613 : memref<!tpu.dma_semaphore, #tpu.memory_space<semaphore_mem>>) {add = true}
        %dma_wait3A_624 = arith.constant 0 : i32
        %dma_wait3A_625 = arith.constant 0 : i32
        %dma_wait3A_626 = tpu.memref_slice %arg6[%run_scoped3A_428, %dma_wait3A_624, %dma_wait3A_625] : memref<5x64x128xf32, #tpu.memory_space<vmem>> -> memref<1x64x128xf32, #tpu.memory_space<vmem>>
        %dma_wait3A_627 = tpu.memref_squeeze %dma_wait3A_626 : memref<1x64x128xf32, #tpu.memory_space<vmem>> -> memref<64x128xf32, #tpu.memory_space<vmem>>
        %dma_wait3A_628 = arith.constant 0 : i32
        %dma_wait3A_629 = tpu.memref_slice %arg5[%run_scoped3A_429, %dma_wait3A_628] : memref<5x64xi32, #tpu.memory_space<vmem>> -> memref<1x64xi32, #tpu.memory_space<vmem>>
        %dma_wait3A_630 = tpu.memref_squeeze %dma_wait3A_629 : memref<1x64xi32, #tpu.memory_space<vmem>> -> memref<64xi32, #tpu.memory_space<vmem>>
        %dma_wait3A_631 = arith.constant 0 : i32
        %dma_wait3A_632 = arith.constant 0 : i32
        %dma_wait3A_633 = tpu.memref_slice %arg7[%dma_wait3A_631, %dma_wait3A_632] : memref<10240x128xf32, #tpu.memory_space<vmem_shared>> -> memref<10240x128xf32, #tpu.memory_space<vmem_shared>>
        tpu.wait_indirect_dma semaphore(%run_scoped3A_613 : memref<!tpu.dma_semaphore, #tpu.memory_space<semaphore_mem>>) src(%dma_wait3A_627 : memref<64x128xf32, #tpu.memory_space<vmem>>) dst(%dma_wait3A_633 : memref<10240x128xf32, #tpu.memory_space<vmem_shared>>)
        tpu.yield
      }) : () -> ()
      %mul3A_430 = arith.constant 5 : i32
      %mul3A_431 = arith.muli %mul3A_430, %scan3A_325 : i32
      %add3A_432 = arith.constant 1 : i32
      %add3A_433 = arith.addi %mul3A_431, %add3A_432 : i32
      %add3A_434 = arith.constant 5 : i32
      %add3A_435 = arith.addi %add3A_433, %add3A_434 : i32
      %lt3A_436 = arith.constant 156 : i32
      %lt3A_437 = arith.cmpi slt, %add3A_435, %lt3A_436 : i32
      %convert_element_type3A_438 = arith.extui %lt3A_437 : i1 to i32
      %cond3A_439 = arith.constant 0 : i32
      %cond3A_440 = arith.cmpi ne, %convert_element_type3A_438, %cond3A_439 : i32
      scf.if %cond3A_440 {
        %add3A_613 = arith.constant 5 : i32
        %add3A_614 = arith.addi %add3A_388, %add3A_613 : i32
        %mul3A_615 = arith.constant 64 : i32
        %mul3A_616 = arith.muli %add3A_614, %mul3A_615 : i32
        %dma_start3A_617 = arith.constant 0 : i32
        %dma_start3A_618 = arith.constant 1 : i32
        %dma_start3A_619 = arith.constant 1 : i32
        %dma_start3A_620 = arith.constant 0 : i32
        %dma_start3A_621 = arith.constant 0 : i32
        %dma_start3A_622 = tpu.memref_slice %arg6[%dma_start3A_618, %dma_start3A_620, %dma_start3A_621] : memref<5x64x128xf32, #tpu.memory_space<vmem>> -> memref<1x64x128xf32, #tpu.memory_space<vmem>>
        %dma_start3A_623 = tpu.memref_squeeze %dma_start3A_622 : memref<1x64x128xf32, #tpu.memory_space<vmem>> -> memref<64x128xf32, #tpu.memory_space<vmem>>
        %dma_start3A_624 = arith.constant 0 : i32
        %dma_start3A_625 = tpu.memref_slice %arg2[%dma_start3A_617, %mul3A_616, %dma_start3A_624] : memref<1x320000x128xf32, #tpu.memory_space<hbm>> -> memref<1x64x128xf32, #tpu.memory_space<hbm>>
        %dma_start3A_626 = tpu.memref_squeeze %dma_start3A_625 : memref<1x64x128xf32, #tpu.memory_space<hbm>> -> memref<64x128xf32, #tpu.memory_space<hbm>>
        %dma_start3A_627 = tpu.memref_slice %arg8[%dma_start3A_619] : memref<5x!tpu.dma_semaphore, #tpu.memory_space<semaphore_mem>> -> memref<1x!tpu.dma_semaphore, #tpu.memory_space<semaphore_mem>>
        %dma_start3A_628 = tpu.memref_squeeze %dma_start3A_627 : memref<1x!tpu.dma_semaphore, #tpu.memory_space<semaphore_mem>> -> memref<!tpu.dma_semaphore, #tpu.memory_space<semaphore_mem>>
        %dma_start3A_629 = arith.constant 0 : i32
        %dma_start3A_630 = arith.constant 0 : i32
        %dma_start3A_631 = tpu.memref_slice %arg6[%dma_start3A_618, %dma_start3A_629, %dma_start3A_630] : memref<5x64x128xf32, #tpu.memory_space<vmem>> -> memref<1x64x128xf32, #tpu.memory_space<vmem>>
        %dma_start3A_632 = tpu.memref_squeeze %dma_start3A_631 : memref<1x64x128xf32, #tpu.memory_space<vmem>> -> memref<64x128xf32, #tpu.memory_space<vmem>>
        %dma_start3A_633 = arith.constant 0 : i32
        %dma_start3A_634 = tpu.memref_slice %arg2[%dma_start3A_617, %mul3A_616, %dma_start3A_633] : memref<1x320000x128xf32, #tpu.memory_space<hbm>> -> memref<1x64x128xf32, #tpu.memory_space<hbm>>
        %dma_start3A_635 = tpu.memref_squeeze %dma_start3A_634 : memref<1x64x128xf32, #tpu.memory_space<hbm>> -> memref<64x128xf32, #tpu.memory_space<hbm>>
        tpu.enqueue_dma source(%dma_start3A_635 : memref<64x128xf32, #tpu.memory_space<hbm>>) target(%dma_start3A_632 : memref<64x128xf32, #tpu.memory_space<vmem>>) target_semaphore(%dma_start3A_628 : memref<!tpu.dma_semaphore, #tpu.memory_space<semaphore_mem>>)
        %add3A_636 = arith.constant 5 : i32
        %add3A_637 = arith.addi %add3A_388, %add3A_636 : i32
        %mul3A_638 = arith.constant 64 : i32
        %mul3A_639 = arith.muli %add3A_637, %mul3A_638 : i32
        %dma_start3A_640 = arith.constant 0 : i32
        %dma_start3A_641 = arith.constant 0 : i32
        %dma_start3A_642 = arith.constant 1 : i32
        %dma_start3A_643 = arith.constant 1 : i32
        %dma_start3A_644 = arith.constant 0 : i32
        %dma_start3A_645 = tpu.memref_slice %arg5[%dma_start3A_642, %dma_start3A_644] : memref<5x64xi32, #tpu.memory_space<vmem>> -> memref<1x64xi32, #tpu.memory_space<vmem>>
        %dma_start3A_646 = tpu.memref_squeeze %dma_start3A_645 : memref<1x64xi32, #tpu.memory_space<vmem>> -> memref<64xi32, #tpu.memory_space<vmem>>
        %dma_start3A_647 = tpu.memref_slice %arg3[%dma_start3A_640, %dma_start3A_641, %mul3A_639] : memref<1x2x320000xi32, #tpu.memory_space<hbm>> -> memref<1x1x64xi32, #tpu.memory_space<hbm>>
        %dma_start3A_648 = tpu.memref_squeeze %dma_start3A_647 : memref<1x1x64xi32, #tpu.memory_space<hbm>> -> memref<64xi32, #tpu.memory_space<hbm>>
        %dma_start3A_649 = tpu.memref_slice %arg9[%dma_start3A_643] : memref<5x!tpu.dma_semaphore, #tpu.memory_space<semaphore_mem>> -> memref<1x!tpu.dma_semaphore, #tpu.memory_space<semaphore_mem>>
        %dma_start3A_650 = tpu.memref_squeeze %dma_start3A_649 : memref<1x!tpu.dma_semaphore, #tpu.memory_space<semaphore_mem>> -> memref<!tpu.dma_semaphore, #tpu.memory_space<semaphore_mem>>
        %dma_start3A_651 = arith.constant 0 : i32
        %dma_start3A_652 = tpu.memref_slice %arg5[%dma_start3A_642, %dma_start3A_651] : memref<5x64xi32, #tpu.memory_space<vmem>> -> memref<1x64xi32, #tpu.memory_space<vmem>>
        %dma_start3A_653 = tpu.memref_squeeze %dma_start3A_652 : memref<1x64xi32, #tpu.memory_space<vmem>> -> memref<64xi32, #tpu.memory_space<vmem>>
        %dma_start3A_654 = tpu.memref_slice %arg3[%dma_start3A_640, %dma_start3A_641, %mul3A_639] : memref<1x2x320000xi32, #tpu.memory_space<hbm>> -> memref<1x1x64xi32, #tpu.memory_space<hbm>>
        %dma_start3A_655 = tpu.memref_squeeze %dma_start3A_654 : memref<1x1x64xi32, #tpu.memory_space<hbm>> -> memref<64xi32, #tpu.memory_space<hbm>>
        tpu.enqueue_dma source(%dma_start3A_655 : memref<64xi32, #tpu.memory_space<hbm>>) target(%dma_start3A_653 : memref<64xi32, #tpu.memory_space<vmem>>) target_semaphore(%dma_start3A_650 : memref<!tpu.dma_semaphore, #tpu.memory_space<semaphore_mem>>)
      } else {
      }
      %mul3A_441 = arith.constant 5 : i32
      %mul3A_442 = arith.muli %mul3A_441, %scan3A_325 : i32
      %add3A_443 = arith.addi %mul3A_2, %mul3A_442 : i32
      %add3A_444 = arith.constant 2 : i32
      %add3A_445 = arith.addi %add3A_443, %add3A_444 : i32
      %mul3A_446 = arith.constant 64 : i32
      %mul3A_447 = arith.muli %add3A_445, %mul3A_446 : i32
      %dma_wait3A_448 = arith.constant 0 : i32
      %dma_wait3A_449 = arith.constant 2 : i32
      %dma_wait3A_450 = arith.constant 2 : i32
      %dma_wait3A_451 = arith.constant 0 : i32
      %dma_wait3A_452 = arith.constant 0 : i32
      %dma_wait3A_453 = tpu.memref_slice %arg6[%dma_wait3A_449, %dma_wait3A_451, %dma_wait3A_452] : memref<5x64x128xf32, #tpu.memory_space<vmem>> -> memref<1x64x128xf32, #tpu.memory_space<vmem>>
      %dma_wait3A_454 = tpu.memref_squeeze %dma_wait3A_453 : memref<1x64x128xf32, #tpu.memory_space<vmem>> -> memref<64x128xf32, #tpu.memory_space<vmem>>
      %dma_wait3A_455 = arith.constant 0 : i32
      %dma_wait3A_456 = tpu.memref_slice %arg2[%dma_wait3A_448, %mul3A_447, %dma_wait3A_455] : memref<1x320000x128xf32, #tpu.memory_space<hbm>> -> memref<1x64x128xf32, #tpu.memory_space<hbm>>
      %dma_wait3A_457 = tpu.memref_squeeze %dma_wait3A_456 : memref<1x64x128xf32, #tpu.memory_space<hbm>> -> memref<64x128xf32, #tpu.memory_space<hbm>>
      %dma_wait3A_458 = tpu.memref_slice %arg8[%dma_wait3A_450] : memref<5x!tpu.dma_semaphore, #tpu.memory_space<semaphore_mem>> -> memref<1x!tpu.dma_semaphore, #tpu.memory_space<semaphore_mem>>
      %dma_wait3A_459 = tpu.memref_squeeze %dma_wait3A_458 : memref<1x!tpu.dma_semaphore, #tpu.memory_space<semaphore_mem>> -> memref<!tpu.dma_semaphore, #tpu.memory_space<semaphore_mem>>
      %dma_wait3A_460 = arith.constant 0 : i32
      %dma_wait3A_461 = arith.constant 0 : i32
      %dma_wait3A_462 = tpu.memref_slice %arg6[%dma_wait3A_449, %dma_wait3A_460, %dma_wait3A_461] : memref<5x64x128xf32, #tpu.memory_space<vmem>> -> memref<1x64x128xf32, #tpu.memory_space<vmem>>
      %dma_wait3A_463 = tpu.memref_squeeze %dma_wait3A_462 : memref<1x64x128xf32, #tpu.memory_space<vmem>> -> memref<64x128xf32, #tpu.memory_space<vmem>>
      %dma_wait3A_464 = arith.constant 0 : i32
      %dma_wait3A_465 = tpu.memref_slice %arg2[%dma_wait3A_448, %mul3A_447, %dma_wait3A_464] : memref<1x320000x128xf32, #tpu.memory_space<hbm>> -> memref<1x64x128xf32, #tpu.memory_space<hbm>>
      %dma_wait3A_466 = tpu.memref_squeeze %dma_wait3A_465 : memref<1x64x128xf32, #tpu.memory_space<hbm>> -> memref<64x128xf32, #tpu.memory_space<hbm>>
      tpu.wait_dma2 semaphore(%dma_wait3A_459 : memref<!tpu.dma_semaphore, #tpu.memory_space<semaphore_mem>>) src(%dma_wait3A_466 : memref<64x128xf32, #tpu.memory_space<hbm>>) dst(%dma_wait3A_463 : memref<64x128xf32, #tpu.memory_space<vmem>>)
      %mul3A_467 = arith.constant 64 : i32
      %mul3A_468 = arith.muli %add3A_445, %mul3A_467 : i32
      %dma_wait3A_469 = arith.constant 0 : i32
      %dma_wait3A_470 = arith.constant 0 : i32
      %dma_wait3A_471 = arith.constant 2 : i32
      %dma_wait3A_472 = arith.constant 2 : i32
      %dma_wait3A_473 = arith.constant 0 : i32
      %dma_wait3A_474 = tpu.memref_slice %arg5[%dma_wait3A_471, %dma_wait3A_473] : memref<5x64xi32, #tpu.memory_space<vmem>> -> memref<1x64xi32, #tpu.memory_space<vmem>>
      %dma_wait3A_475 = tpu.memref_squeeze %dma_wait3A_474 : memref<1x64xi32, #tpu.memory_space<vmem>> -> memref<64xi32, #tpu.memory_space<vmem>>
      %dma_wait3A_476 = tpu.memref_slice %arg3[%dma_wait3A_469, %dma_wait3A_470, %mul3A_468] : memref<1x2x320000xi32, #tpu.memory_space<hbm>> -> memref<1x1x64xi32, #tpu.memory_space<hbm>>
      %dma_wait3A_477 = tpu.memref_squeeze %dma_wait3A_476 : memref<1x1x64xi32, #tpu.memory_space<hbm>> -> memref<64xi32, #tpu.memory_space<hbm>>
      %dma_wait3A_478 = tpu.memref_slice %arg9[%dma_wait3A_472] : memref<5x!tpu.dma_semaphore, #tpu.memory_space<semaphore_mem>> -> memref<1x!tpu.dma_semaphore, #tpu.memory_space<semaphore_mem>>
      %dma_wait3A_479 = tpu.memref_squeeze %dma_wait3A_478 : memref<1x!tpu.dma_semaphore, #tpu.memory_space<semaphore_mem>> -> memref<!tpu.dma_semaphore, #tpu.memory_space<semaphore_mem>>
      %dma_wait3A_480 = arith.constant 0 : i32
      %dma_wait3A_481 = tpu.memref_slice %arg5[%dma_wait3A_471, %dma_wait3A_480] : memref<5x64xi32, #tpu.memory_space<vmem>> -> memref<1x64xi32, #tpu.memory_space<vmem>>
      %dma_wait3A_482 = tpu.memref_squeeze %dma_wait3A_481 : memref<1x64xi32, #tpu.memory_space<vmem>> -> memref<64xi32, #tpu.memory_space<vmem>>
      %dma_wait3A_483 = tpu.memref_slice %arg3[%dma_wait3A_469, %dma_wait3A_470, %mul3A_468] : memref<1x2x320000xi32, #tpu.memory_space<hbm>> -> memref<1x1x64xi32, #tpu.memory_space<hbm>>
      %dma_wait3A_484 = tpu.memref_squeeze %dma_wait3A_483 : memref<1x1x64xi32, #tpu.memory_space<hbm>> -> memref<64xi32, #tpu.memory_space<hbm>>
      tpu.wait_dma2 semaphore(%dma_wait3A_479 : memref<!tpu.dma_semaphore, #tpu.memory_space<semaphore_mem>>) src(%dma_wait3A_484 : memref<64xi32, #tpu.memory_space<hbm>>) dst(%dma_wait3A_482 : memref<64xi32, #tpu.memory_space<vmem>>)
      %run_scoped3A_485 = arith.constant 2 : i32
      %run_scoped3A_486 = arith.constant 2 : i32
      "tpu.region"() ({
        %run_scoped3A_613 = tpu.sem_alloc : memref<!tpu.dma_semaphore, #tpu.memory_space<semaphore_mem>>
        %dma_start3A_614 = arith.constant 0 : i32
        %dma_start3A_615 = arith.constant 0 : i32
        %dma_start3A_616 = tpu.memref_slice %arg6[%run_scoped3A_485, %dma_start3A_614, %dma_start3A_615] : memref<5x64x128xf32, #tpu.memory_space<vmem>> -> memref<1x64x128xf32, #tpu.memory_space<vmem>>
        %dma_start3A_617 = tpu.memref_squeeze %dma_start3A_616 : memref<1x64x128xf32, #tpu.memory_space<vmem>> -> memref<64x128xf32, #tpu.memory_space<vmem>>
        %dma_start3A_618 = arith.constant 0 : i32
        %dma_start3A_619 = tpu.memref_slice %arg5[%run_scoped3A_486, %dma_start3A_618] : memref<5x64xi32, #tpu.memory_space<vmem>> -> memref<1x64xi32, #tpu.memory_space<vmem>>
        %dma_start3A_620 = tpu.memref_squeeze %dma_start3A_619 : memref<1x64xi32, #tpu.memory_space<vmem>> -> memref<64xi32, #tpu.memory_space<vmem>>
        %dma_start3A_621 = arith.constant 0 : i32
        %dma_start3A_622 = arith.constant 0 : i32
        %dma_start3A_623 = tpu.memref_slice %arg7[%dma_start3A_621, %dma_start3A_622] : memref<10240x128xf32, #tpu.memory_space<vmem_shared>> -> memref<10240x128xf32, #tpu.memory_space<vmem_shared>>
        tpu.enqueue_indirect_dma source(%dma_start3A_617 : memref<64x128xf32, #tpu.memory_space<vmem>>) target(%dma_start3A_623 : memref<10240x128xf32, #tpu.memory_space<vmem_shared>>) offsets(%dma_start3A_620 : memref<64xi32, #tpu.memory_space<vmem>>) semaphore(%run_scoped3A_613 : memref<!tpu.dma_semaphore, #tpu.memory_space<semaphore_mem>>) {add = true}
        %dma_wait3A_624 = arith.constant 0 : i32
        %dma_wait3A_625 = arith.constant 0 : i32
        %dma_wait3A_626 = tpu.memref_slice %arg6[%run_scoped3A_485, %dma_wait3A_624, %dma_wait3A_625] : memref<5x64x128xf32, #tpu.memory_space<vmem>> -> memref<1x64x128xf32, #tpu.memory_space<vmem>>
        %dma_wait3A_627 = tpu.memref_squeeze %dma_wait3A_626 : memref<1x64x128xf32, #tpu.memory_space<vmem>> -> memref<64x128xf32, #tpu.memory_space<vmem>>
        %dma_wait3A_628 = arith.constant 0 : i32
        %dma_wait3A_629 = tpu.memref_slice %arg5[%run_scoped3A_486, %dma_wait3A_628] : memref<5x64xi32, #tpu.memory_space<vmem>> -> memref<1x64xi32, #tpu.memory_space<vmem>>
        %dma_wait3A_630 = tpu.memref_squeeze %dma_wait3A_629 : memref<1x64xi32, #tpu.memory_space<vmem>> -> memref<64xi32, #tpu.memory_space<vmem>>
        %dma_wait3A_631 = arith.constant 0 : i32
        %dma_wait3A_632 = arith.constant 0 : i32
        %dma_wait3A_633 = tpu.memref_slice %arg7[%dma_wait3A_631, %dma_wait3A_632] : memref<10240x128xf32, #tpu.memory_space<vmem_shared>> -> memref<10240x128xf32, #tpu.memory_space<vmem_shared>>
        tpu.wait_indirect_dma semaphore(%run_scoped3A_613 : memref<!tpu.dma_semaphore, #tpu.memory_space<semaphore_mem>>) src(%dma_wait3A_627 : memref<64x128xf32, #tpu.memory_space<vmem>>) dst(%dma_wait3A_633 : memref<10240x128xf32, #tpu.memory_space<vmem_shared>>)
        tpu.yield
      }) : () -> ()
      %mul3A_487 = arith.constant 5 : i32
      %mul3A_488 = arith.muli %mul3A_487, %scan3A_325 : i32
      %add3A_489 = arith.constant 2 : i32
      %add3A_490 = arith.addi %mul3A_488, %add3A_489 : i32
      %add3A_491 = arith.constant 5 : i32
      %add3A_492 = arith.addi %add3A_490, %add3A_491 : i32
      %lt3A_493 = arith.constant 156 : i32
      %lt3A_494 = arith.cmpi slt, %add3A_492, %lt3A_493 : i32
      %convert_element_type3A_495 = arith.extui %lt3A_494 : i1 to i32
      %cond3A_496 = arith.constant 0 : i32
      %cond3A_497 = arith.cmpi ne, %convert_element_type3A_495, %cond3A_496 : i32
      scf.if %cond3A_497 {
        %add3A_613 = arith.constant 5 : i32
        %add3A_614 = arith.addi %add3A_445, %add3A_613 : i32
        %mul3A_615 = arith.constant 64 : i32
        %mul3A_616 = arith.muli %add3A_614, %mul3A_615 : i32
        %dma_start3A_617 = arith.constant 0 : i32
        %dma_start3A_618 = arith.constant 2 : i32
        %dma_start3A_619 = arith.constant 2 : i32
        %dma_start3A_620 = arith.constant 0 : i32
        %dma_start3A_621 = arith.constant 0 : i32
        %dma_start3A_622 = tpu.memref_slice %arg6[%dma_start3A_618, %dma_start3A_620, %dma_start3A_621] : memref<5x64x128xf32, #tpu.memory_space<vmem>> -> memref<1x64x128xf32, #tpu.memory_space<vmem>>
        %dma_start3A_623 = tpu.memref_squeeze %dma_start3A_622 : memref<1x64x128xf32, #tpu.memory_space<vmem>> -> memref<64x128xf32, #tpu.memory_space<vmem>>
        %dma_start3A_624 = arith.constant 0 : i32
        %dma_start3A_625 = tpu.memref_slice %arg2[%dma_start3A_617, %mul3A_616, %dma_start3A_624] : memref<1x320000x128xf32, #tpu.memory_space<hbm>> -> memref<1x64x128xf32, #tpu.memory_space<hbm>>
        %dma_start3A_626 = tpu.memref_squeeze %dma_start3A_625 : memref<1x64x128xf32, #tpu.memory_space<hbm>> -> memref<64x128xf32, #tpu.memory_space<hbm>>
        %dma_start3A_627 = tpu.memref_slice %arg8[%dma_start3A_619] : memref<5x!tpu.dma_semaphore, #tpu.memory_space<semaphore_mem>> -> memref<1x!tpu.dma_semaphore, #tpu.memory_space<semaphore_mem>>
        %dma_start3A_628 = tpu.memref_squeeze %dma_start3A_627 : memref<1x!tpu.dma_semaphore, #tpu.memory_space<semaphore_mem>> -> memref<!tpu.dma_semaphore, #tpu.memory_space<semaphore_mem>>
        %dma_start3A_629 = arith.constant 0 : i32
        %dma_start3A_630 = arith.constant 0 : i32
        %dma_start3A_631 = tpu.memref_slice %arg6[%dma_start3A_618, %dma_start3A_629, %dma_start3A_630] : memref<5x64x128xf32, #tpu.memory_space<vmem>> -> memref<1x64x128xf32, #tpu.memory_space<vmem>>
        %dma_start3A_632 = tpu.memref_squeeze %dma_start3A_631 : memref<1x64x128xf32, #tpu.memory_space<vmem>> -> memref<64x128xf32, #tpu.memory_space<vmem>>
        %dma_start3A_633 = arith.constant 0 : i32
        %dma_start3A_634 = tpu.memref_slice %arg2[%dma_start3A_617, %mul3A_616, %dma_start3A_633] : memref<1x320000x128xf32, #tpu.memory_space<hbm>> -> memref<1x64x128xf32, #tpu.memory_space<hbm>>
        %dma_start3A_635 = tpu.memref_squeeze %dma_start3A_634 : memref<1x64x128xf32, #tpu.memory_space<hbm>> -> memref<64x128xf32, #tpu.memory_space<hbm>>
        tpu.enqueue_dma source(%dma_start3A_635 : memref<64x128xf32, #tpu.memory_space<hbm>>) target(%dma_start3A_632 : memref<64x128xf32, #tpu.memory_space<vmem>>) target_semaphore(%dma_start3A_628 : memref<!tpu.dma_semaphore, #tpu.memory_space<semaphore_mem>>)
        %add3A_636 = arith.constant 5 : i32
        %add3A_637 = arith.addi %add3A_445, %add3A_636 : i32
        %mul3A_638 = arith.constant 64 : i32
        %mul3A_639 = arith.muli %add3A_637, %mul3A_638 : i32
        %dma_start3A_640 = arith.constant 0 : i32
        %dma_start3A_641 = arith.constant 0 : i32
        %dma_start3A_642 = arith.constant 2 : i32
        %dma_start3A_643 = arith.constant 2 : i32
        %dma_start3A_644 = arith.constant 0 : i32
        %dma_start3A_645 = tpu.memref_slice %arg5[%dma_start3A_642, %dma_start3A_644] : memref<5x64xi32, #tpu.memory_space<vmem>> -> memref<1x64xi32, #tpu.memory_space<vmem>>
        %dma_start3A_646 = tpu.memref_squeeze %dma_start3A_645 : memref<1x64xi32, #tpu.memory_space<vmem>> -> memref<64xi32, #tpu.memory_space<vmem>>
        %dma_start3A_647 = tpu.memref_slice %arg3[%dma_start3A_640, %dma_start3A_641, %mul3A_639] : memref<1x2x320000xi32, #tpu.memory_space<hbm>> -> memref<1x1x64xi32, #tpu.memory_space<hbm>>
        %dma_start3A_648 = tpu.memref_squeeze %dma_start3A_647 : memref<1x1x64xi32, #tpu.memory_space<hbm>> -> memref<64xi32, #tpu.memory_space<hbm>>
        %dma_start3A_649 = tpu.memref_slice %arg9[%dma_start3A_643] : memref<5x!tpu.dma_semaphore, #tpu.memory_space<semaphore_mem>> -> memref<1x!tpu.dma_semaphore, #tpu.memory_space<semaphore_mem>>
        %dma_start3A_650 = tpu.memref_squeeze %dma_start3A_649 : memref<1x!tpu.dma_semaphore, #tpu.memory_space<semaphore_mem>> -> memref<!tpu.dma_semaphore, #tpu.memory_space<semaphore_mem>>
        %dma_start3A_651 = arith.constant 0 : i32
        %dma_start3A_652 = tpu.memref_slice %arg5[%dma_start3A_642, %dma_start3A_651] : memref<5x64xi32, #tpu.memory_space<vmem>> -> memref<1x64xi32, #tpu.memory_space<vmem>>
        %dma_start3A_653 = tpu.memref_squeeze %dma_start3A_652 : memref<1x64xi32, #tpu.memory_space<vmem>> -> memref<64xi32, #tpu.memory_space<vmem>>
        %dma_start3A_654 = tpu.memref_slice %arg3[%dma_start3A_640, %dma_start3A_641, %mul3A_639] : memref<1x2x320000xi32, #tpu.memory_space<hbm>> -> memref<1x1x64xi32, #tpu.memory_space<hbm>>
        %dma_start3A_655 = tpu.memref_squeeze %dma_start3A_654 : memref<1x1x64xi32, #tpu.memory_space<hbm>> -> memref<64xi32, #tpu.memory_space<hbm>>
        tpu.enqueue_dma source(%dma_start3A_655 : memref<64xi32, #tpu.memory_space<hbm>>) target(%dma_start3A_653 : memref<64xi32, #tpu.memory_space<vmem>>) target_semaphore(%dma_start3A_650 : memref<!tpu.dma_semaphore, #tpu.memory_space<semaphore_mem>>)
      } else {
      }
      %mul3A_498 = arith.constant 5 : i32
      %mul3A_499 = arith.muli %mul3A_498, %scan3A_325 : i32
      %add3A_500 = arith.addi %mul3A_2, %mul3A_499 : i32
      %add3A_501 = arith.constant 3 : i32
      %add3A_502 = arith.addi %add3A_500, %add3A_501 : i32
      %mul3A_503 = arith.constant 64 : i32
      %mul3A_504 = arith.muli %add3A_502, %mul3A_503 : i32
      %dma_wait3A_505 = arith.constant 0 : i32
      %dma_wait3A_506 = arith.constant 3 : i32
      %dma_wait3A_507 = arith.constant 3 : i32
      %dma_wait3A_508 = arith.constant 0 : i32
      %dma_wait3A_509 = arith.constant 0 : i32
      %dma_wait3A_510 = tpu.memref_slice %arg6[%dma_wait3A_506, %dma_wait3A_508, %dma_wait3A_509] : memref<5x64x128xf32, #tpu.memory_space<vmem>> -> memref<1x64x128xf32, #tpu.memory_space<vmem>>
      %dma_wait3A_511 = tpu.memref_squeeze %dma_wait3A_510 : memref<1x64x128xf32, #tpu.memory_space<vmem>> -> memref<64x128xf32, #tpu.memory_space<vmem>>
      %dma_wait3A_512 = arith.constant 0 : i32
      %dma_wait3A_513 = tpu.memref_slice %arg2[%dma_wait3A_505, %mul3A_504, %dma_wait3A_512] : memref<1x320000x128xf32, #tpu.memory_space<hbm>> -> memref<1x64x128xf32, #tpu.memory_space<hbm>>
      %dma_wait3A_514 = tpu.memref_squeeze %dma_wait3A_513 : memref<1x64x128xf32, #tpu.memory_space<hbm>> -> memref<64x128xf32, #tpu.memory_space<hbm>>
      %dma_wait3A_515 = tpu.memref_slice %arg8[%dma_wait3A_507] : memref<5x!tpu.dma_semaphore, #tpu.memory_space<semaphore_mem>> -> memref<1x!tpu.dma_semaphore, #tpu.memory_space<semaphore_mem>>
      %dma_wait3A_516 = tpu.memref_squeeze %dma_wait3A_515 : memref<1x!tpu.dma_semaphore, #tpu.memory_space<semaphore_mem>> -> memref<!tpu.dma_semaphore, #tpu.memory_space<semaphore_mem>>
      %dma_wait3A_517 = arith.constant 0 : i32
      %dma_wait3A_518 = arith.constant 0 : i32
      %dma_wait3A_519 = tpu.memref_slice %arg6[%dma_wait3A_506, %dma_wait3A_517, %dma_wait3A_518] : memref<5x64x128xf32, #tpu.memory_space<vmem>> -> memref<1x64x128xf32, #tpu.memory_space<vmem>>
      %dma_wait3A_520 = tpu.memref_squeeze %dma_wait3A_519 : memref<1x64x128xf32, #tpu.memory_space<vmem>> -> memref<64x128xf32, #tpu.memory_space<vmem>>
      %dma_wait3A_521 = arith.constant 0 : i32
      %dma_wait3A_522 = tpu.memref_slice %arg2[%dma_wait3A_505, %mul3A_504, %dma_wait3A_521] : memref<1x320000x128xf32, #tpu.memory_space<hbm>> -> memref<1x64x128xf32, #tpu.memory_space<hbm>>
      %dma_wait3A_523 = tpu.memref_squeeze %dma_wait3A_522 : memref<1x64x128xf32, #tpu.memory_space<hbm>> -> memref<64x128xf32, #tpu.memory_space<hbm>>
      tpu.wait_dma2 semaphore(%dma_wait3A_516 : memref<!tpu.dma_semaphore, #tpu.memory_space<semaphore_mem>>) src(%dma_wait3A_523 : memref<64x128xf32, #tpu.memory_space<hbm>>) dst(%dma_wait3A_520 : memref<64x128xf32, #tpu.memory_space<vmem>>)
      %mul3A_524 = arith.constant 64 : i32
      %mul3A_525 = arith.muli %add3A_502, %mul3A_524 : i32
      %dma_wait3A_526 = arith.constant 0 : i32
      %dma_wait3A_527 = arith.constant 0 : i32
      %dma_wait3A_528 = arith.constant 3 : i32
      %dma_wait3A_529 = arith.constant 3 : i32
      %dma_wait3A_530 = arith.constant 0 : i32
      %dma_wait3A_531 = tpu.memref_slice %arg5[%dma_wait3A_528, %dma_wait3A_530] : memref<5x64xi32, #tpu.memory_space<vmem>> -> memref<1x64xi32, #tpu.memory_space<vmem>>
      %dma_wait3A_532 = tpu.memref_squeeze %dma_wait3A_531 : memref<1x64xi32, #tpu.memory_space<vmem>> -> memref<64xi32, #tpu.memory_space<vmem>>
      %dma_wait3A_533 = tpu.memref_slice %arg3[%dma_wait3A_526, %dma_wait3A_527, %mul3A_525] : memref<1x2x320000xi32, #tpu.memory_space<hbm>> -> memref<1x1x64xi32, #tpu.memory_space<hbm>>
      %dma_wait3A_534 = tpu.memref_squeeze %dma_wait3A_533 : memref<1x1x64xi32, #tpu.memory_space<hbm>> -> memref<64xi32, #tpu.memory_space<hbm>>
      %dma_wait3A_535 = tpu.memref_slice %arg9[%dma_wait3A_529] : memref<5x!tpu.dma_semaphore, #tpu.memory_space<semaphore_mem>> -> memref<1x!tpu.dma_semaphore, #tpu.memory_space<semaphore_mem>>
      %dma_wait3A_536 = tpu.memref_squeeze %dma_wait3A_535 : memref<1x!tpu.dma_semaphore, #tpu.memory_space<semaphore_mem>> -> memref<!tpu.dma_semaphore, #tpu.memory_space<semaphore_mem>>
      %dma_wait3A_537 = arith.constant 0 : i32
      %dma_wait3A_538 = tpu.memref_slice %arg5[%dma_wait3A_528, %dma_wait3A_537] : memref<5x64xi32, #tpu.memory_space<vmem>> -> memref<1x64xi32, #tpu.memory_space<vmem>>
      %dma_wait3A_539 = tpu.memref_squeeze %dma_wait3A_538 : memref<1x64xi32, #tpu.memory_space<vmem>> -> memref<64xi32, #tpu.memory_space<vmem>>
      %dma_wait3A_540 = tpu.memref_slice %arg3[%dma_wait3A_526, %dma_wait3A_527, %mul3A_525] : memref<1x2x320000xi32, #tpu.memory_space<hbm>> -> memref<1x1x64xi32, #tpu.memory_space<hbm>>
      %dma_wait3A_541 = tpu.memref_squeeze %dma_wait3A_540 : memref<1x1x64xi32, #tpu.memory_space<hbm>> -> memref<64xi32, #tpu.memory_space<hbm>>
      tpu.wait_dma2 semaphore(%dma_wait3A_536 : memref<!tpu.dma_semaphore, #tpu.memory_space<semaphore_mem>>) src(%dma_wait3A_541 : memref<64xi32, #tpu.memory_space<hbm>>) dst(%dma_wait3A_539 : memref<64xi32, #tpu.memory_space<vmem>>)
      %run_scoped3A_542 = arith.constant 3 : i32
      %run_scoped3A_543 = arith.constant 3 : i32
      "tpu.region"() ({
        %run_scoped3A_613 = tpu.sem_alloc : memref<!tpu.dma_semaphore, #tpu.memory_space<semaphore_mem>>
        %dma_start3A_614 = arith.constant 0 : i32
        %dma_start3A_615 = arith.constant 0 : i32
        %dma_start3A_616 = tpu.memref_slice %arg6[%run_scoped3A_542, %dma_start3A_614, %dma_start3A_615] : memref<5x64x128xf32, #tpu.memory_space<vmem>> -> memref<1x64x128xf32, #tpu.memory_space<vmem>>
        %dma_start3A_617 = tpu.memref_squeeze %dma_start3A_616 : memref<1x64x128xf32, #tpu.memory_space<vmem>> -> memref<64x128xf32, #tpu.memory_space<vmem>>
        %dma_start3A_618 = arith.constant 0 : i32
        %dma_start3A_619 = tpu.memref_slice %arg5[%run_scoped3A_543, %dma_start3A_618] : memref<5x64xi32, #tpu.memory_space<vmem>> -> memref<1x64xi32, #tpu.memory_space<vmem>>
        %dma_start3A_620 = tpu.memref_squeeze %dma_start3A_619 : memref<1x64xi32, #tpu.memory_space<vmem>> -> memref<64xi32, #tpu.memory_space<vmem>>
        %dma_start3A_621 = arith.constant 0 : i32
        %dma_start3A_622 = arith.constant 0 : i32
        %dma_start3A_623 = tpu.memref_slice %arg7[%dma_start3A_621, %dma_start3A_622] : memref<10240x128xf32, #tpu.memory_space<vmem_shared>> -> memref<10240x128xf32, #tpu.memory_space<vmem_shared>>
        tpu.enqueue_indirect_dma source(%dma_start3A_617 : memref<64x128xf32, #tpu.memory_space<vmem>>) target(%dma_start3A_623 : memref<10240x128xf32, #tpu.memory_space<vmem_shared>>) offsets(%dma_start3A_620 : memref<64xi32, #tpu.memory_space<vmem>>) semaphore(%run_scoped3A_613 : memref<!tpu.dma_semaphore, #tpu.memory_space<semaphore_mem>>) {add = true}
        %dma_wait3A_624 = arith.constant 0 : i32
        %dma_wait3A_625 = arith.constant 0 : i32
        %dma_wait3A_626 = tpu.memref_slice %arg6[%run_scoped3A_542, %dma_wait3A_624, %dma_wait3A_625] : memref<5x64x128xf32, #tpu.memory_space<vmem>> -> memref<1x64x128xf32, #tpu.memory_space<vmem>>
        %dma_wait3A_627 = tpu.memref_squeeze %dma_wait3A_626 : memref<1x64x128xf32, #tpu.memory_space<vmem>> -> memref<64x128xf32, #tpu.memory_space<vmem>>
        %dma_wait3A_628 = arith.constant 0 : i32
        %dma_wait3A_629 = tpu.memref_slice %arg5[%run_scoped3A_543, %dma_wait3A_628] : memref<5x64xi32, #tpu.memory_space<vmem>> -> memref<1x64xi32, #tpu.memory_space<vmem>>
        %dma_wait3A_630 = tpu.memref_squeeze %dma_wait3A_629 : memref<1x64xi32, #tpu.memory_space<vmem>> -> memref<64xi32, #tpu.memory_space<vmem>>
        %dma_wait3A_631 = arith.constant 0 : i32
        %dma_wait3A_632 = arith.constant 0 : i32
        %dma_wait3A_633 = tpu.memref_slice %arg7[%dma_wait3A_631, %dma_wait3A_632] : memref<10240x128xf32, #tpu.memory_space<vmem_shared>> -> memref<10240x128xf32, #tpu.memory_space<vmem_shared>>
        tpu.wait_indirect_dma semaphore(%run_scoped3A_613 : memref<!tpu.dma_semaphore, #tpu.memory_space<semaphore_mem>>) src(%dma_wait3A_627 : memref<64x128xf32, #tpu.memory_space<vmem>>) dst(%dma_wait3A_633 : memref<10240x128xf32, #tpu.memory_space<vmem_shared>>)
        tpu.yield
      }) : () -> ()
      %mul3A_544 = arith.constant 5 : i32
      %mul3A_545 = arith.muli %mul3A_544, %scan3A_325 : i32
      %add3A_546 = arith.constant 3 : i32
      %add3A_547 = arith.addi %mul3A_545, %add3A_546 : i32
      %add3A_548 = arith.constant 5 : i32
      %add3A_549 = arith.addi %add3A_547, %add3A_548 : i32
      %lt3A_550 = arith.constant 156 : i32
      %lt3A_551 = arith.cmpi slt, %add3A_549, %lt3A_550 : i32
      %convert_element_type3A_552 = arith.extui %lt3A_551 : i1 to i32
      %cond3A_553 = arith.constant 0 : i32
      %cond3A_554 = arith.cmpi ne, %convert_element_type3A_552, %cond3A_553 : i32
      scf.if %cond3A_554 {
        %add3A_613 = arith.constant 5 : i32
        %add3A_614 = arith.addi %add3A_502, %add3A_613 : i32
        %mul3A_615 = arith.constant 64 : i32
        %mul3A_616 = arith.muli %add3A_614, %mul3A_615 : i32
        %dma_start3A_617 = arith.constant 0 : i32
        %dma_start3A_618 = arith.constant 3 : i32
        %dma_start3A_619 = arith.constant 3 : i32
        %dma_start3A_620 = arith.constant 0 : i32
        %dma_start3A_621 = arith.constant 0 : i32
        %dma_start3A_622 = tpu.memref_slice %arg6[%dma_start3A_618, %dma_start3A_620, %dma_start3A_621] : memref<5x64x128xf32, #tpu.memory_space<vmem>> -> memref<1x64x128xf32, #tpu.memory_space<vmem>>
        %dma_start3A_623 = tpu.memref_squeeze %dma_start3A_622 : memref<1x64x128xf32, #tpu.memory_space<vmem>> -> memref<64x128xf32, #tpu.memory_space<vmem>>
        %dma_start3A_624 = arith.constant 0 : i32
        %dma_start3A_625 = tpu.memref_slice %arg2[%dma_start3A_617, %mul3A_616, %dma_start3A_624] : memref<1x320000x128xf32, #tpu.memory_space<hbm>> -> memref<1x64x128xf32, #tpu.memory_space<hbm>>
        %dma_start3A_626 = tpu.memref_squeeze %dma_start3A_625 : memref<1x64x128xf32, #tpu.memory_space<hbm>> -> memref<64x128xf32, #tpu.memory_space<hbm>>
        %dma_start3A_627 = tpu.memref_slice %arg8[%dma_start3A_619] : memref<5x!tpu.dma_semaphore, #tpu.memory_space<semaphore_mem>> -> memref<1x!tpu.dma_semaphore, #tpu.memory_space<semaphore_mem>>
        %dma_start3A_628 = tpu.memref_squeeze %dma_start3A_627 : memref<1x!tpu.dma_semaphore, #tpu.memory_space<semaphore_mem>> -> memref<!tpu.dma_semaphore, #tpu.memory_space<semaphore_mem>>
        %dma_start3A_629 = arith.constant 0 : i32
        %dma_start3A_630 = arith.constant 0 : i32
        %dma_start3A_631 = tpu.memref_slice %arg6[%dma_start3A_618, %dma_start3A_629, %dma_start3A_630] : memref<5x64x128xf32, #tpu.memory_space<vmem>> -> memref<1x64x128xf32, #tpu.memory_space<vmem>>
        %dma_start3A_632 = tpu.memref_squeeze %dma_start3A_631 : memref<1x64x128xf32, #tpu.memory_space<vmem>> -> memref<64x128xf32, #tpu.memory_space<vmem>>
        %dma_start3A_633 = arith.constant 0 : i32
        %dma_start3A_634 = tpu.memref_slice %arg2[%dma_start3A_617, %mul3A_616, %dma_start3A_633] : memref<1x320000x128xf32, #tpu.memory_space<hbm>> -> memref<1x64x128xf32, #tpu.memory_space<hbm>>
        %dma_start3A_635 = tpu.memref_squeeze %dma_start3A_634 : memref<1x64x128xf32, #tpu.memory_space<hbm>> -> memref<64x128xf32, #tpu.memory_space<hbm>>
        tpu.enqueue_dma source(%dma_start3A_635 : memref<64x128xf32, #tpu.memory_space<hbm>>) target(%dma_start3A_632 : memref<64x128xf32, #tpu.memory_space<vmem>>) target_semaphore(%dma_start3A_628 : memref<!tpu.dma_semaphore, #tpu.memory_space<semaphore_mem>>)
        %add3A_636 = arith.constant 5 : i32
        %add3A_637 = arith.addi %add3A_502, %add3A_636 : i32
        %mul3A_638 = arith.constant 64 : i32
        %mul3A_639 = arith.muli %add3A_637, %mul3A_638 : i32
        %dma_start3A_640 = arith.constant 0 : i32
        %dma_start3A_641 = arith.constant 0 : i32
        %dma_start3A_642 = arith.constant 3 : i32
        %dma_start3A_643 = arith.constant 3 : i32
        %dma_start3A_644 = arith.constant 0 : i32
        %dma_start3A_645 = tpu.memref_slice %arg5[%dma_start3A_642, %dma_start3A_644] : memref<5x64xi32, #tpu.memory_space<vmem>> -> memref<1x64xi32, #tpu.memory_space<vmem>>
        %dma_start3A_646 = tpu.memref_squeeze %dma_start3A_645 : memref<1x64xi32, #tpu.memory_space<vmem>> -> memref<64xi32, #tpu.memory_space<vmem>>
        %dma_start3A_647 = tpu.memref_slice %arg3[%dma_start3A_640, %dma_start3A_641, %mul3A_639] : memref<1x2x320000xi32, #tpu.memory_space<hbm>> -> memref<1x1x64xi32, #tpu.memory_space<hbm>>
        %dma_start3A_648 = tpu.memref_squeeze %dma_start3A_647 : memref<1x1x64xi32, #tpu.memory_space<hbm>> -> memref<64xi32, #tpu.memory_space<hbm>>
        %dma_start3A_649 = tpu.memref_slice %arg9[%dma_start3A_643] : memref<5x!tpu.dma_semaphore, #tpu.memory_space<semaphore_mem>> -> memref<1x!tpu.dma_semaphore, #tpu.memory_space<semaphore_mem>>
        %dma_start3A_650 = tpu.memref_squeeze %dma_start3A_649 : memref<1x!tpu.dma_semaphore, #tpu.memory_space<semaphore_mem>> -> memref<!tpu.dma_semaphore, #tpu.memory_space<semaphore_mem>>
        %dma_start3A_651 = arith.constant 0 : i32
        %dma_start3A_652 = tpu.memref_slice %arg5[%dma_start3A_642, %dma_start3A_651] : memref<5x64xi32, #tpu.memory_space<vmem>> -> memref<1x64xi32, #tpu.memory_space<vmem>>
        %dma_start3A_653 = tpu.memref_squeeze %dma_start3A_652 : memref<1x64xi32, #tpu.memory_space<vmem>> -> memref<64xi32, #tpu.memory_space<vmem>>
        %dma_start3A_654 = tpu.memref_slice %arg3[%dma_start3A_640, %dma_start3A_641, %mul3A_639] : memref<1x2x320000xi32, #tpu.memory_space<hbm>> -> memref<1x1x64xi32, #tpu.memory_space<hbm>>
        %dma_start3A_655 = tpu.memref_squeeze %dma_start3A_654 : memref<1x1x64xi32, #tpu.memory_space<hbm>> -> memref<64xi32, #tpu.memory_space<hbm>>
        tpu.enqueue_dma source(%dma_start3A_655 : memref<64xi32, #tpu.memory_space<hbm>>) target(%dma_start3A_653 : memref<64xi32, #tpu.memory_space<vmem>>) target_semaphore(%dma_start3A_650 : memref<!tpu.dma_semaphore, #tpu.memory_space<semaphore_mem>>)
      } else {
      }
      %mul3A_555 = arith.constant 5 : i32
      %mul3A_556 = arith.muli %mul3A_555, %scan3A_325 : i32
      %add3A_557 = arith.addi %mul3A_2, %mul3A_556 : i32
      %add3A_558 = arith.constant 4 : i32
      %add3A_559 = arith.addi %add3A_557, %add3A_558 : i32
      %mul3A_560 = arith.constant 64 : i32
      %mul3A_561 = arith.muli %add3A_559, %mul3A_560 : i32
      %dma_wait3A_562 = arith.constant 0 : i32
      %dma_wait3A_563 = arith.constant 4 : i32
      %dma_wait3A_564 = arith.constant 4 : i32
      %dma_wait3A_565 = arith.constant 0 : i32
      %dma_wait3A_566 = arith.constant 0 : i32
      %dma_wait3A_567 = tpu.memref_slice %arg6[%dma_wait3A_563, %dma_wait3A_565, %dma_wait3A_566] : memref<5x64x128xf32, #tpu.memory_space<vmem>> -> memref<1x64x128xf32, #tpu.memory_space<vmem>>
      %dma_wait3A_568 = tpu.memref_squeeze %dma_wait3A_567 : memref<1x64x128xf32, #tpu.memory_space<vmem>> -> memref<64x128xf32, #tpu.memory_space<vmem>>
      %dma_wait3A_569 = arith.constant 0 : i32
      %dma_wait3A_570 = tpu.memref_slice %arg2[%dma_wait3A_562, %mul3A_561, %dma_wait3A_569] : memref<1x320000x128xf32, #tpu.memory_space<hbm>> -> memref<1x64x128xf32, #tpu.memory_space<hbm>>
      %dma_wait3A_571 = tpu.memref_squeeze %dma_wait3A_570 : memref<1x64x128xf32, #tpu.memory_space<hbm>> -> memref<64x128xf32, #tpu.memory_space<hbm>>
      %dma_wait3A_572 = tpu.memref_slice %arg8[%dma_wait3A_564] : memref<5x!tpu.dma_semaphore, #tpu.memory_space<semaphore_mem>> -> memref<1x!tpu.dma_semaphore, #tpu.memory_space<semaphore_mem>>
      %dma_wait3A_573 = tpu.memref_squeeze %dma_wait3A_572 : memref<1x!tpu.dma_semaphore, #tpu.memory_space<semaphore_mem>> -> memref<!tpu.dma_semaphore, #tpu.memory_space<semaphore_mem>>
      %dma_wait3A_574 = arith.constant 0 : i32
      %dma_wait3A_575 = arith.constant 0 : i32
      %dma_wait3A_576 = tpu.memref_slice %arg6[%dma_wait3A_563, %dma_wait3A_574, %dma_wait3A_575] : memref<5x64x128xf32, #tpu.memory_space<vmem>> -> memref<1x64x128xf32, #tpu.memory_space<vmem>>
      %dma_wait3A_577 = tpu.memref_squeeze %dma_wait3A_576 : memref<1x64x128xf32, #tpu.memory_space<vmem>> -> memref<64x128xf32, #tpu.memory_space<vmem>>
      %dma_wait3A_578 = arith.constant 0 : i32
      %dma_wait3A_579 = tpu.memref_slice %arg2[%dma_wait3A_562, %mul3A_561, %dma_wait3A_578] : memref<1x320000x128xf32, #tpu.memory_space<hbm>> -> memref<1x64x128xf32, #tpu.memory_space<hbm>>
      %dma_wait3A_580 = tpu.memref_squeeze %dma_wait3A_579 : memref<1x64x128xf32, #tpu.memory_space<hbm>> -> memref<64x128xf32, #tpu.memory_space<hbm>>
      tpu.wait_dma2 semaphore(%dma_wait3A_573 : memref<!tpu.dma_semaphore, #tpu.memory_space<semaphore_mem>>) src(%dma_wait3A_580 : memref<64x128xf32, #tpu.memory_space<hbm>>) dst(%dma_wait3A_577 : memref<64x128xf32, #tpu.memory_space<vmem>>)
      %mul3A_581 = arith.constant 64 : i32
      %mul3A_582 = arith.muli %add3A_559, %mul3A_581 : i32
      %dma_wait3A_583 = arith.constant 0 : i32
      %dma_wait3A_584 = arith.constant 0 : i32
      %dma_wait3A_585 = arith.constant 4 : i32
      %dma_wait3A_586 = arith.constant 4 : i32
      %dma_wait3A_587 = arith.constant 0 : i32
      %dma_wait3A_588 = tpu.memref_slice %arg5[%dma_wait3A_585, %dma_wait3A_587] : memref<5x64xi32, #tpu.memory_space<vmem>> -> memref<1x64xi32, #tpu.memory_space<vmem>>
      %dma_wait3A_589 = tpu.memref_squeeze %dma_wait3A_588 : memref<1x64xi32, #tpu.memory_space<vmem>> -> memref<64xi32, #tpu.memory_space<vmem>>
      %dma_wait3A_590 = tpu.memref_slice %arg3[%dma_wait3A_583, %dma_wait3A_584, %mul3A_582] : memref<1x2x320000xi32, #tpu.memory_space<hbm>> -> memref<1x1x64xi32, #tpu.memory_space<hbm>>
      %dma_wait3A_591 = tpu.memref_squeeze %dma_wait3A_590 : memref<1x1x64xi32, #tpu.memory_space<hbm>> -> memref<64xi32, #tpu.memory_space<hbm>>
      %dma_wait3A_592 = tpu.memref_slice %arg9[%dma_wait3A_586] : memref<5x!tpu.dma_semaphore, #tpu.memory_space<semaphore_mem>> -> memref<1x!tpu.dma_semaphore, #tpu.memory_space<semaphore_mem>>
      %dma_wait3A_593 = tpu.memref_squeeze %dma_wait3A_592 : memref<1x!tpu.dma_semaphore, #tpu.memory_space<semaphore_mem>> -> memref<!tpu.dma_semaphore, #tpu.memory_space<semaphore_mem>>
      %dma_wait3A_594 = arith.constant 0 : i32
      %dma_wait3A_595 = tpu.memref_slice %arg5[%dma_wait3A_585, %dma_wait3A_594] : memref<5x64xi32, #tpu.memory_space<vmem>> -> memref<1x64xi32, #tpu.memory_space<vmem>>
      %dma_wait3A_596 = tpu.memref_squeeze %dma_wait3A_595 : memref<1x64xi32, #tpu.memory_space<vmem>> -> memref<64xi32, #tpu.memory_space<vmem>>
      %dma_wait3A_597 = tpu.memref_slice %arg3[%dma_wait3A_583, %dma_wait3A_584, %mul3A_582] : memref<1x2x320000xi32, #tpu.memory_space<hbm>> -> memref<1x1x64xi32, #tpu.memory_space<hbm>>
      %dma_wait3A_598 = tpu.memref_squeeze %dma_wait3A_597 : memref<1x1x64xi32, #tpu.memory_space<hbm>> -> memref<64xi32, #tpu.memory_space<hbm>>
      tpu.wait_dma2 semaphore(%dma_wait3A_593 : memref<!tpu.dma_semaphore, #tpu.memory_space<semaphore_mem>>) src(%dma_wait3A_598 : memref<64xi32, #tpu.memory_space<hbm>>) dst(%dma_wait3A_596 : memref<64xi32, #tpu.memory_space<vmem>>)
      %run_scoped3A_599 = arith.constant 4 : i32
      %run_scoped3A_600 = arith.constant 4 : i32
      "tpu.region"() ({
        %run_scoped3A_613 = tpu.sem_alloc : memref<!tpu.dma_semaphore, #tpu.memory_space<semaphore_mem>>
        %dma_start3A_614 = arith.constant 0 : i32
        %dma_start3A_615 = arith.constant 0 : i32
        %dma_start3A_616 = tpu.memref_slice %arg6[%run_scoped3A_599, %dma_start3A_614, %dma_start3A_615] : memref<5x64x128xf32, #tpu.memory_space<vmem>> -> memref<1x64x128xf32, #tpu.memory_space<vmem>>
        %dma_start3A_617 = tpu.memref_squeeze %dma_start3A_616 : memref<1x64x128xf32, #tpu.memory_space<vmem>> -> memref<64x128xf32, #tpu.memory_space<vmem>>
        %dma_start3A_618 = arith.constant 0 : i32
        %dma_start3A_619 = tpu.memref_slice %arg5[%run_scoped3A_600, %dma_start3A_618] : memref<5x64xi32, #tpu.memory_space<vmem>> -> memref<1x64xi32, #tpu.memory_space<vmem>>
        %dma_start3A_620 = tpu.memref_squeeze %dma_start3A_619 : memref<1x64xi32, #tpu.memory_space<vmem>> -> memref<64xi32, #tpu.memory_space<vmem>>
        %dma_start3A_621 = arith.constant 0 : i32
        %dma_start3A_622 = arith.constant 0 : i32
        %dma_start3A_623 = tpu.memref_slice %arg7[%dma_start3A_621, %dma_start3A_622] : memref<10240x128xf32, #tpu.memory_space<vmem_shared>> -> memref<10240x128xf32, #tpu.memory_space<vmem_shared>>
        tpu.enqueue_indirect_dma source(%dma_start3A_617 : memref<64x128xf32, #tpu.memory_space<vmem>>) target(%dma_start3A_623 : memref<10240x128xf32, #tpu.memory_space<vmem_shared>>) offsets(%dma_start3A_620 : memref<64xi32, #tpu.memory_space<vmem>>) semaphore(%run_scoped3A_613 : memref<!tpu.dma_semaphore, #tpu.memory_space<semaphore_mem>>) {add = true}
        %dma_wait3A_624 = arith.constant 0 : i32
        %dma_wait3A_625 = arith.constant 0 : i32
        %dma_wait3A_626 = tpu.memref_slice %arg6[%run_scoped3A_599, %dma_wait3A_624, %dma_wait3A_625] : memref<5x64x128xf32, #tpu.memory_space<vmem>> -> memref<1x64x128xf32, #tpu.memory_space<vmem>>
        %dma_wait3A_627 = tpu.memref_squeeze %dma_wait3A_626 : memref<1x64x128xf32, #tpu.memory_space<vmem>> -> memref<64x128xf32, #tpu.memory_space<vmem>>
        %dma_wait3A_628 = arith.constant 0 : i32
        %dma_wait3A_629 = tpu.memref_slice %arg5[%run_scoped3A_600, %dma_wait3A_628] : memref<5x64xi32, #tpu.memory_space<vmem>> -> memref<1x64xi32, #tpu.memory_space<vmem>>
        %dma_wait3A_630 = tpu.memref_squeeze %dma_wait3A_629 : memref<1x64xi32, #tpu.memory_space<vmem>> -> memref<64xi32, #tpu.memory_space<vmem>>
        %dma_wait3A_631 = arith.constant 0 : i32
        %dma_wait3A_632 = arith.constant 0 : i32
        %dma_wait3A_633 = tpu.memref_slice %arg7[%dma_wait3A_631, %dma_wait3A_632] : memref<10240x128xf32, #tpu.memory_space<vmem_shared>> -> memref<10240x128xf32, #tpu.memory_space<vmem_shared>>
        tpu.wait_indirect_dma semaphore(%run_scoped3A_613 : memref<!tpu.dma_semaphore, #tpu.memory_space<semaphore_mem>>) src(%dma_wait3A_627 : memref<64x128xf32, #tpu.memory_space<vmem>>) dst(%dma_wait3A_633 : memref<10240x128xf32, #tpu.memory_space<vmem_shared>>)
        tpu.yield
      }) : () -> ()
      %mul3A_601 = arith.constant 5 : i32
      %mul3A_602 = arith.muli %mul3A_601, %scan3A_325 : i32
      %add3A_603 = arith.constant 4 : i32
      %add3A_604 = arith.addi %mul3A_602, %add3A_603 : i32
      %add3A_605 = arith.constant 5 : i32
      %add3A_606 = arith.addi %add3A_604, %add3A_605 : i32
      %lt3A_607 = arith.constant 156 : i32
      %lt3A_608 = arith.cmpi slt, %add3A_606, %lt3A_607 : i32
      %convert_element_type3A_609 = arith.extui %lt3A_608 : i1 to i32
      %cond3A_610 = arith.constant 0 : i32
      %cond3A_611 = arith.cmpi ne, %convert_element_type3A_609, %cond3A_610 : i32
      scf.if %cond3A_611 {
        %add3A_613 = arith.constant 5 : i32
        %add3A_614 = arith.addi %add3A_559, %add3A_613 : i32
        %mul3A_615 = arith.constant 64 : i32
        %mul3A_616 = arith.muli %add3A_614, %mul3A_615 : i32
        %dma_start3A_617 = arith.constant 0 : i32
        %dma_start3A_618 = arith.constant 4 : i32
        %dma_start3A_619 = arith.constant 4 : i32
        %dma_start3A_620 = arith.constant 0 : i32
        %dma_start3A_621 = arith.constant 0 : i32
        %dma_start3A_622 = tpu.memref_slice %arg6[%dma_start3A_618, %dma_start3A_620, %dma_start3A_621] : memref<5x64x128xf32, #tpu.memory_space<vmem>> -> memref<1x64x128xf32, #tpu.memory_space<vmem>>
        %dma_start3A_623 = tpu.memref_squeeze %dma_start3A_622 : memref<1x64x128xf32, #tpu.memory_space<vmem>> -> memref<64x128xf32, #tpu.memory_space<vmem>>
        %dma_start3A_624 = arith.constant 0 : i32
        %dma_start3A_625 = tpu.memref_slice %arg2[%dma_start3A_617, %mul3A_616, %dma_start3A_624] : memref<1x320000x128xf32, #tpu.memory_space<hbm>> -> memref<1x64x128xf32, #tpu.memory_space<hbm>>
        %dma_start3A_626 = tpu.memref_squeeze %dma_start3A_625 : memref<1x64x128xf32, #tpu.memory_space<hbm>> -> memref<64x128xf32, #tpu.memory_space<hbm>>
        %dma_start3A_627 = tpu.memref_slice %arg8[%dma_start3A_619] : memref<5x!tpu.dma_semaphore, #tpu.memory_space<semaphore_mem>> -> memref<1x!tpu.dma_semaphore, #tpu.memory_space<semaphore_mem>>
        %dma_start3A_628 = tpu.memref_squeeze %dma_start3A_627 : memref<1x!tpu.dma_semaphore, #tpu.memory_space<semaphore_mem>> -> memref<!tpu.dma_semaphore, #tpu.memory_space<semaphore_mem>>
        %dma_start3A_629 = arith.constant 0 : i32
        %dma_start3A_630 = arith.constant 0 : i32
        %dma_start3A_631 = tpu.memref_slice %arg6[%dma_start3A_618, %dma_start3A_629, %dma_start3A_630] : memref<5x64x128xf32, #tpu.memory_space<vmem>> -> memref<1x64x128xf32, #tpu.memory_space<vmem>>
        %dma_start3A_632 = tpu.memref_squeeze %dma_start3A_631 : memref<1x64x128xf32, #tpu.memory_space<vmem>> -> memref<64x128xf32, #tpu.memory_space<vmem>>
        %dma_start3A_633 = arith.constant 0 : i32
        %dma_start3A_634 = tpu.memref_slice %arg2[%dma_start3A_617, %mul3A_616, %dma_start3A_633] : memref<1x320000x128xf32, #tpu.memory_space<hbm>> -> memref<1x64x128xf32, #tpu.memory_space<hbm>>
        %dma_start3A_635 = tpu.memref_squeeze %dma_start3A_634 : memref<1x64x128xf32, #tpu.memory_space<hbm>> -> memref<64x128xf32, #tpu.memory_space<hbm>>
        tpu.enqueue_dma source(%dma_start3A_635 : memref<64x128xf32, #tpu.memory_space<hbm>>) target(%dma_start3A_632 : memref<64x128xf32, #tpu.memory_space<vmem>>) target_semaphore(%dma_start3A_628 : memref<!tpu.dma_semaphore, #tpu.memory_space<semaphore_mem>>)
        %add3A_636 = arith.constant 5 : i32
        %add3A_637 = arith.addi %add3A_559, %add3A_636 : i32
        %mul3A_638 = arith.constant 64 : i32
        %mul3A_639 = arith.muli %add3A_637, %mul3A_638 : i32
        %dma_start3A_640 = arith.constant 0 : i32
        %dma_start3A_641 = arith.constant 0 : i32
        %dma_start3A_642 = arith.constant 4 : i32
        %dma_start3A_643 = arith.constant 4 : i32
        %dma_start3A_644 = arith.constant 0 : i32
        %dma_start3A_645 = tpu.memref_slice %arg5[%dma_start3A_642, %dma_start3A_644] : memref<5x64xi32, #tpu.memory_space<vmem>> -> memref<1x64xi32, #tpu.memory_space<vmem>>
        %dma_start3A_646 = tpu.memref_squeeze %dma_start3A_645 : memref<1x64xi32, #tpu.memory_space<vmem>> -> memref<64xi32, #tpu.memory_space<vmem>>
        %dma_start3A_647 = tpu.memref_slice %arg3[%dma_start3A_640, %dma_start3A_641, %mul3A_639] : memref<1x2x320000xi32, #tpu.memory_space<hbm>> -> memref<1x1x64xi32, #tpu.memory_space<hbm>>
        %dma_start3A_648 = tpu.memref_squeeze %dma_start3A_647 : memref<1x1x64xi32, #tpu.memory_space<hbm>> -> memref<64xi32, #tpu.memory_space<hbm>>
        %dma_start3A_649 = tpu.memref_slice %arg9[%dma_start3A_643] : memref<5x!tpu.dma_semaphore, #tpu.memory_space<semaphore_mem>> -> memref<1x!tpu.dma_semaphore, #tpu.memory_space<semaphore_mem>>
        %dma_start3A_650 = tpu.memref_squeeze %dma_start3A_649 : memref<1x!tpu.dma_semaphore, #tpu.memory_space<semaphore_mem>> -> memref<!tpu.dma_semaphore, #tpu.memory_space<semaphore_mem>>
        %dma_start3A_651 = arith.constant 0 : i32
        %dma_start3A_652 = tpu.memref_slice %arg5[%dma_start3A_642, %dma_start3A_651] : memref<5x64xi32, #tpu.memory_space<vmem>> -> memref<1x64xi32, #tpu.memory_space<vmem>>
        %dma_start3A_653 = tpu.memref_squeeze %dma_start3A_652 : memref<1x64xi32, #tpu.memory_space<vmem>> -> memref<64xi32, #tpu.memory_space<vmem>>
        %dma_start3A_654 = tpu.memref_slice %arg3[%dma_start3A_640, %dma_start3A_641, %mul3A_639] : memref<1x2x320000xi32, #tpu.memory_space<hbm>> -> memref<1x1x64xi32, #tpu.memory_space<hbm>>
        %dma_start3A_655 = tpu.memref_squeeze %dma_start3A_654 : memref<1x1x64xi32, #tpu.memory_space<hbm>> -> memref<64xi32, #tpu.memory_space<hbm>>
        tpu.enqueue_dma source(%dma_start3A_655 : memref<64xi32, #tpu.memory_space<hbm>>) target(%dma_start3A_653 : memref<64xi32, #tpu.memory_space<vmem>>) target_semaphore(%dma_start3A_650 : memref<!tpu.dma_semaphore, #tpu.memory_space<semaphore_mem>>)
      } else {
      }
      %scan3A_612 = arith.constant 0 : i32
      scf.yield %scan3A_612 : i32
    }
    %scan3A_274 = arith.constant 31 : i32
    %add3A_275 = arith.constant 156 : i32
    %add3A_276 = arith.addi %mul3A_2, %add3A_275 : i32
    %sub3A = arith.constant 1 : i32
    %sub3A_277 = arith.subi %add3A_276, %sub3A : i32
    %mul3A_278 = arith.constant 64 : i32
    %mul3A_279 = arith.muli %sub3A_277, %mul3A_278 : i32
    %dma_wait3A = arith.constant 0 : i32
    %dma_wait3A_280 = arith.constant 0 : i32
    %dma_wait3A_281 = arith.constant 0 : i32
    %dma_wait3A_282 = arith.constant 0 : i32
    %dma_wait3A_283 = arith.constant 0 : i32
    %dma_wait3A_284 = tpu.memref_slice %arg6[%dma_wait3A_280, %dma_wait3A_282, %dma_wait3A_283] : memref<5x64x128xf32, #tpu.memory_space<vmem>> -> memref<1x64x128xf32, #tpu.memory_space<vmem>>
    %dma_wait3A_285 = tpu.memref_squeeze %dma_wait3A_284 : memref<1x64x128xf32, #tpu.memory_space<vmem>> -> memref<64x128xf32, #tpu.memory_space<vmem>>
    %dma_wait3A_286 = arith.constant 0 : i32
    %dma_wait3A_287 = tpu.memref_slice %arg2[%dma_wait3A, %mul3A_279, %dma_wait3A_286] : memref<1x320000x128xf32, #tpu.memory_space<hbm>> -> memref<1x64x128xf32, #tpu.memory_space<hbm>>
    %dma_wait3A_288 = tpu.memref_squeeze %dma_wait3A_287 : memref<1x64x128xf32, #tpu.memory_space<hbm>> -> memref<64x128xf32, #tpu.memory_space<hbm>>
    %dma_wait3A_289 = tpu.memref_slice %arg8[%dma_wait3A_281] : memref<5x!tpu.dma_semaphore, #tpu.memory_space<semaphore_mem>> -> memref<1x!tpu.dma_semaphore, #tpu.memory_space<semaphore_mem>>
    %dma_wait3A_290 = tpu.memref_squeeze %dma_wait3A_289 : memref<1x!tpu.dma_semaphore, #tpu.memory_space<semaphore_mem>> -> memref<!tpu.dma_semaphore, #tpu.memory_space<semaphore_mem>>
    %dma_wait3A_291 = arith.constant 0 : i32
    %dma_wait3A_292 = arith.constant 0 : i32
    %dma_wait3A_293 = tpu.memref_slice %arg6[%dma_wait3A_280, %dma_wait3A_291, %dma_wait3A_292] : memref<5x64x128xf32, #tpu.memory_space<vmem>> -> memref<1x64x128xf32, #tpu.memory_space<vmem>>
    %dma_wait3A_294 = tpu.memref_squeeze %dma_wait3A_293 : memref<1x64x128xf32, #tpu.memory_space<vmem>> -> memref<64x128xf32, #tpu.memory_space<vmem>>
    %dma_wait3A_295 = arith.constant 0 : i32
    %dma_wait3A_296 = tpu.memref_slice %arg2[%dma_wait3A, %mul3A_279, %dma_wait3A_295] : memref<1x320000x128xf32, #tpu.memory_space<hbm>> -> memref<1x64x128xf32, #tpu.memory_space<hbm>>
    %dma_wait3A_297 = tpu.memref_squeeze %dma_wait3A_296 : memref<1x64x128xf32, #tpu.memory_space<hbm>> -> memref<64x128xf32, #tpu.memory_space<hbm>>
    tpu.wait_dma2 semaphore(%dma_wait3A_290 : memref<!tpu.dma_semaphore, #tpu.memory_space<semaphore_mem>>) src(%dma_wait3A_297 : memref<64x128xf32, #tpu.memory_space<hbm>>) dst(%dma_wait3A_294 : memref<64x128xf32, #tpu.memory_space<vmem>>)
    %mul3A_298 = arith.constant 64 : i32
    %mul3A_299 = arith.muli %sub3A_277, %mul3A_298 : i32
    %dma_wait3A_300 = arith.constant 0 : i32
    %dma_wait3A_301 = arith.constant 0 : i32
    %dma_wait3A_302 = arith.constant 0 : i32
    %dma_wait3A_303 = arith.constant 0 : i32
    %dma_wait3A_304 = arith.constant 0 : i32
    %dma_wait3A_305 = tpu.memref_slice %arg5[%dma_wait3A_302, %dma_wait3A_304] : memref<5x64xi32, #tpu.memory_space<vmem>> -> memref<1x64xi32, #tpu.memory_space<vmem>>
    %dma_wait3A_306 = tpu.memref_squeeze %dma_wait3A_305 : memref<1x64xi32, #tpu.memory_space<vmem>> -> memref<64xi32, #tpu.memory_space<vmem>>
    %dma_wait3A_307 = tpu.memref_slice %arg3[%dma_wait3A_300, %dma_wait3A_301, %mul3A_299] : memref<1x2x320000xi32, #tpu.memory_space<hbm>> -> memref<1x1x64xi32, #tpu.memory_space<hbm>>
    %dma_wait3A_308 = tpu.memref_squeeze %dma_wait3A_307 : memref<1x1x64xi32, #tpu.memory_space<hbm>> -> memref<64xi32, #tpu.memory_space<hbm>>
    %dma_wait3A_309 = tpu.memref_slice %arg9[%dma_wait3A_303] : memref<5x!tpu.dma_semaphore, #tpu.memory_space<semaphore_mem>> -> memref<1x!tpu.dma_semaphore, #tpu.memory_space<semaphore_mem>>
    %dma_wait3A_310 = tpu.memref_squeeze %dma_wait3A_309 : memref<1x!tpu.dma_semaphore, #tpu.memory_space<semaphore_mem>> -> memref<!tpu.dma_semaphore, #tpu.memory_space<semaphore_mem>>
    %dma_wait3A_311 = arith.constant 0 : i32
    %dma_wait3A_312 = tpu.memref_slice %arg5[%dma_wait3A_302, %dma_wait3A_311] : memref<5x64xi32, #tpu.memory_space<vmem>> -> memref<1x64xi32, #tpu.memory_space<vmem>>
    %dma_wait3A_313 = tpu.memref_squeeze %dma_wait3A_312 : memref<1x64xi32, #tpu.memory_space<vmem>> -> memref<64xi32, #tpu.memory_space<vmem>>
    %dma_wait3A_314 = tpu.memref_slice %arg3[%dma_wait3A_300, %dma_wait3A_301, %mul3A_299] : memref<1x2x320000xi32, #tpu.memory_space<hbm>> -> memref<1x1x64xi32, #tpu.memory_space<hbm>>
    %dma_wait3A_315 = tpu.memref_squeeze %dma_wait3A_314 : memref<1x1x64xi32, #tpu.memory_space<hbm>> -> memref<64xi32, #tpu.memory_space<hbm>>
    tpu.wait_dma2 semaphore(%dma_wait3A_310 : memref<!tpu.dma_semaphore, #tpu.memory_space<semaphore_mem>>) src(%dma_wait3A_315 : memref<64xi32, #tpu.memory_space<hbm>>) dst(%dma_wait3A_313 : memref<64xi32, #tpu.memory_space<vmem>>)
    %run_scoped3A_316 = arith.constant 0 : i32
    %run_scoped3A_317 = arith.constant 0 : i32
    "tpu.region"() ({
      %run_scoped3A_325 = tpu.sem_alloc : memref<!tpu.dma_semaphore, #tpu.memory_space<semaphore_mem>>
      %dma_start3A_326 = arith.constant 0 : i32
      %dma_start3A_327 = arith.constant 0 : i32
      %dma_start3A_328 = tpu.memref_slice %arg6[%run_scoped3A_316, %dma_start3A_326, %dma_start3A_327] : memref<5x64x128xf32, #tpu.memory_space<vmem>> -> memref<1x64x128xf32, #tpu.memory_space<vmem>>
      %dma_start3A_329 = tpu.memref_squeeze %dma_start3A_328 : memref<1x64x128xf32, #tpu.memory_space<vmem>> -> memref<64x128xf32, #tpu.memory_space<vmem>>
      %dma_start3A_330 = arith.constant 0 : i32
      %dma_start3A_331 = tpu.memref_slice %arg5[%run_scoped3A_317, %dma_start3A_330] : memref<5x64xi32, #tpu.memory_space<vmem>> -> memref<1x64xi32, #tpu.memory_space<vmem>>
      %dma_start3A_332 = tpu.memref_squeeze %dma_start3A_331 : memref<1x64xi32, #tpu.memory_space<vmem>> -> memref<64xi32, #tpu.memory_space<vmem>>
      %dma_start3A_333 = arith.constant 0 : i32
      %dma_start3A_334 = arith.constant 0 : i32
      %dma_start3A_335 = tpu.memref_slice %arg7[%dma_start3A_333, %dma_start3A_334] : memref<10240x128xf32, #tpu.memory_space<vmem_shared>> -> memref<10240x128xf32, #tpu.memory_space<vmem_shared>>
      tpu.enqueue_indirect_dma source(%dma_start3A_329 : memref<64x128xf32, #tpu.memory_space<vmem>>) target(%dma_start3A_335 : memref<10240x128xf32, #tpu.memory_space<vmem_shared>>) offsets(%dma_start3A_332 : memref<64xi32, #tpu.memory_space<vmem>>) semaphore(%run_scoped3A_325 : memref<!tpu.dma_semaphore, #tpu.memory_space<semaphore_mem>>) {add = true}
      %dma_wait3A_336 = arith.constant 0 : i32
      %dma_wait3A_337 = arith.constant 0 : i32
      %dma_wait3A_338 = tpu.memref_slice %arg6[%run_scoped3A_316, %dma_wait3A_336, %dma_wait3A_337] : memref<5x64x128xf32, #tpu.memory_space<vmem>> -> memref<1x64x128xf32, #tpu.memory_space<vmem>>
      %dma_wait3A_339 = tpu.memref_squeeze %dma_wait3A_338 : memref<1x64x128xf32, #tpu.memory_space<vmem>> -> memref<64x128xf32, #tpu.memory_space<vmem>>
      %dma_wait3A_340 = arith.constant 0 : i32
      %dma_wait3A_341 = tpu.memref_slice %arg5[%run_scoped3A_317, %dma_wait3A_340] : memref<5x64xi32, #tpu.memory_space<vmem>> -> memref<1x64xi32, #tpu.memory_space<vmem>>
      %dma_wait3A_342 = tpu.memref_squeeze %dma_wait3A_341 : memref<1x64xi32, #tpu.memory_space<vmem>> -> memref<64xi32, #tpu.memory_space<vmem>>
      %dma_wait3A_343 = arith.constant 0 : i32
      %dma_wait3A_344 = arith.constant 0 : i32
      %dma_wait3A_345 = tpu.memref_slice %arg7[%dma_wait3A_343, %dma_wait3A_344] : memref<10240x128xf32, #tpu.memory_space<vmem_shared>> -> memref<10240x128xf32, #tpu.memory_space<vmem_shared>>
      tpu.wait_indirect_dma semaphore(%run_scoped3A_325 : memref<!tpu.dma_semaphore, #tpu.memory_space<semaphore_mem>>) src(%dma_wait3A_339 : memref<64x128xf32, #tpu.memory_space<vmem>>) dst(%dma_wait3A_345 : memref<10240x128xf32, #tpu.memory_space<vmem_shared>>)
      tpu.yield
    }) : () -> ()
    %lt3A = arith.constant 8 : i32
    %lt3A_318 = arith.cmpi slt, %add3A, %lt3A : i32
    %convert_element_type3A = arith.extui %lt3A_318 : i1 to i32
    %cond3A = arith.constant 0 : i32
    %cond3A_319 = arith.cmpi ne, %convert_element_type3A, %cond3A : i32
    scf.if %cond3A_319 {
      %add3A_325 = arith.constant 4992 : i32
      %add3A_326 = arith.addi %add3A_325, %add3A : i32
      %mul3A_327 = arith.constant 64 : i32
      %mul3A_328 = arith.muli %add3A_326, %mul3A_327 : i32
      %dma_start3A_329 = arith.constant 0 : i32
      %dma_start3A_330 = arith.constant 0 : i32
      %dma_start3A_331 = arith.constant 0 : i32
      %dma_start3A_332 = arith.constant 0 : i32
      %dma_start3A_333 = arith.constant 0 : i32
      %dma_start3A_334 = tpu.memref_slice %arg6[%dma_start3A_330, %dma_start3A_332, %dma_start3A_333] : memref<5x64x128xf32, #tpu.memory_space<vmem>> -> memref<1x64x128xf32, #tpu.memory_space<vmem>>
      %dma_start3A_335 = tpu.memref_squeeze %dma_start3A_334 : memref<1x64x128xf32, #tpu.memory_space<vmem>> -> memref<64x128xf32, #tpu.memory_space<vmem>>
      %dma_start3A_336 = arith.constant 0 : i32
      %dma_start3A_337 = tpu.memref_slice %arg2[%dma_start3A_329, %mul3A_328, %dma_start3A_336] : memref<1x320000x128xf32, #tpu.memory_space<hbm>> -> memref<1x64x128xf32, #tpu.memory_space<hbm>>
      %dma_start3A_338 = tpu.memref_squeeze %dma_start3A_337 : memref<1x64x128xf32, #tpu.memory_space<hbm>> -> memref<64x128xf32, #tpu.memory_space<hbm>>
      %dma_start3A_339 = tpu.memref_slice %arg8[%dma_start3A_331] : memref<5x!tpu.dma_semaphore, #tpu.memory_space<semaphore_mem>> -> memref<1x!tpu.dma_semaphore, #tpu.memory_space<semaphore_mem>>
      %dma_start3A_340 = tpu.memref_squeeze %dma_start3A_339 : memref<1x!tpu.dma_semaphore, #tpu.memory_space<semaphore_mem>> -> memref<!tpu.dma_semaphore, #tpu.memory_space<semaphore_mem>>
      %dma_start3A_341 = arith.constant 0 : i32
      %dma_start3A_342 = arith.constant 0 : i32
      %dma_start3A_343 = tpu.memref_slice %arg6[%dma_start3A_330, %dma_start3A_341, %dma_start3A_342] : memref<5x64x128xf32, #tpu.memory_space<vmem>> -> memref<1x64x128xf32, #tpu.memory_space<vmem>>
      %dma_start3A_344 = tpu.memref_squeeze %dma_start3A_343 : memref<1x64x128xf32, #tpu.memory_space<vmem>> -> memref<64x128xf32, #tpu.memory_space<vmem>>
      %dma_start3A_345 = arith.constant 0 : i32
      %dma_start3A_346 = tpu.memref_slice %arg2[%dma_start3A_329, %mul3A_328, %dma_start3A_345] : memref<1x320000x128xf32, #tpu.memory_space<hbm>> -> memref<1x64x128xf32, #tpu.memory_space<hbm>>
      %dma_start3A_347 = tpu.memref_squeeze %dma_start3A_346 : memref<1x64x128xf32, #tpu.memory_space<hbm>> -> memref<64x128xf32, #tpu.memory_space<hbm>>
      tpu.enqueue_dma source(%dma_start3A_347 : memref<64x128xf32, #tpu.memory_space<hbm>>) target(%dma_start3A_344 : memref<64x128xf32, #tpu.memory_space<vmem>>) target_semaphore(%dma_start3A_340 : memref<!tpu.dma_semaphore, #tpu.memory_space<semaphore_mem>>)
      %mul3A_348 = arith.constant 64 : i32
      %mul3A_349 = arith.muli %add3A_326, %mul3A_348 : i32
      %dma_start3A_350 = arith.constant 0 : i32
      %dma_start3A_351 = arith.constant 0 : i32
      %dma_start3A_352 = arith.constant 0 : i32
      %dma_start3A_353 = arith.constant 0 : i32
      %dma_start3A_354 = arith.constant 0 : i32
      %dma_start3A_355 = tpu.memref_slice %arg5[%dma_start3A_352, %dma_start3A_354] : memref<5x64xi32, #tpu.memory_space<vmem>> -> memref<1x64xi32, #tpu.memory_space<vmem>>
      %dma_start3A_356 = tpu.memref_squeeze %dma_start3A_355 : memref<1x64xi32, #tpu.memory_space<vmem>> -> memref<64xi32, #tpu.memory_space<vmem>>
      %dma_start3A_357 = tpu.memref_slice %arg3[%dma_start3A_350, %dma_start3A_351, %mul3A_349] : memref<1x2x320000xi32, #tpu.memory_space<hbm>> -> memref<1x1x64xi32, #tpu.memory_space<hbm>>
      %dma_start3A_358 = tpu.memref_squeeze %dma_start3A_357 : memref<1x1x64xi32, #tpu.memory_space<hbm>> -> memref<64xi32, #tpu.memory_space<hbm>>
      %dma_start3A_359 = tpu.memref_slice %arg9[%dma_start3A_353] : memref<5x!tpu.dma_semaphore, #tpu.memory_space<semaphore_mem>> -> memref<1x!tpu.dma_semaphore, #tpu.memory_space<semaphore_mem>>
      %dma_start3A_360 = tpu.memref_squeeze %dma_start3A_359 : memref<1x!tpu.dma_semaphore, #tpu.memory_space<semaphore_mem>> -> memref<!tpu.dma_semaphore, #tpu.memory_space<semaphore_mem>>
      %dma_start3A_361 = arith.constant 0 : i32
      %dma_start3A_362 = tpu.memref_slice %arg5[%dma_start3A_352, %dma_start3A_361] : memref<5x64xi32, #tpu.memory_space<vmem>> -> memref<1x64xi32, #tpu.memory_space<vmem>>
      %dma_start3A_363 = tpu.memref_squeeze %dma_start3A_362 : memref<1x64xi32, #tpu.memory_space<vmem>> -> memref<64xi32, #tpu.memory_space<vmem>>
      %dma_start3A_364 = tpu.memref_slice %arg3[%dma_start3A_350, %dma_start3A_351, %mul3A_349] : memref<1x2x320000xi32, #tpu.memory_space<hbm>> -> memref<1x1x64xi32, #tpu.memory_space<hbm>>
      %dma_start3A_365 = tpu.memref_squeeze %dma_start3A_364 : memref<1x1x64xi32, #tpu.memory_space<hbm>> -> memref<64xi32, #tpu.memory_space<hbm>>
      tpu.enqueue_dma source(%dma_start3A_365 : memref<64xi32, #tpu.memory_space<hbm>>) target(%dma_start3A_363 : memref<64xi32, #tpu.memory_space<vmem>>) target_semaphore(%dma_start3A_360 : memref<!tpu.dma_semaphore, #tpu.memory_space<semaphore_mem>>)
      %mul3A_366 = arith.constant 64 : i32
      %mul3A_367 = arith.muli %add3A_326, %mul3A_366 : i32
      %dma_wait3A_368 = arith.constant 0 : i32
      %dma_wait3A_369 = arith.constant 0 : i32
      %dma_wait3A_370 = arith.constant 0 : i32
      %dma_wait3A_371 = arith.constant 0 : i32
      %dma_wait3A_372 = arith.constant 0 : i32
      %dma_wait3A_373 = tpu.memref_slice %arg6[%dma_wait3A_369, %dma_wait3A_371, %dma_wait3A_372] : memref<5x64x128xf32, #tpu.memory_space<vmem>> -> memref<1x64x128xf32, #tpu.memory_space<vmem>>
      %dma_wait3A_374 = tpu.memref_squeeze %dma_wait3A_373 : memref<1x64x128xf32, #tpu.memory_space<vmem>> -> memref<64x128xf32, #tpu.memory_space<vmem>>
      %dma_wait3A_375 = arith.constant 0 : i32
      %dma_wait3A_376 = tpu.memref_slice %arg2[%dma_wait3A_368, %mul3A_367, %dma_wait3A_375] : memref<1x320000x128xf32, #tpu.memory_space<hbm>> -> memref<1x64x128xf32, #tpu.memory_space<hbm>>
      %dma_wait3A_377 = tpu.memref_squeeze %dma_wait3A_376 : memref<1x64x128xf32, #tpu.memory_space<hbm>> -> memref<64x128xf32, #tpu.memory_space<hbm>>
      %dma_wait3A_378 = tpu.memref_slice %arg8[%dma_wait3A_370] : memref<5x!tpu.dma_semaphore, #tpu.memory_space<semaphore_mem>> -> memref<1x!tpu.dma_semaphore, #tpu.memory_space<semaphore_mem>>
      %dma_wait3A_379 = tpu.memref_squeeze %dma_wait3A_378 : memref<1x!tpu.dma_semaphore, #tpu.memory_space<semaphore_mem>> -> memref<!tpu.dma_semaphore, #tpu.memory_space<semaphore_mem>>
      %dma_wait3A_380 = arith.constant 0 : i32
      %dma_wait3A_381 = arith.constant 0 : i32
      %dma_wait3A_382 = tpu.memref_slice %arg6[%dma_wait3A_369, %dma_wait3A_380, %dma_wait3A_381] : memref<5x64x128xf32, #tpu.memory_space<vmem>> -> memref<1x64x128xf32, #tpu.memory_space<vmem>>
      %dma_wait3A_383 = tpu.memref_squeeze %dma_wait3A_382 : memref<1x64x128xf32, #tpu.memory_space<vmem>> -> memref<64x128xf32, #tpu.memory_space<vmem>>
      %dma_wait3A_384 = arith.constant 0 : i32
      %dma_wait3A_385 = tpu.memref_slice %arg2[%dma_wait3A_368, %mul3A_367, %dma_wait3A_384] : memref<1x320000x128xf32, #tpu.memory_space<hbm>> -> memref<1x64x128xf32, #tpu.memory_space<hbm>>
      %dma_wait3A_386 = tpu.memref_squeeze %dma_wait3A_385 : memref<1x64x128xf32, #tpu.memory_space<hbm>> -> memref<64x128xf32, #tpu.memory_space<hbm>>
      tpu.wait_dma2 semaphore(%dma_wait3A_379 : memref<!tpu.dma_semaphore, #tpu.memory_space<semaphore_mem>>) src(%dma_wait3A_386 : memref<64x128xf32, #tpu.memory_space<hbm>>) dst(%dma_wait3A_383 : memref<64x128xf32, #tpu.memory_space<vmem>>)
      %mul3A_387 = arith.constant 64 : i32
      %mul3A_388 = arith.muli %add3A_326, %mul3A_387 : i32
      %dma_wait3A_389 = arith.constant 0 : i32
      %dma_wait3A_390 = arith.constant 0 : i32
      %dma_wait3A_391 = arith.constant 0 : i32
      %dma_wait3A_392 = arith.constant 0 : i32
      %dma_wait3A_393 = arith.constant 0 : i32
      %dma_wait3A_394 = tpu.memref_slice %arg5[%dma_wait3A_391, %dma_wait3A_393] : memref<5x64xi32, #tpu.memory_space<vmem>> -> memref<1x64xi32, #tpu.memory_space<vmem>>
      %dma_wait3A_395 = tpu.memref_squeeze %dma_wait3A_394 : memref<1x64xi32, #tpu.memory_space<vmem>> -> memref<64xi32, #tpu.memory_space<vmem>>
      %dma_wait3A_396 = tpu.memref_slice %arg3[%dma_wait3A_389, %dma_wait3A_390, %mul3A_388] : memref<1x2x320000xi32, #tpu.memory_space<hbm>> -> memref<1x1x64xi32, #tpu.memory_space<hbm>>
      %dma_wait3A_397 = tpu.memref_squeeze %dma_wait3A_396 : memref<1x1x64xi32, #tpu.memory_space<hbm>> -> memref<64xi32, #tpu.memory_space<hbm>>
      %dma_wait3A_398 = tpu.memref_slice %arg9[%dma_wait3A_392] : memref<5x!tpu.dma_semaphore, #tpu.memory_space<semaphore_mem>> -> memref<1x!tpu.dma_semaphore, #tpu.memory_space<semaphore_mem>>
      %dma_wait3A_399 = tpu.memref_squeeze %dma_wait3A_398 : memref<1x!tpu.dma_semaphore, #tpu.memory_space<semaphore_mem>> -> memref<!tpu.dma_semaphore, #tpu.memory_space<semaphore_mem>>
      %dma_wait3A_400 = arith.constant 0 : i32
      %dma_wait3A_401 = tpu.memref_slice %arg5[%dma_wait3A_391, %dma_wait3A_400] : memref<5x64xi32, #tpu.memory_space<vmem>> -> memref<1x64xi32, #tpu.memory_space<vmem>>
      %dma_wait3A_402 = tpu.memref_squeeze %dma_wait3A_401 : memref<1x64xi32, #tpu.memory_space<vmem>> -> memref<64xi32, #tpu.memory_space<vmem>>
      %dma_wait3A_403 = tpu.memref_slice %arg3[%dma_wait3A_389, %dma_wait3A_390, %mul3A_388] : memref<1x2x320000xi32, #tpu.memory_space<hbm>> -> memref<1x1x64xi32, #tpu.memory_space<hbm>>
      %dma_wait3A_404 = tpu.memref_squeeze %dma_wait3A_403 : memref<1x1x64xi32, #tpu.memory_space<hbm>> -> memref<64xi32, #tpu.memory_space<hbm>>
      tpu.wait_dma2 semaphore(%dma_wait3A_399 : memref<!tpu.dma_semaphore, #tpu.memory_space<semaphore_mem>>) src(%dma_wait3A_404 : memref<64xi32, #tpu.memory_space<hbm>>) dst(%dma_wait3A_402 : memref<64xi32, #tpu.memory_space<vmem>>)
      %run_scoped3A_405 = arith.constant 0 : i32
      %run_scoped3A_406 = arith.constant 0 : i32
      "tpu.region"() ({
        %run_scoped3A_407 = tpu.sem_alloc : memref<!tpu.dma_semaphore, #tpu.memory_space<semaphore_mem>>
        %dma_start3A_408 = arith.constant 0 : i32
        %dma_start3A_409 = arith.constant 0 : i32
        %dma_start3A_410 = tpu.memref_slice %arg6[%run_scoped3A_405, %dma_start3A_408, %dma_start3A_409] : memref<5x64x128xf32, #tpu.memory_space<vmem>> -> memref<1x64x128xf32, #tpu.memory_space<vmem>>
        %dma_start3A_411 = tpu.memref_squeeze %dma_start3A_410 : memref<1x64x128xf32, #tpu.memory_space<vmem>> -> memref<64x128xf32, #tpu.memory_space<vmem>>
        %dma_start3A_412 = arith.constant 0 : i32
        %dma_start3A_413 = tpu.memref_slice %arg5[%run_scoped3A_406, %dma_start3A_412] : memref<5x64xi32, #tpu.memory_space<vmem>> -> memref<1x64xi32, #tpu.memory_space<vmem>>
        %dma_start3A_414 = tpu.memref_squeeze %dma_start3A_413 : memref<1x64xi32, #tpu.memory_space<vmem>> -> memref<64xi32, #tpu.memory_space<vmem>>
        %dma_start3A_415 = arith.constant 0 : i32
        %dma_start3A_416 = arith.constant 0 : i32
        %dma_start3A_417 = tpu.memref_slice %arg7[%dma_start3A_415, %dma_start3A_416] : memref<10240x128xf32, #tpu.memory_space<vmem_shared>> -> memref<10240x128xf32, #tpu.memory_space<vmem_shared>>
        tpu.enqueue_indirect_dma source(%dma_start3A_411 : memref<64x128xf32, #tpu.memory_space<vmem>>) target(%dma_start3A_417 : memref<10240x128xf32, #tpu.memory_space<vmem_shared>>) offsets(%dma_start3A_414 : memref<64xi32, #tpu.memory_space<vmem>>) semaphore(%run_scoped3A_407 : memref<!tpu.dma_semaphore, #tpu.memory_space<semaphore_mem>>) {add = true}
        %dma_wait3A_418 = arith.constant 0 : i32
        %dma_wait3A_419 = arith.constant 0 : i32
        %dma_wait3A_420 = tpu.memref_slice %arg6[%run_scoped3A_405, %dma_wait3A_418, %dma_wait3A_419] : memref<5x64x128xf32, #tpu.memory_space<vmem>> -> memref<1x64x128xf32, #tpu.memory_space<vmem>>
        %dma_wait3A_421 = tpu.memref_squeeze %dma_wait3A_420 : memref<1x64x128xf32, #tpu.memory_space<vmem>> -> memref<64x128xf32, #tpu.memory_space<vmem>>
        %dma_wait3A_422 = arith.constant 0 : i32
        %dma_wait3A_423 = tpu.memref_slice %arg5[%run_scoped3A_406, %dma_wait3A_422] : memref<5x64xi32, #tpu.memory_space<vmem>> -> memref<1x64xi32, #tpu.memory_space<vmem>>
        %dma_wait3A_424 = tpu.memref_squeeze %dma_wait3A_423 : memref<1x64xi32, #tpu.memory_space<vmem>> -> memref<64xi32, #tpu.memory_space<vmem>>
        %dma_wait3A_425 = arith.constant 0 : i32
        %dma_wait3A_426 = arith.constant 0 : i32
        %dma_wait3A_427 = tpu.memref_slice %arg7[%dma_wait3A_425, %dma_wait3A_426] : memref<10240x128xf32, #tpu.memory_space<vmem_shared>> -> memref<10240x128xf32, #tpu.memory_space<vmem_shared>>
        tpu.wait_indirect_dma semaphore(%run_scoped3A_407 : memref<!tpu.dma_semaphore, #tpu.memory_space<semaphore_mem>>) src(%dma_wait3A_421 : memref<64x128xf32, #tpu.memory_space<vmem>>) dst(%dma_wait3A_427 : memref<10240x128xf32, #tpu.memory_space<vmem_shared>>)
        tpu.yield
      }) : () -> ()
    } else {
    }
    %barrier3A_320 = arith.constant 0 : index
    tpu.barrier barrier_id(%barrier3A_320)
    %mul3A_321 = arith.constant 640 : i32
    %mul3A_322 = arith.muli %arg1, %mul3A_321 : i32
    %mul3A_323 = arith.constant 640 : i32
    %mul3A_324 = arith.muli %arg1, %mul3A_323 : i32
    "tpu.region"() ({
      %run_scoped3A_325 = tpu.sem_alloc : memref<!tpu.dma_semaphore, #tpu.memory_space<semaphore_mem>>
      %dma_start3A_326 = arith.constant 0 : i32
      %dma_start3A_327 = tpu.memref_slice %arg4[%arg0, %mul3A_324, %dma_start3A_326] : memref<2x10240x128xf32, #tpu.memory_space<hbm>> -> memref<1x640x128xf32, #tpu.memory_space<hbm>>
      %dma_start3A_328 = tpu.memref_squeeze %dma_start3A_327 : memref<1x640x128xf32, #tpu.memory_space<hbm>> -> memref<640x128xf32, #tpu.memory_space<hbm>>
      %dma_start3A_329 = arith.constant 0 : i32
      %dma_start3A_330 = tpu.memref_slice %arg7[%mul3A_322, %dma_start3A_329] : memref<10240x128xf32, #tpu.memory_space<vmem_shared>> -> memref<640x128xf32, #tpu.memory_space<vmem_shared>>
      tpu.enqueue_dma source(%dma_start3A_330 : memref<640x128xf32, #tpu.memory_space<vmem_shared>>) target(%dma_start3A_328 : memref<640x128xf32, #tpu.memory_space<hbm>>) target_semaphore(%run_scoped3A_325 : memref<!tpu.dma_semaphore, #tpu.memory_space<semaphore_mem>>)
      %dma_wait3A_331 = arith.constant 0 : i32
      %dma_wait3A_332 = tpu.memref_slice %arg4[%arg0, %mul3A_324, %dma_wait3A_331] : memref<2x10240x128xf32, #tpu.memory_space<hbm>> -> memref<1x640x128xf32, #tpu.memory_space<hbm>>
      %dma_wait3A_333 = tpu.memref_squeeze %dma_wait3A_332 : memref<1x640x128xf32, #tpu.memory_space<hbm>> -> memref<640x128xf32, #tpu.memory_space<hbm>>
      %dma_wait3A_334 = arith.constant 0 : i32
      %dma_wait3A_335 = tpu.memref_slice %arg7[%mul3A_322, %dma_wait3A_334] : memref<10240x128xf32, #tpu.memory_space<vmem_shared>> -> memref<640x128xf32, #tpu.memory_space<vmem_shared>>
      tpu.wait_dma2 semaphore(%run_scoped3A_325 : memref<!tpu.dma_semaphore, #tpu.memory_space<semaphore_mem>>) src(%dma_wait3A_335 : memref<640x128xf32, #tpu.memory_space<vmem_shared>>) dst(%dma_wait3A_333 : memref<640x128xf32, #tpu.memory_space<hbm>>)
      tpu.yield
    }) : () -> ()
    return
  }
}

module attributes {stable_mosaic.version = 14 : i64} {
  func.func @_mlp_body(%arg0: i32, %arg1: memref<1x2000x128xf32, #tpu.memory_space<vmem>>, %arg2: memref<2x2000x128xf32, #tpu.memory_space<vmem>>, %arg3: memref<128x128xf32, #tpu.memory_space<vmem>>, %arg4: memref<128x128xf32, #tpu.memory_space<vmem>>, %arg5: memref<1x128xf32, #tpu.memory_space<vmem>>, %arg6: memref<128x128xf32, #tpu.memory_space<vmem>>, %arg7: memref<1x128xf32, #tpu.memory_space<vmem>>, %arg8: memref<1x128xf32, #tpu.memory_space<vmem>>, %arg9: memref<1x128xf32, #tpu.memory_space<vmem>>, %arg10: memref<1x2000x128xf32, #tpu.memory_space<vmem>>) attributes {dimension_semantics = [#tpu.dimension_semantics<arbitrary>], iteration_bounds = array<i64: 5>, scalar_prefetch = 0 : i64, scratch_operands = 0 : i64, tpu.core_type = #tpu.core_type<tc>, window_params = [{transform_indices = @transform_0, window_bounds = array<i64: 1, 2000, 128>}, {transform_indices = @transform_1, window_bounds = array<i64: 2, 2000, 128>}, {pipeline_mode = #tpu.pipeline_mode<synchronous>, transform_indices = @transform_2, window_bounds = array<i64: 128, 128>}, {pipeline_mode = #tpu.pipeline_mode<synchronous>, transform_indices = @transform_3, window_bounds = array<i64: 128, 128>}, {pipeline_mode = #tpu.pipeline_mode<synchronous>, transform_indices = @transform_4, window_bounds = array<i64: 1, 128>}, {pipeline_mode = #tpu.pipeline_mode<synchronous>, transform_indices = @transform_5, window_bounds = array<i64: 128, 128>}, {pipeline_mode = #tpu.pipeline_mode<synchronous>, transform_indices = @transform_6, window_bounds = array<i64: 1, 128>}, {pipeline_mode = #tpu.pipeline_mode<synchronous>, transform_indices = @transform_7, window_bounds = array<i64: 1, 128>}, {pipeline_mode = #tpu.pipeline_mode<synchronous>, transform_indices = @transform_8, window_bounds = array<i64: 1, 128>}, {transform_indices = @transform_9, window_bounds = array<i64: 1, 2000, 128>}]} {
    %get3A = arith.constant 0 : index
    %get3A_0 = arith.constant 0 : index
    %get3A_1 = arith.constant 0 : index
    %get3A_2 = vector.load %arg1[%get3A, %get3A_0, %get3A_1] : memref<1x2000x128xf32, #tpu.memory_space<vmem>>, vector<1x2000x128xf32>
    %get3A_3 = vector.shape_cast %get3A_2 : vector<1x2000x128xf32> to vector<2000x128xf32>
    %get3A_4 = arith.constant 0 : index
    %get3A_5 = arith.constant 0 : index
    %get3A_6 = arith.constant 0 : index
    %get3A_7 = vector.load %arg2[%get3A_4, %get3A_5, %get3A_6] : memref<2x2000x128xf32, #tpu.memory_space<vmem>>, vector<1x2000x128xf32>
    %get3A_8 = vector.shape_cast %get3A_7 : vector<1x2000x128xf32> to vector<2000x128xf32>
    %get3A_9 = arith.constant 1 : index
    %get3A_10 = arith.constant 0 : index
    %get3A_11 = arith.constant 0 : index
    %get3A_12 = vector.load %arg2[%get3A_9, %get3A_10, %get3A_11] : memref<2x2000x128xf32, #tpu.memory_space<vmem>>, vector<1x2000x128xf32>
    %get3A_13 = vector.shape_cast %get3A_12 : vector<1x2000x128xf32> to vector<2000x128xf32>
    %add3A = arith.addf %get3A_8, %get3A_13 : vector<2000x128xf32>
    %get3A_14 = arith.constant 0 : index
    %get3A_15 = arith.constant 0 : index
    %get3A_16 = vector.load %arg3[%get3A_14, %get3A_15] : memref<128x128xf32, #tpu.memory_space<vmem>>, vector<128x128xf32>
    %dot_general3A = arith.constant dense<0.000000e+00> : vector<2000x128xf32>
    %dot_general3A_17 = tpu.matmul %get3A_3, %get3A_16, %dot_general3A {dimension_numbers = #tpu.dot_dimension_numbers<[1], [0], [0], [1], [0, 0, 1, 1], [], []>, transpose_lhs_hint = false} : vector<2000x128xf32>, vector<128x128xf32>, vector<2000x128xf32> -> vector<2000x128xf32>
    %get3A_18 = arith.constant 0 : index
    %get3A_19 = arith.constant 0 : index
    %get3A_20 = vector.load %arg4[%get3A_18, %get3A_19] : memref<128x128xf32, #tpu.memory_space<vmem>>, vector<128x128xf32>
    %dot_general3A_21 = arith.constant dense<0.000000e+00> : vector<2000x128xf32>
    %dot_general3A_22 = tpu.matmul %add3A, %get3A_20, %dot_general3A_21 {dimension_numbers = #tpu.dot_dimension_numbers<[1], [0], [0], [1], [0, 0, 1, 1], [], []>, transpose_lhs_hint = false} : vector<2000x128xf32>, vector<128x128xf32>, vector<2000x128xf32> -> vector<2000x128xf32>
    %add3A_23 = arith.addf %dot_general3A_17, %dot_general3A_22 : vector<2000x128xf32>
    %get3A_24 = arith.constant 0 : index
    %get3A_25 = arith.constant 0 : index
    %get3A_26 = vector.load %arg5[%get3A_24, %get3A_25] : memref<1x128xf32, #tpu.memory_space<vmem>>, vector<1x128xf32>
    %add3A_27 = vector.broadcast %get3A_26 : vector<1x128xf32> to vector<2000x128xf32>
    %add3A_28 = arith.addf %add3A_23, %add3A_27 : vector<2000x128xf32>
    %max3A = arith.constant 0.000000e+00 : f32
    %max3A_29 = vector.broadcast %max3A : f32 to vector<2000x128xf32>
    %max3A_30 = arith.maximumf %add3A_28, %max3A_29 : vector<2000x128xf32>
    %get3A_31 = arith.constant 0 : index
    %get3A_32 = arith.constant 0 : index
    %get3A_33 = vector.load %arg6[%get3A_31, %get3A_32] : memref<128x128xf32, #tpu.memory_space<vmem>>, vector<128x128xf32>
    %dot_general3A_34 = arith.constant dense<0.000000e+00> : vector<2000x128xf32>
    %dot_general3A_35 = tpu.matmul %max3A_30, %get3A_33, %dot_general3A_34 {dimension_numbers = #tpu.dot_dimension_numbers<[1], [0], [0], [1], [0, 0, 1, 1], [], []>, transpose_lhs_hint = false} : vector<2000x128xf32>, vector<128x128xf32>, vector<2000x128xf32> -> vector<2000x128xf32>
    %get3A_36 = arith.constant 0 : index
    %get3A_37 = arith.constant 0 : index
    %get3A_38 = vector.load %arg7[%get3A_36, %get3A_37] : memref<1x128xf32, #tpu.memory_space<vmem>>, vector<1x128xf32>
    %add3A_39 = vector.broadcast %get3A_38 : vector<1x128xf32> to vector<2000x128xf32>
    %add3A_40 = arith.addf %dot_general3A_35, %add3A_39 : vector<2000x128xf32>
    %add3A_41 = arith.addf %add3A_40, %get3A_3 : vector<2000x128xf32>
    %reduce_sum3A = arith.constant dense<0.000000e+00> : vector<2000xf32>
    %reduce_sum3A_42 = vector.multi_reduction <add>, %add3A_41, %reduce_sum3A [1] : vector<2000x128xf32> to vector<2000xf32>
    %broadcast_in_dim3A = vector.shape_cast %reduce_sum3A_42 : vector<2000xf32> to vector<2000x1xf32>
    %div3A = arith.constant 1.280000e+02 : f32
    %div3A_43 = vector.broadcast %div3A : f32 to vector<2000x1xf32>
    %div3A_44 = arith.divf %broadcast_in_dim3A, %div3A_43 : vector<2000x1xf32>
    %sub3A = vector.broadcast %div3A_44 : vector<2000x1xf32> to vector<2000x128xf32>
    %sub3A_45 = arith.subf %add3A_41, %sub3A : vector<2000x128xf32>
    %mul3A = arith.mulf %sub3A_45, %sub3A_45 : vector<2000x128xf32>
    %reduce_sum3A_46 = arith.constant dense<0.000000e+00> : vector<2000xf32>
    %reduce_sum3A_47 = vector.multi_reduction <add>, %mul3A, %reduce_sum3A_46 [1] : vector<2000x128xf32> to vector<2000xf32>
    %broadcast_in_dim3A_48 = vector.shape_cast %reduce_sum3A_47 : vector<2000xf32> to vector<2000x1xf32>
    %div3A_49 = arith.constant 1.280000e+02 : f32
    %div3A_50 = vector.broadcast %div3A_49 : f32 to vector<2000x1xf32>
    %div3A_51 = arith.divf %broadcast_in_dim3A_48, %div3A_50 : vector<2000x1xf32>
    %add3A_52 = arith.constant 9.99999974E-6 : f32
    %add3A_53 = vector.broadcast %add3A_52 : f32 to vector<2000x1xf32>
    %add3A_54 = arith.addf %div3A_51, %add3A_53 : vector<2000x1xf32>
    %rsqrt3A = math.rsqrt %add3A_54 : vector<2000x1xf32>
    %mul3A_55 = vector.broadcast %rsqrt3A : vector<2000x1xf32> to vector<2000x128xf32>
    %mul3A_56 = arith.mulf %sub3A_45, %mul3A_55 : vector<2000x128xf32>
    %get3A_57 = arith.constant 0 : index
    %get3A_58 = arith.constant 0 : index
    %get3A_59 = vector.load %arg8[%get3A_57, %get3A_58] : memref<1x128xf32, #tpu.memory_space<vmem>>, vector<1x128xf32>
    %mul3A_60 = vector.broadcast %get3A_59 : vector<1x128xf32> to vector<2000x128xf32>
    %mul3A_61 = arith.mulf %mul3A_56, %mul3A_60 : vector<2000x128xf32>
    %get3A_62 = arith.constant 0 : index
    %get3A_63 = arith.constant 0 : index
    %get3A_64 = vector.load %arg9[%get3A_62, %get3A_63] : memref<1x128xf32, #tpu.memory_space<vmem>>, vector<1x128xf32>
    %add3A_65 = vector.broadcast %get3A_64 : vector<1x128xf32> to vector<2000x128xf32>
    %add3A_66 = arith.addf %mul3A_61, %add3A_65 : vector<2000x128xf32>
    %swap3A = arith.constant 0 : index
    %swap3A_67 = arith.constant 0 : index
    %swap3A_68 = arith.constant 0 : index
    %swap3A_69 = vector.load %arg10[%swap3A, %swap3A_67, %swap3A_68] : memref<1x2000x128xf32, #tpu.memory_space<vmem>>, vector<1x2000x128xf32>
    %swap3A_70 = vector.shape_cast %swap3A_69 : vector<1x2000x128xf32> to vector<2000x128xf32>
    %swap3A_71 = vector.shape_cast %add3A_66 : vector<2000x128xf32> to vector<1x2000x128xf32>
    tpu.vector_store %arg10[%swap3A, %swap3A_67, %swap3A_68], %swap3A_71 {strides = array<i32>} : memref<1x2000x128xf32, #tpu.memory_space<vmem>>, vector<1x2000x128xf32>,
    return
  }
  func.func @transform_0(%arg0: i32) -> (i32, i32, i32) {
    %c0_i32 = arith.constant 0 : i32
    %c0_i32_0 = arith.constant 0 : i32
    %c0_i32_1 = arith.constant 0 : i32
    return %c0_i32, %arg0, %c0_i32_0 : i32, i32, i32
  }
  func.func @transform_1(%arg0: i32) -> (i32, i32, i32) {
    %c0_i32 = arith.constant 0 : i32
    %c0_i32_0 = arith.constant 0 : i32
    %c0_i32_1 = arith.constant 0 : i32
    return %c0_i32, %arg0, %c0_i32_0 : i32, i32, i32
  }
  func.func @transform_2(%arg0: i32) -> (i32, i32) {
    %c0_i32 = arith.constant 0 : i32
    %c0_i32_0 = arith.constant 0 : i32
    %c0_i32_1 = arith.constant 0 : i32
    return %c0_i32, %c0_i32_0 : i32, i32
  }
  func.func @transform_3(%arg0: i32) -> (i32, i32) {
    %c0_i32 = arith.constant 0 : i32
    %c0_i32_0 = arith.constant 0 : i32
    %c0_i32_1 = arith.constant 0 : i32
    return %c0_i32, %c0_i32_0 : i32, i32
  }
  func.func @transform_4(%arg0: i32) -> (i32, i32) {
    %c0_i32 = arith.constant 0 : i32
    %c0_i32_0 = arith.constant 0 : i32
    %c0_i32_1 = arith.constant 0 : i32
    return %c0_i32, %c0_i32_0 : i32, i32
  }
  func.func @transform_5(%arg0: i32) -> (i32, i32) {
    %c0_i32 = arith.constant 0 : i32
    %c0_i32_0 = arith.constant 0 : i32
    %c0_i32_1 = arith.constant 0 : i32
    return %c0_i32, %c0_i32_0 : i32, i32
  }
  func.func @transform_6(%arg0: i32) -> (i32, i32) {
    %c0_i32 = arith.constant 0 : i32
    %c0_i32_0 = arith.constant 0 : i32
    %c0_i32_1 = arith.constant 0 : i32
    return %c0_i32, %c0_i32_0 : i32, i32
  }
  func.func @transform_7(%arg0: i32) -> (i32, i32) {
    %c0_i32 = arith.constant 0 : i32
    %c0_i32_0 = arith.constant 0 : i32
    %c0_i32_1 = arith.constant 0 : i32
    return %c0_i32, %c0_i32_0 : i32, i32
  }
  func.func @transform_8(%arg0: i32) -> (i32, i32) {
    %c0_i32 = arith.constant 0 : i32
    %c0_i32_0 = arith.constant 0 : i32
    %c0_i32_1 = arith.constant 0 : i32
    return %c0_i32, %c0_i32_0 : i32, i32
  }
  func.func @transform_9(%arg0: i32) -> (i32, i32, i32) {
    %c0_i32 = arith.constant 0 : i32
    %c0_i32_0 = arith.constant 0 : i32
    %c0_i32_1 = arith.constant 0 : i32
    return %c0_i32, %arg0, %c0_i32_0 : i32, i32, i32
  }
}

</mosaic_0001>

<sc_bundles>
// kernel: kernel.4.cloned.1.call-start
scs
__scs_entry_jumppad:
0x0: {  	(pc) =	sbr.rel $0x88, $3  }
0x1: {  	(tag) =	ssettag $0x0;
	lr =	simm.s32 $0x1  }
0x2: {  	[smem:$0x3F98] =	sst lr;
	_ =	strace $0xD0000000  }
0x3: {  	_ = 	snop  }
0x4: {  	_ = 	snop  }
0x5: {  	_ = 	snop  }
0x6: {  	_ = 	snop  }
0x7: {  	_ = 	snop  }
__scs_overlays_trampoline_lowered:
0x8: {  	[smem:$0x3FA7] =	sst s0  }
0x9: {  	[smem:$0x3FA8] =	sst s1  }
0xa: {  	[smem:$0x3FA9] =	sst s2  }
0xb: {  	[smem:$0x3FAA] =	sst s3  }
0xc: {  	[smem:$0x3FAB] =	sst s4  }
0xd: {  	[smem:$0x3FAC] =	sst s5  }
0xe: {  	[smem:$0x3FAD] =	sst s6  }
0xf: {  	[smem:$0x3FAE] =	sst s7  }
0x10: {  	[smem:$0x3FAF] =	sst s8  }
0x11: {  	[smem:$0x3FB0] =	sst s9;
	s0 =	simm.s32 @!p0 $0x0  }
0x12: {  	s1 =	sld [smem:$0x3F96];
	s0 =	simm.s32 @p0 $0x1  }
0x13: {  	[smem:$0x3FB1] =	sst s0;
	s0 =	simm.s32 @!p1 $0x0  }
0x14: {  	s2 =	sld [smem:$0x3F95];
	s0 =	simm.s32 @p1 $0x1  }
0x15: {  	[smem:$0x3FB2] =	sst s0;
	s0 =	simm.s32 @!p2 $0x0  }
0x16: {  	s3 =	sld [smem:$0x3FDB];
	s0 =	simm.s32 @p2 $0x1  }
0x17: {  	s4 =	simm.s32 $0x1BF5;
	[smem:$0x3FB4] =	sst s0  }
0x18: {  	s0 =	sld [smem:$0x3F97];
	_ =	swait.ge [sflag:s4], $0x0  }
0x19: {  	s7 =	sld [smem:$0x3F98]  }
0x1a: {  	s8 =	sadd.s32 $0xFFFFE003, lr  }
0x1b: {  	s9 =	sadd.s32 $0xFFFFFEF7, lr;
	s5 =	simm.s32 $0xFFFFFFFF;
	p2 =	slt.u32 s8, $0xFFFFF086  }
0x1c: {  	p1 =	slt.u32 s9, $0xF7A;
	s5 =	simm.s32 @!p2 $0x0  }
0x1d: {  	s5 =	simm.s32 @p1 $0x1;
	p0 =	seq.s32 s7, s2  }
0x1e: {  	s7 =	smul.u32 @!p0 $0xF7A, s2;
	p2 =	seq.s32 @!p0 s5, $0x0  }
0x1f: {  	s9 =	smul.u32 $0xF7A, s1;
	s8 =	simm.s32 @!p0 $0x1BF5;
	p2 =	por !p2, p0  }
0x20: {  	[sflag:s8] =	ssyncset.s32 @!p0 $0xFFFFF086;
	s6 =	sadd.s32 @!p0 s3, s7;
	s7 =	simm.s32 @!p0 $0x108  }
0x21: {  	s3 =	sadd.s32 s3, s9;
	s6 =	sadd.s32 @!p0 $0x88, s6;
	s7 =	simm.s32 @p2 $0x1082  }
0x22: {  	[simem:s7], [sflag:s8] =	dma.local @!p0 [hbm:s6], $0xF7A  }
0x23: {  	s9 =	sor.u32 $0xD0000000, s2;
	s6 =	simm.s32 $0x108;
	_ =	swait.ge @!p0 [sflag:s8], $0x0  }
0x24: {  	s3 =	sadd.s32 $0x88, s3;
	s6 =	simm.s32 @!p1 $0x1082;
	[sflag:s4] =	ssyncset.s32 $0xFFFFF086  }
0x25: {  	[simem:s6], [sflag:s4] =	dma.local [hbm:s3], $0xF7A  }
0x26: {  	[smem:$0x3F98] =	sst s1;
	(tag) =	ssettag s2;
	_ =	strace s9  }
0x27: {  	s1 =	sld [smem:$0x3FA8]  }
0x28: {  	s2 =	sld [smem:$0x3FA9]  }
0x29: {  	s4 =	sld [smem:$0x3FAB]  }
0x2a: {  	p0 =	seq.s32 s5, $0x0;
	s5 =	sld [smem:$0x3FAC]  }
0x2b: {  	s6 =	sld [smem:$0x3FAD]  }
0x2c: {  	s7 =	sld [smem:$0x3FAE]  }
0x2d: {  	s3 =	simm.s32 $0x108;
	s8 =	sld [smem:$0x3FAF]  }
0x2e: {  	s3 =	simm.s32 @!p0 $0x1082;
	s9 =	sld [smem:$0x3FB0]  }
0x2f: {  	lr =	sadd.s32 s0, s3;
	s0 =	sld [smem:$0x3FA7]  }
0x30: {  	s3 =	sld [smem:$0x3FAA]  }
0x31: {  	[smem:$0x3FB3] =	sst s10  }
0x32: {  	s10 =	sld [smem:$0x3FB1];
	_ =	sdelay $0x3  }
0x33: {  	p0 =	seq.s32 s10, $0x1;
	s10 =	sld [smem:$0x3FB3];
	_ =	sdelay $0x3  }
0x34: {  	[smem:$0x3FB3] =	sst s10  }
0x35: {  	s10 =	sld [smem:$0x3FB2];
	_ =	sdelay $0x3  }
0x36: {  	p1 =	seq.s32 s10, $0x1;
	s10 =	sld [smem:$0x3FB3];
	_ =	sdelay $0x3  }
0x37: {  	[smem:$0x3FB3] =	sst s10  }
0x38: {  	s10 =	sld [smem:$0x3FB4]  }
0x39: {  	_ = 	snop;
	(pc) =	sbr.ind lr, $3  }
0x3a: {  	_ = 	snop  }
0x3b: {  	_ = 	snop  }
0x3c: {  	p2 =	seq.s32 s10, $0x1;
	s10 =	sld [smem:$0x3FB3]  }
0x3d: {  	_ =	shalt  }
0x3e: {  	_ =	shalt  }
0x3f: {  	_ =	shalt  }
0x40: {  	_ =	shalt  }
0x41: {  	_ =	shalt  }
0x42: {  	_ =	shalt  }
0x43: {  	_ =	shalt  }
0x44: {  	_ =	shalt  }
0x45: {  	_ =	shalt  }
0x46: {  	_ =	shalt  }
0x47: {  	_ =	shalt  }
0x48: {  	_ =	shalt  }
0x49: {  	_ =	shalt  }
0x4a: {  	_ =	shalt  }
0x4b: {  	_ =	shalt  }
0x4c: {  	_ =	shalt  }
0x4d: {  	_ =	shalt  }
0x4e: {  	_ =	shalt  }
0x4f: {  	_ =	shalt  }
0x50: {  	_ =	shalt  }
0x51: {  	_ =	shalt  }
0x52: {  	_ =	shalt  }
0x53: {  	_ =	shalt  }
0x54: {  	_ =	shalt  }
0x55: {  	_ =	shalt  }
0x56: {  	_ =	shalt  }
0x57: {  	_ =	shalt  }
0x58: {  	_ =	shalt  }
0x59: {  	_ =	shalt  }
0x5a: {  	_ =	shalt  }
0x5b: {  	_ =	shalt  }
0x5c: {  	_ =	shalt  }
0x5d: {  	_ =	shalt  }
0x5e: {  	_ =	shalt  }
0x5f: {  	_ =	shalt  }
0x60: {  	_ =	shalt  }
0x61: {  	_ =	shalt  }
0x62: {  	_ =	shalt  }
0x63: {  	_ =	shalt  }
0x64: {  	_ =	shalt  }
0x65: {  	_ =	shalt  }
0x66: {  	_ =	shalt  }
0x67: {  	_ =	shalt  }
0x68: {  	_ =	shalt  }
0x69: {  	_ =	shalt  }
0x6a: {  	_ =	shalt  }
0x6b: {  	_ =	shalt  }
0x6c: {  	_ =	shalt  }
0x6d: {  	_ =	shalt  }
0x6e: {  	_ =	shalt  }
0x6f: {  	_ =	shalt  }
0x70: {  	_ =	shalt  }
0x71: {  	_ =	shalt  }
0x72: {  	_ =	shalt  }
0x73: {  	_ =	shalt  }
0x74: {  	_ =	shalt  }
0x75: {  	_ =	shalt  }
0x76: {  	_ =	shalt  }
0x77: {  	_ =	shalt  }
0x78: {  	_ =	shalt  }
0x79: {  	_ =	shalt  }
0x7a: {  	_ =	shalt  }
0x7b: {  	_ =	shalt  }
0x7c: {  	_ =	shalt  }
0x7d: {  	_ =	shalt  }
0x7e: {  	_ =	shalt  }
0x7f: {  	_ =	shalt  }
0x80: {  	_ =	shalt  }
0x81: {  	_ =	shalt  }
0x82: {  	_ =	shalt  }
0x83: {  	_ =	shalt  }
0x84: {  	_ =	shalt  }
0x85: {  	_ =	shalt  }
0x86: {  	_ =	shalt  }
0x87: {  	_ =	shalt  }
.Lfunc_end0:
.L_simem_size_0:
called_computation_lowered:
.L_overlay_start_0:
0x88: {  	s2 =	sld [smem:$0x3FD9]  }
0x89: {  	s3 =	sld [smem:$0x3FFE];
	_ =	sdelay $0x1  }
0x8a: {  	s1 =	srdreg.scid  }
0x8b: {  	s0 =	sand.u32 $0x1, s1  }
0x8c: {  	s17 =	sshll.u32 s0, $0xA;
	s2 =	sadd.s32 s3, s2  }
0x8d: {  	s2 =	sadd.s32 s2, s17  }
0x8e: {  	[smem:$0x3FBF] =	sst s2  }
0x8f: {  	_ = 	snop  }
0x90: {  	s2 =	sld [smem:$0x3FC8]  }
0x91: {  	s18 =	sld [smem:$0x3FC7];
	(tm) =	ssettm $0x1  }
0x92: {  	s4 =	sld [smem:$0x3FFB];
	_ =	sdelay $0x3  }
0x93: {  	_ =	strace s4  }
0x94: {  	s4 =	sld [smem:$0x3FFC];
	_ =	sdelay $0x3  }
0x95: {  	_ =	strace s4  }
0x96: {  	s4 =	sld [smem:$0x3FFD];
	_ =	sdelay $0x3  }
0x97: {  	_ =	strace s4  }
0x98: {  	_ =	strace $0x8FFFFFFF  }
0x99: {  	s19 =	sld [smem:$0x3FDB];
	_ =	sdelay $0x1  }
0x9a: {  	s5 =	simm.s32 $_scs_section_size  }
0x9b: {  	s6 =	simm.s32 $_size__tile_overlayer_lowered;
	s7 =	simm.s32 $_tile_overlayer_lowered  }
0x9c: {  	s22 =	simm.s32 $0x1BFF;
	s21 =	sshll.u32 s7, $0x1;
	s4 =	sadd.s32 s5, s19  }
0x9d: {  	s8 =	simm.s32 $0x0;
	s20 =	sshll.u32 s6, $0x1;
	s6 =	sadd.s32 s21, s4  }
0x9e: {  	[timem:s8], [sflag:s22] =	dma.local [hbm:s6], s20  }
0x9f: {  	_ =	swait.ge [sflag:s22], s20  }
0xa0: {  	s5 =	ssub.s32 $0x0, s20;
	[sflag:s22] =	ssyncset.done $0x0  }
0xa1: {  	[sflag:s22] =	ssyncadd.s32 s5;
	_ =	sdelay $0x1  }
0xa2: {  	s23 =	simm.s32 $0x1B8B  }
0xa3: {  	_ =	swait.ge [sflag:s23], $0x1  }
0xa4: {  	[sflag:s23] =	ssyncset.done $0x0  }
0xa5: {  	s25 =	simm.s32 $0x1B8E;
	s24 =	sld [smem:$0x3FFE];
	[sflag:s23] =	ssyncadd.s32 $0xFFFFFFFF  }
0xa6: {  	s26 =	simm.s32 $execute0_lowered;
	[smem:$0x3FD2] =	sst s25  }
0xa7: {  	s6 =	sshll.u32 s26, $0x1;
	_ =	strace $0x80000046;
	[dreg:$0x1] =	wrdreg $0xFFFFFFFF  }
0xa8: {  	s28 =	simm.s32 $_size_execute0_lowered;
	s4 =	sadd.s32 s4, s6;
	[dreg:$0x0] =	wrdreg $0x0  }
0xa9: {  	s6 =	sshll.u32 s28, $0x1;
	[dreg:$0x2] =	wrdreg s4  }
0xaa: {  	[dreg:$0x3] =	wrdreg s6  }
0xab: {  	[dreg:$0x4] =	wrdreg $0xC0  }
0xac: {  	_ =	task [dreg:s8], $0x5FFFF  }
0xad: {  	[dreg:$0x1] =	wrdreg $0xFFFFFFFF  }
0xae: {  	[dreg:$0x0] =	wrdreg $0x60  }
0xaf: {  	[dreg:$0x2] =	wrdreg s18  }
0xb0: {  	[dreg:$0x3] =	wrdreg s2  }
0xb1: {  	[dreg:$0x4] =	wrdreg s24  }
0xb2: {  	[dreg:$0x5] =	wrdreg $0xA4000  }
0xb3: {  	[dreg:$0x6] =	wrdreg $0x9  }
0xb4: {  	_ =	task.clear_ibuf [dreg:s8], $0x7FFFF;
	_ =	strace $0x90000046  }
0xb5: {  	s29 =	simm.s32 $0x9;
	_ =	strace $0x80000048  }
0xb6: {  	_ =	swait.ge [sflag:s29], $0x1  }
0xb7: {  	[sflag:s29] =	ssyncadd.s32 $0xFFFFFFFF  }
0xb8: {  	_ =	strace $0x90000048  }
0xb9: {  	_ =	sfence  }
0xba: {  	s30 =	sld [smem:$0x0];
	_ =	sdelay $0x2  }
0xbb: {  	s31 =	sshll.u32 s1, $0xD;
	s1 =	sshrl.u32 s1, $0x2  }
0xbc: {  	s3 =	sand.u32 $0x4000, s31;
	s1 =	sadd.s32 s1, s30  }
0xbd: {  	s0 =	sor.u32 s3, s0;
	s1 =	sshll.u32 s1, $0x11  }
0xbe: {  	s0 =	sor.u32 s1, s0  }
0xbf: {  	s0 =	sadd.s32 $0x8F2B, s0  }
0xc0: {  	[sflag:s0] =	ssyncadd.remote.s32 $0x1  }
0xc1: {  	_ =	sfence.sel $0xFFFF  }
0xc2: {  	[dreg:$0x0] =	wrdreg $0xFFFFFFFF;
	(pc) =	sbr.abs _section_cstart, $3  }
0xc3: {  	[dreg:$0x1] =	wrdreg $0xFFFFFFFF  }
0xc4: {  	_ =	task.clear_ibuf [dreg:s8], $0x2FFFF;
	_ =	strace $0x9FFFFFFF  }
0xc5: {  	(tm) =	ssettm $0x7FFFFFFF  }
tec
execute0_lowered:
.L_overlay_start_1:
0x0: {  	(tag) =	ssettag $0x1  }
0x1: {  	s1 =	rddreg [dreg:$0x0];
	s14 =	stileid.u32  }
0x2: {  	s0 =	rddreg [dreg:$0x1];
	s7 =	smul.u32 $0x14000, s14  }
0x3: {  	s4 =	srdreg.scid;
	s25 =	smul.u32 $0x50000, s14  }
0x4: {  	s2 =	rddreg [dreg:$0x2];
	s5 =	sand.u32 $0x1, s4;
	s28 =	smul.u32 $0x4E000, s14  }
0x5: {  	s3 =	rddreg [dreg:$0x3];
	s4 =	simm.s32 $0x0;
	s6 =	smul.u32 $0x140000, s5  }
0x6: {  	s8 =	sshll.u32 s14, $0x1;
	s18 =	sadd.s32 $0x8, s0;
	s30 =	smul.u32 $0x27000, s5  }
0x7: {  	p0 =	sgt.u32 s14, $0x3;
	s13 =	sor.u32 s5, s8;
	s31 =	smul.u32 $0x4E00, s5  }
0x8: {  	[smem:$0x7FF] =	sst s4;
	s15 =	ssub.s32 $0x2, s5;
	s9 =	smul.u32 $0x27000, s13  }
0x9: {  	_ =	strace $0x80000047;
	s16 =	sshrl.u32 s15, $0x1;
	s10 =	smul.u32 $0x2700, s13  }
0xa: {  	s17 =	smul.u32 $0x9C0, s13;
	s6 =	sadd.s32 s7, s6;
	s7 =	sshll.u32 s13, $0x6  }
0xb: {  	s13 =	smul.u32 $0x9C00, s14;
	s6 =	sshrl.u32 s6, $0x3;
	s9 =	sadd.s32 s1, s9  }
0xc: {  	s11 =	sor.u32 $0x80, s10;
	s12 =	sadd.s32 s17, s18;
	s20 =	sor.u32 $0xC0, s10  }
0xd: {  	s10 =	sadd.s32 $0x100, s10;
	s8 =	sadd.s32 s0, s17;
	s26 =	sor.u32 $0x4E000, s7  }
0xe: {  	s7 =	sand.u32 $0x40, s7;
	s2 =	sadd.s32 s6, s2;
	[dreg:$0x5] =	wrdreg s9  }
0xf: {  	s6 =	ssub.s32 s15, s16;
	s9 =	sadd.s32 $0x400, s9;
	[dreg:$0x7] =	wrdreg s12  }
0x10: {  	s19 =	sshll.u32 s11, $0x4;
	s11 =	sshrl.u32 s11, $0x2;
	s21 =	sshll.u32 s20, $0x4  }
0x11: {  	s22 =	sshll.u32 s10, $0x4;
	s24 =	sshrl.u32 s10, $0x2;
	[dreg:$0xe] =	wrdreg s8  }
0x12: {  	s29 =	sshll.u32 s26, $0x1;
	s8 =	sshll.u32 s26, $0x4;
	s10 =	smul.u32 $0x4E00, s14  }
0x13: {  	s15 =	smul.u32 $0x2700, s5;
	[dreg:$0x6] =	wrdreg s9;
	s12 =	sadd.s32 s1, s19  }
0x14: {  	s5 =	simm.s32 $0x200;
	s11 =	sadd.s32 s0, s11;
	[dreg:$0x8] =	wrdreg s12  }
0x15: {  	s14 =	simm.s32 $0x40;
	s23 =	sadd.s32 s1, s22;
	[dreg:$0x9] =	wrdreg s11  }
0x16: {  	s8 =	sadd.s32 s1, s8;
	s19 =	sadd.s32 s31, s13;
	[dreg:$0xc] =	wrdreg s23  }
0x17: {  	s13 =	simm.s32 $0x6;
	s11 =	sshrl.u32 s20, $0x2;
	[dreg:$0xf] =	wrdreg s8  }
0x18: {  	s12 =	sadd.s32 s1, s21;
	s1 =	sadd.s32 s28, s1;
	[dreg:$0x12] =	wrdreg s19  }
0x19: {  	s23 =	sadd.s32 $0x1600, s2;
	s8 =	simm.s32 $0x180;
	s19 =	simm.s32 $0x5  }
0x1a: {  	s2 =	simm.s32 $0x0;
	[dreg:$0xa] =	wrdreg s12;
	s11 =	sand.u32 $0x1FFE0, s11  }
0x1b: {  	s17 =	sadd.s32 s30, s1;
	s1 =	sadd.s32 s15, s10;
	[dreg:$0x17] =	wrdreg s23  }
0x1c: {  	s9 =	sadd.s32 s11, s18;
	s11 =	sand.u32 $0x9CF00, s29;
	[dreg:$0x14] =	wrdreg s1  }
0x1d: {  	[dreg:$0xb] =	wrdreg s9;
	s9 =	sadd.s32 s0, s24;
	s7 =	sor.u32 s7, s11  }
0x1e: {  	s24 =	smax.u32 s6, $0x1;
	[dreg:$0xd] =	wrdreg s9;
	s22 =	sshrl.u32 s7, $0x3  }
0x1f: {  	s9 =	sshrl.u32 s25, $0x2;
	[dreg:$0x18] =	wrdreg s24;
	s1 =	sadd.s32 s0, s22  }
0x20: {  	s10 =	simm.s32 $0x400;
	s16 =	sadd.s32 s9, s3;
	[dreg:$0x16] =	wrdreg s1  }
0x21: {  	s12 =	simm.s32 $0x1;
	s18 =	sadd.s32 $0x2000, s16;
	[dreg:$0x10] =	wrdreg s16  }
0x22: {  	s15 =	simm.s32 $0x2;
	s20 =	sadd.s32 $0x4000, s16;
	[dreg:$0x11] =	wrdreg s18  }
0x23: {  	s23 =	simm.s32 $0xA;
	s21 =	sadd.s32 $0x6000, s16;
	[dreg:$0x13] =	wrdreg s20  }
0x24: {  	s6 =	simm.s32 $0x80;
	s25 =	sadd.s32 $0x8000, s16;
	[dreg:$0x15] =	wrdreg s21  }
0x25: {  	s11 =	simm.s32 $0xB;
	s26 =	sadd.s32 $0xA000, s16;
	[dreg:$0x19] =	wrdreg s25  }
.Ltmp0:
0x26: {  	s28 =	sadd.s32 $0xC000, s16;
	[dreg:$0x1a] =	wrdreg s26;
	(pc) =	sbr.rel .LBB2_1-.Ltmp0, $4  }
0x27: {  	s7 =	simm.s32 $0x6400;
	s29 =	sadd.s32 $0xE000, s16;
	[dreg:$0x1b] =	wrdreg s28  }
0x28: {  	s9 =	simm.s32 $0x8400;
	s30 =	sadd.s32 $0x10000, s16;
	[dreg:$0x1c] =	wrdreg s29  }
0x29: {  	s22 =	simm.s32 $0x9;
	s31 =	sadd.s32 $0x12000, s16;
	[dreg:$0x1d] =	wrdreg s30  }
0x2a: {  	v0 =	vimm.f32 $0.0e+00;
	[dreg:$0x1e] =	wrdreg s31;
	s18 =	simm.s32 $0x7;
	s20 =	simm.s32 $0x4  }
.LBB2_6:
0x2b: {  	_ =	swait.ge [sflag:s19], $0x2000  }
0x2c: {  	[sflag:s19] =	ssyncset.done $0x0  }
0x2d: {  	[sflag:s19] =	ssyncadd.s32 $0xFFFFE000  }
0x2e: {  	_ =	swait.ge [sflag:s23], $0x40  }
0x2f: {  	[sflag:s23] =	ssyncset.done $0x0  }
0x30: {  	[sflag:s23] =	ssyncadd.s32 $0xFFFFFFC0  }
0x31: {  	[spmem:s3] =	stream.indirect.scatter.add.f32 [tilespmem:s9], [sflag:$0xB], $0x80, s5, s14, $0xb8;
	[tilespmem:$0x1E400] =	vst v63  }
0x32: {  	_ =	swait.ge [sflag:s11], $0x2000  }
0x33: {  	[sflag:s11] =	ssyncset.done $0x0  }
0x34: {  	[sflag:s11] =	ssyncadd.s32 $0xFFFFE000  }
0x35: {  	_ =	swait.ge [sflag:s12], $0x2000  }
0x36: {  	[sflag:s12] =	ssyncset.done $0x0  }
0x37: {  	[sflag:s12] =	ssyncadd.s32 $0xFFFFE000  }
0x38: {  	_ =	swait.ge [sflag:s13], $0x40  }
0x39: {  	[sflag:s13] =	ssyncset.done $0x0  }
0x3a: {  	[sflag:s13] =	ssyncadd.s32 $0xFFFFFFC0  }
0x3b: {  	[spmem:s3] =	stream.indirect.scatter.add.f32 [tilespmem:s10], [sflag:$0xB], $0x80, s4, s14, $0xb8;
	[tilespmem:$0x1E400] =	vst v63  }
0x3c: {  	_ =	swait.ge [sflag:s11], $0x2000  }
0x3d: {  	s1 =	simm.s32 @!p0 $0x0;
	[sflag:s11] =	ssyncset.done $0x0  }
0x3e: {  	s2 =	simm.s32 @!p0 $0x400;
	s16 =	rddreg [dreg:$0xf];
	[sflag:s11] =	ssyncadd.s32 $0xFFFFE000  }
0x3f: {  	[tilespmem:s2], [sflag:$0x1] =	stream.linear.gather @!p0 [hbm4b:s16+s1], $0x2000, $0x38;
	[tilespmem:$0x1E400] =	vst v63  }
0x40: {  	s16 =	rddreg [dreg:$0x16]  }
0x41: {  	[tilespmem:s1], [sflag:$0x6] =	stream.linear.gather @!p0 [hbm4b:s16+s1], $0x40, $0x38;
	[tilespmem:$0x1E400] =	vst v63  }
0x42: {  	s16 =	simm.s32 @!p0 $0x1  }
0x43: {  	_ =	swait.ge @!p0 [sflag:s16], $0x2000  }
0x44: {  	[sflag:s16] =	ssyncset.done @!p0 $0x0  }
0x45: {  	[sflag:s16] =	ssyncadd.s32 @!p0 $0xFFFFE000;
	s16 =	simm.s32 @!p0 $0x6  }
0x46: {  	_ =	swait.ge @!p0 [sflag:s16], $0x40  }
0x47: {  	[sflag:s16] =	ssyncset.done @!p0 $0x0  }
0x48: {  	[sflag:s16] =	ssyncadd.s32 @!p0 $0xFFFFFFC0;
	s16 =	simm.s32 @!p0 $0x40  }
0x49: {  	[spmem:s3] =	stream.indirect.scatter.add.f32 @!p0 [tilespmem:s2], [sflag:$0xB], $0x80, s1, s16, $0xb8;
	[tilespmem:$0x1E400] =	vst v63  }
0x4a: {  	s1 =	simm.s32 @!p0 $0xB  }
0x4b: {  	_ =	swait.ge @!p0 [sflag:s1], $0x2000  }
0x4c: {  	[sflag:s1] =	ssyncset.done @!p0 $0x0  }
0x4d: {  	[sflag:s1] =	ssyncadd.s32 @!p0 $0xFFFFE000  }
0x4e: {  	s28 =	stileid.u32;
	[bflag:$0x0] =	sbarrier.arrive $0xFFFF  }
0x4f: {  	s1 =	sshll.u32 s28, $0x6;
	s16 =	rddreg [dreg:$0x10]  }
0x50: {  	s1 =	sor.u32 $0x1C0B, s1;
	s21 =	rddreg [dreg:$0x17];
	s29 =	sshrl.u32 s16, $0x3  }
0x51: {  	[hbm:s21], [sflag:s1] =	dma.local [spmem:s29], $0x2800  }
0x52: {  	_ =	swait.ge [sflag:s11], $0x2800  }
0x53: {  	s30 =	rddreg [dreg:$0x1f]  }
0x54: {  	s31 =	rddreg [dreg:$0x18];
	s2 =	sadd.s32 $0x1, s30  }
0x55: {  	p1 =	sne.s32 s2, s31  }
.Ltmp1:
0x56: {  	_ = 	snop;
	(pc) =	sbr.rel @!p1 .LBB2_7-.Ltmp1, $3  }
0x57: {  	_ =	sdelay $0x1  }
0x58: {  	[sflag:s11] =	ssyncset.done $0x0  }
0x59: {  	[sflag:s11] =	ssyncadd.s32 $0xFFFFD800  }
.LBB2_1:
0x5a: {  	[dreg:$0x1f] =	wrdreg s2  }
0x5b: {  	s1 =	rddreg [dreg:$0x6]  }
0x5c: {  	s30 =	simm.s32 $0x2400;
	s31 =	rddreg [dreg:$0x7]  }
0x5d: {  	[tilespmem:s30], [sflag:$0x2] =	stream.linear.gather [hbm4b:s1+s4], $0x2000, $0x38;
	[tilespmem:$0x1E400] =	vst v63  }
0x5e: {  	s2 =	rddreg [dreg:$0x8]  }
0x5f: {  	[tilespmem:s6], [sflag:$0x7] =	stream.linear.gather [hbm4b:s31+s4], $0x40, $0x38;
	[tilespmem:$0x1E400] =	vst v63  }
0x60: {  	s21 =	simm.s32 $0x4400;
	s24 =	rddreg [dreg:$0x9]  }
0x61: {  	[tilespmem:s21], [sflag:$0x3] =	stream.linear.gather [hbm4b:s2+s4], $0x2000, $0x38;
	[tilespmem:$0x1E400] =	vst v63  }
0x62: {  	s25 =	simm.s32 $0x100;
	s26 =	rddreg [dreg:$0xa]  }
0x63: {  	[tilespmem:s25], [sflag:$0x8] =	stream.linear.gather [hbm4b:s24+s4], $0x40, $0x38;
	[tilespmem:$0x1E400] =	vst v63  }
0x64: {  	s28 =	rddreg [dreg:$0xb]  }
0x65: {  	[tilespmem:s7], [sflag:$0x4] =	stream.linear.gather [hbm4b:s26+s4], $0x2000, $0x38;
	[tilespmem:$0x1E400] =	vst v63  }
0x66: {  	s29 =	rddreg [dreg:$0xc]  }
0x67: {  	[tilespmem:s8], [sflag:$0x9] =	stream.linear.gather [hbm4b:s28+s4], $0x40, $0x38;
	[tilespmem:$0x1E400] =	vst v63  }
0x68: {  	s30 =	rddreg [dreg:$0xd];
	s24 =	sand.u32 $0x7E00, s4  }
0x69: {  	[tilespmem:s9], [sflag:$0x5] =	stream.linear.gather [hbm4b:s29+s4], $0x2000, $0x38;
	[tilespmem:$0x1E400] =	vst v63  }
0x6a: {  	s31 =	rddreg [dreg:$0xe];
	s25 =	sand.u32 $0x70, s4;
	s26 =	sshrl.u32 s24, $0x2  }
0x6b: {  	[tilespmem:s5], [sflag:$0xA] =	stream.linear.gather [hbm4b:s30+s4], $0x40, $0x38;
	[tilespmem:$0x1E400] =	vst v63  }
0x6c: {  	s24 =	simm.s32 $0x40;
	s26 =	sor.u32 s25, s26;
	s25 =	simm.s32 $0x0  }
0x6d: {  	[tilespmem:s4], [sflag:$0x6] =	stream.linear.gather [hbm4b:s31+s4], $0x40, $0x38;
	[tilespmem:$0x1E400] =	vst v63  }
.LBB2_2:
0x6e: {  	p1 =	sne.s32 s24, $0x7FC0  }
0x6f: {  	[tilespmem:s26+$0x400] =	vst v0;
	s25 =	sadd.s32 $0x10, s25;
	s26 =	smov.u32 s24;
	s24 =	sadd.s32 $0x40, s24  }
.Ltmp2:
0x70: {  	(pc) =	sbr.rel @p1 .LBB2_2-.Ltmp2, $4  }
0x71: {  	_ = 	snop  }
0x72: {  	s26 =	sand.u32 $0x7E00, s26  }
0x73: {  	s28 =	sand.u32 $0x70, s25;
	s26 =	sshrl.u32 s26, $0x2  }
0x74: {  	s26 =	sor.u32 s28, s26  }
0x75: {  	[tilespmem:s26+$0x400] =	vst v0  }
0x76: {  	[spmem:s16] =	stream.linear.scatter [tilespmem:s10], [sflag:$0xB], $0x2000, $0x38;
	[tilespmem:$0x1E400] =	vst v63  }
0x77: {  	_ =	swait.ge [sflag:s11], $0x2000  }
0x78: {  	[sflag:s11] =	ssyncset.done $0x0  }
0x79: {  	s1 =	rddreg [dreg:$0x11];
	[sflag:s11] =	ssyncadd.s32 $0xFFFFE000  }
0x7a: {  	[spmem:s1] =	stream.linear.scatter [tilespmem:s10], [sflag:$0xB], $0x2000, $0x38;
	[tilespmem:$0x1E400] =	vst v63  }
0x7b: {  	_ =	swait.ge [sflag:s11], $0x2000  }
0x7c: {  	[sflag:s11] =	ssyncset.done $0x0  }
0x7d: {  	s16 =	rddreg [dreg:$0x13];
	[sflag:s11] =	ssyncadd.s32 $0xFFFFE000  }
0x7e: {  	[spmem:s16] =	stream.linear.scatter [tilespmem:s10], [sflag:$0xB], $0x2000, $0x38;
	[tilespmem:$0x1E400] =	vst v63  }
0x7f: {  	_ =	swait.ge [sflag:s11], $0x2000  }
0x80: {  	[sflag:s11] =	ssyncset.done $0x0  }
0x81: {  	s21 =	rddreg [dreg:$0x15];
	[sflag:s11] =	ssyncadd.s32 $0xFFFFE000  }
0x82: {  	[spmem:s21] =	stream.linear.scatter [tilespmem:s10], [sflag:$0xB], $0x2000, $0x38;
	[tilespmem:$0x1E400] =	vst v63  }
0x83: {  	_ =	swait.ge [sflag:s11], $0x2000  }
0x84: {  	[sflag:s11] =	ssyncset.done $0x0  }
0x85: {  	s24 =	rddreg [dreg:$0x19];
	[sflag:s11] =	ssyncadd.s32 $0xFFFFE000  }
0x86: {  	[spmem:s24] =	stream.linear.scatter [tilespmem:s10], [sflag:$0xB], $0x2000, $0x38;
	[tilespmem:$0x1E400] =	vst v63  }
0x87: {  	_ =	swait.ge [sflag:s11], $0x2000  }
0x88: {  	[sflag:s11] =	ssyncset.done $0x0  }
0x89: {  	s25 =	rddreg [dreg:$0x1a];
	[sflag:s11] =	ssyncadd.s32 $0xFFFFE000  }
0x8a: {  	[spmem:s25] =	stream.linear.scatter [tilespmem:s10], [sflag:$0xB], $0x2000, $0x38;
	[tilespmem:$0x1E400] =	vst v63  }
0x8b: {  	_ =	swait.ge [sflag:s11], $0x2000  }
0x8c: {  	[sflag:s11] =	ssyncset.done $0x0  }
0x8d: {  	s26 =	rddreg [dreg:$0x1b];
	[sflag:s11] =	ssyncadd.s32 $0xFFFFE000  }
0x8e: {  	[spmem:s26] =	stream.linear.scatter [tilespmem:s10], [sflag:$0xB], $0x2000, $0x38;
	[tilespmem:$0x1E400] =	vst v63  }
0x8f: {  	_ =	swait.ge [sflag:s11], $0x2000  }
0x90: {  	[sflag:s11] =	ssyncset.done $0x0  }
0x91: {  	s28 =	rddreg [dreg:$0x1c];
	[sflag:s11] =	ssyncadd.s32 $0xFFFFE000  }
0x92: {  	[spmem:s28] =	stream.linear.scatter [tilespmem:s10], [sflag:$0xB], $0x2000, $0x38;
	[tilespmem:$0x1E400] =	vst v63  }
0x93: {  	_ =	swait.ge [sflag:s11], $0x2000  }
0x94: {  	[sflag:s11] =	ssyncset.done $0x0  }
0x95: {  	s29 =	rddreg [dreg:$0x1d];
	[sflag:s11] =	ssyncadd.s32 $0xFFFFE000  }
0x96: {  	[spmem:s29] =	stream.linear.scatter [tilespmem:s10], [sflag:$0xB], $0x2000, $0x38;
	[tilespmem:$0x1E400] =	vst v63  }
0x97: {  	_ =	swait.ge [sflag:s11], $0x2000  }
0x98: {  	[sflag:s11] =	ssyncset.done $0x0  }
0x99: {  	s30 =	rddreg [dreg:$0x1e];
	[sflag:s11] =	ssyncadd.s32 $0xFFFFE000  }
0x9a: {  	[spmem:s30] =	stream.linear.scatter [tilespmem:s10], [sflag:$0xB], $0x2000, $0x38;
	[tilespmem:$0x1E400] =	vst v63  }
0x9b: {  	_ =	swait.ge [sflag:s11], $0x2000  }
0x9c: {  	[sflag:s11] =	ssyncset.done $0x0  }
0x9d: {  	[sflag:s11] =	ssyncadd.s32 $0xFFFFE000  }
0x9e: {  	[bflag:$0x0] =	sbarrier.arrive $0xFFFF  }
0x9f: {  	s31 =	rddreg [dreg:$0x5]  }
0xa0: {  	s25 =	rddreg [dreg:$0x14]  }
0xa1: {  	s24 =	simm.s32 $0x0;
	s26 =	rddreg [dreg:$0x12]  }
0xa2: {  	[tilespmem:s10], [sflag:$0x1] =	stream.linear.gather [hbm4b:s31+s24], $0x2000, $0x38;
	[tilespmem:$0x1E400] =	vst v63  }
.LBB2_4:
0xa3: {  	_ =	swait.ge [sflag:s12], $0x2000  }
0xa4: {  	[sflag:s12] =	ssyncset.done $0x0  }
0xa5: {  	[sflag:s12] =	ssyncadd.s32 $0xFFFFE000  }
0xa6: {  	_ =	swait.ge [sflag:s13], $0x40  }
0xa7: {  	[sflag:s13] =	ssyncset.done $0x0  }
0xa8: {  	[sflag:s13] =	ssyncadd.s32 $0xFFFFFFC0  }
0xa9: {  	[spmem:s3] =	stream.indirect.scatter.add.f32 [tilespmem:s10], [sflag:$0xB], $0x80, s4, s14, $0xb8;
	[tilespmem:$0x1E400] =	vst v63  }
0xaa: {  	_ =	swait.ge [sflag:s11], $0x2000  }
0xab: {  	s30 =	sadd.s32 s24, s17;
	[sflag:s11] =	ssyncset.done $0x0  }
0xac: {  	s28 =	sadd.s32 $0x1400, s30;
	[sflag:s11] =	ssyncadd.s32 $0xFFFFE000  }
0xad: {  	[tilespmem:s10], [sflag:$0x1] =	stream.linear.gather [hbm4b:s28+s4], $0x2000, $0x38;
	[tilespmem:$0x1E400] =	vst v63  }
0xae: {  	s29 =	sadd.s32 $0x280, s26;
	s28 =	sadd.s32 $0x140, s25  }
0xaf: {  	s31 =	sand.u32 $0xFFFFFF00, s29;
	s1 =	sand.u32 $0x40, s28  }
0xb0: {  	s1 =	sor.u32 s1, s31  }
0xb1: {  	s1 =	sshrl.u32 s1, $0x3  }
0xb2: {  	s1 =	sadd.s32 s0, s1  }
0xb3: {  	[tilespmem:s4], [sflag:$0x6] =	stream.linear.gather [hbm4b:s1+s4], $0x40, $0x38;
	[tilespmem:$0x1E400] =	vst v63  }
0xb4: {  	_ =	swait.ge [sflag:s15], $0x2000  }
0xb5: {  	[sflag:s15] =	ssyncset.done $0x0  }
0xb6: {  	[sflag:s15] =	ssyncadd.s32 $0xFFFFE000  }
0xb7: {  	_ =	swait.ge [sflag:s18], $0x40  }
0xb8: {  	[sflag:s18] =	ssyncset.done $0x0  }
0xb9: {  	s31 =	simm.s32 $0x2400;
	[sflag:s18] =	ssyncadd.s32 $0xFFFFFFC0  }
0xba: {  	[spmem:s3] =	stream.indirect.scatter.add.f32 [tilespmem:s31], [sflag:$0xB], $0x80, s6, s14, $0xb8;
	[tilespmem:$0x1E400] =	vst v63  }
0xbb: {  	_ =	swait.ge [sflag:s11], $0x2000  }
0xbc: {  	p1 =	seq.s32 s24, $0x25800;
	[sflag:s11] =	ssyncset.done $0x0  }
0xbd: {  	s1 =	simm.s32 @p1 $0x3;
	[sflag:s11] =	ssyncadd.s32 $0xFFFFE000  }
0xbe: {  	_ =	swait.ge @p1 [sflag:s1], $0x2000  }
0xbf: {  	[sflag:s1] =	ssyncset.done @p1 $0x0  }
0xc0: {  	[sflag:s1] =	ssyncadd.s32 @p1 $0xFFFFE000;
	s1 =	simm.s32 @p1 $0x8  }
0xc1: {  	_ =	swait.ge @p1 [sflag:s1], $0x40  }
0xc2: {  	s16 =	simm.s32 @p1 $0x4400;
	[sflag:s1] =	ssyncset.done @p1 $0x0  }
0xc3: {  	s31 =	simm.s32 @p1 $0x100;
	[sflag:s1] =	ssyncadd.s32 @p1 $0xFFFFFFC0;
	s1 =	simm.s32 @p1 $0x40  }
0xc4: {  	[spmem:s3] =	stream.indirect.scatter.add.f32 @p1 [tilespmem:s16], [sflag:$0xB], $0x80, s31, s1, $0xb8;
	[tilespmem:$0x1E400] =	vst v63  }
0xc5: {  	s1 =	simm.s32 @p1 $0xB  }
0xc6: {  	_ =	swait.ge @p1 [sflag:s1], $0x2000  }
0xc7: {  	[sflag:s1] =	ssyncset.done @p1 $0x0  }
0xc8: {  	[sflag:s1] =	ssyncadd.s32 @p1 $0xFFFFE000;
	s1 =	sadd.s32 @!p1 s24, s17  }
0xc9: {  	s21 =	simm.s32 @!p1 $0x2400;
	s31 =	simm.s32 @!p1 $0x0;
	s16 =	sadd.s32 @!p1 $0x1800, s1  }
0xca: {  	[tilespmem:s21], [sflag:$0x2] =	stream.linear.gather @!p1 [hbm4b:s16+s31], $0x2000, $0x38;
	[tilespmem:$0x1E400] =	vst v63  }
0xcb: {  	s16 =	sadd.s32 @!p1 $0x300, s26  }
0xcc: {  	s21 =	sand.u32 @!p1 $0x40, s25;
	s16 =	sand.u32 @!p1 $0xFFFFFF00, s16  }
0xcd: {  	s16 =	sor.u32 @!p1 s21, s16  }
0xce: {  	s16 =	sshrl.u32 @!p1 s16, $0x3  }
0xcf: {  	s21 =	simm.s32 @!p1 $0x80;
	s16 =	sadd.s32 @!p1 s0, s16  }
0xd0: {  	[tilespmem:s21], [sflag:$0x7] =	stream.linear.gather @!p1 [hbm4b:s16+s31], $0x40, $0x38;
	[tilespmem:$0x1E400] =	vst v63  }
0xd1: {  	s16 =	simm.s32 @!p1 $0x3  }
0xd2: {  	_ =	swait.ge @!p1 [sflag:s16], $0x2000  }
0xd3: {  	[sflag:s16] =	ssyncset.done @!p1 $0x0  }
0xd4: {  	[sflag:s16] =	ssyncadd.s32 @!p1 $0xFFFFE000;
	s16 =	simm.s32 @!p1 $0x8  }
0xd5: {  	_ =	swait.ge @!p1 [sflag:s16], $0x40  }
0xd6: {  	s2 =	simm.s32 @!p1 $0x4400;
	[sflag:s16] =	ssyncset.done @!p1 $0x0  }
0xd7: {  	s21 =	simm.s32 @!p1 $0x100;
	[sflag:s16] =	ssyncadd.s32 @!p1 $0xFFFFFFC0;
	s16 =	simm.s32 @!p1 $0x40  }
0xd8: {  	[spmem:s3] =	stream.indirect.scatter.add.f32 @!p1 [tilespmem:s2], [sflag:$0xB], $0x80, s21, s16, $0xb8;
	[tilespmem:$0x1E400] =	vst v63  }
0xd9: {  	s16 =	simm.s32 @!p1 $0xB  }
0xda: {  	_ =	swait.ge @!p1 [sflag:s16], $0x2000  }
0xdb: {  	[sflag:s16] =	ssyncset.done @!p1 $0x0  }
0xdc: {  	s1 =	sadd.s32 @!p1 $0x1C00, s1;
	[sflag:s16] =	ssyncadd.s32 @!p1 $0xFFFFE000  }
0xdd: {  	[tilespmem:s2], [sflag:$0x3] =	stream.linear.gather @!p1 [hbm4b:s1+s31], $0x2000, $0x38;
	[tilespmem:$0x1E400] =	vst v63  }
0xde: {  	s1 =	sadd.s32 @!p1 $0x1C0, s25;
	s2 =	sadd.s32 @!p1 $0x380, s26  }
0xdf: {  	s2 =	sand.u32 @!p1 $0xFFFFFF00, s2;
	s1 =	sand.u32 @!p1 $0x40, s1  }
0xe0: {  	s1 =	sor.u32 @!p1 s1, s2  }
0xe1: {  	s1 =	sshrl.u32 @!p1 s1, $0x3  }
0xe2: {  	s1 =	sadd.s32 @!p1 s0, s1  }
0xe3: {  	[tilespmem:s21], [sflag:$0x8] =	stream.linear.gather @!p1 [hbm4b:s1+s31], $0x40, $0x38;
	[tilespmem:$0x1E400] =	vst v63  }
0xe4: {  	_ =	swait.ge [sflag:s20], $0x2000  }
0xe5: {  	[sflag:s20] =	ssyncset.done $0x0  }
0xe6: {  	[sflag:s20] =	ssyncadd.s32 $0xFFFFE000  }
0xe7: {  	_ =	swait.ge [sflag:s22], $0x40  }
0xe8: {  	[sflag:s22] =	ssyncset.done $0x0  }
.Ltmp3:
0xe9: {  	[sflag:s22] =	ssyncadd.s32 $0xFFFFFFC0;
	(pc) =	sbr.rel @p1 .LBB2_6-.Ltmp3, $4  }
0xea: {  	[spmem:s3] =	stream.indirect.scatter.add.f32 [tilespmem:s7], [sflag:$0xB], $0x80, s8, s14, $0xb8;
	[tilespmem:$0x1E400] =	vst v63  }
0xeb: {  	_ =	swait.ge [sflag:s11], $0x2000  }
0xec: {  	[sflag:s11] =	ssyncset.done $0x0  }
0xed: {  	[sflag:s11] =	ssyncadd.s32 $0xFFFFE000  }
0xee: {  	s1 =	sadd.s32 $0x2000, s30;
	s16 =	sadd.s32 $0x400, s26  }
0xef: {  	[tilespmem:s7], [sflag:$0x4] =	stream.linear.gather [hbm4b:s1+s4], $0x2000, $0x38;
	[tilespmem:$0x1E400] =	vst v63  }
0xf0: {  	s2 =	sand.u32 $0x40, s25;
	s1 =	sand.u32 $0xFFFFFF00, s16  }
0xf1: {  	s1 =	sor.u32 s2, s1  }
0xf2: {  	s1 =	sshrl.u32 s1, $0x3  }
0xf3: {  	s1 =	sadd.s32 s0, s1  }
0xf4: {  	[tilespmem:s8], [sflag:$0x9] =	stream.linear.gather [hbm4b:s1+s4], $0x40, $0x38;
	[tilespmem:$0x1E400] =	vst v63  }
0xf5: {  	_ =	swait.ge [sflag:s19], $0x2000  }
0xf6: {  	[sflag:s19] =	ssyncset.done $0x0  }
0xf7: {  	[sflag:s19] =	ssyncadd.s32 $0xFFFFE000  }
0xf8: {  	_ =	swait.ge [sflag:s23], $0x40  }
0xf9: {  	s21 =	sadd.s32 $0x2400, s30;
	[sflag:s23] =	ssyncset.done $0x0  }
0xfa: {  	s30 =	sadd.s32 $0x240, s25;
	s31 =	sadd.s32 $0x480, s26;
	[sflag:s23] =	ssyncadd.s32 $0xFFFFFFC0  }
0xfb: {  	[spmem:s3] =	stream.indirect.scatter.add.f32 [tilespmem:s9], [sflag:$0xB], $0x80, s5, s14, $0xb8;
	[tilespmem:$0x1E400] =	vst v63  }
0xfc: {  	s2 =	sand.u32 $0xFFFFFF00, s31;
	s1 =	sand.u32 $0x40, s30;
	_ =	swait.ge [sflag:s11], $0x2000  }
.Ltmp4:
0xfd: {  	s1 =	sor.u32 s1, s2;
	[sflag:s11] =	ssyncset.done $0x0;
	(pc) =	sbr.rel .LBB2_4-.Ltmp4, $4  }
0xfe: {  	s24 =	sadd.s32 $0x1400, s24;
	s1 =	sshrl.u32 s1, $0x3;
	[sflag:s11] =	ssyncadd.s32 $0xFFFFE000  }
0xff: {  	[tilespmem:s9], [sflag:$0x5] =	stream.linear.gather [hbm4b:s21+s4], $0x2000, $0x38;
	[tilespmem:$0x1E400] =	vst v63  }
0x100: {  	s25 =	smov.u32 s28;
	s26 =	smov.u32 s29;
	s1 =	sadd.s32 s0, s1  }
0x101: {  	[tilespmem:s5], [sflag:$0xA] =	stream.linear.gather [hbm4b:s1+s4], $0x40, $0x38;
	[tilespmem:$0x1E400] =	vst v63  }
.LBB2_7:
0x102: {  	_ =	sfence.sel $0x180000  }
0x103: {  	[bflag:$0x0] =	sbarrier.arrive $0xFFFF  }
0x104: {  	_ =	strace $0x90000047  }
0x105: {  	s0 =	stileid.u32;
	[bflag:$0x2] =	sbarrier.arrive $0xFFFF  }
0x106: {  	p0 =	sne.s32 s0, $0x0;
	s0 =	rddreg [dreg:$0x4]  }
0x107: {  	s0 =	sadd.s32 @!p0 $0x100000, s0  }
0x108: {  	[sflag:s0] =	ssyncadd.tile.s32 @!p0 $0x1;
	_ =	shalt  }
.Lfunc_end2:
_tile_overlayer_lowered:
.L_overlay_start_2:
0x109: {  	(tag) =	ssettag $0x2  }
0x10a: {  	s0 =	rddreg [dreg:$0x0];
	s2 =	stileid.u32  }
0x10b: {  	s1 =	rddreg [dreg:$0x1];
	p0 =	sne.s32 s2, $0x0  }
0x10c: {  	s3 =	rddreg [dreg:$0x2];
	[bflag:$0x3] =	sbarrier.arrive $0xFFFF;
	s2 =	simm.s32 @!p0 $0x1C0B  }
0x10d: {  	[timem:s3], [sflag:s2] =	dma.local @!p0 [hbm:s0], s1  }
0x10e: {  	s0 =	simm.s32 @!p0 $0xB  }
0x10f: {  	_ =	swait.ge @!p0 [sflag:s0], s1  }
0x110: {  	s1 =	ssub.s32 @!p0 $0x0, s1;
	[sflag:s0] =	ssyncset.done @!p0 $0x0  }
0x111: {  	[sflag:s0] =	ssyncadd.s32 @!p0 s1  }
0x112: {  	[bflag:$0x3] =	sbarrier.arrive $0xFFFF  }
0x113: {  	_ =	shalt  }

</sc_bundles>
